<compile_context>
chip_gen: v7x
topology: tpu7x:2x2x1
jax: 0.10.2.dev20260603
libtpu: 0.0.44.dev20260713+nightly
codegen_flags: <defaults>
</compile_context>

<pallas_src>
import functools

import jax
import jax.numpy as jnp
from jax import lax
from jax.experimental import pallas as pl
from jax.experimental.pallas import tpu as pltpu
from jax.experimental.pallas import tpu_sc as plsc

_R = 8
_NW = 32
_LANES = 16
_B = 4
_P = 3


def kernel(x, pe_table):
    B, S, D = x.shape
    rows_per_w = S // _NW
    n_chunks = rows_per_w // _R
    n_blocks = (n_chunks - 2) // _P

    pe = pe_table[:S]

    mesh = plsc.VectorSubcoreMesh(core_axis_name="c", subcore_axis_name="s")

    vmem = lambda: pltpu.VMEM((_R, D), jnp.float32)
    sem = pltpu.SemaphoreType.DMA

    @functools.partial(
        pl.kernel,
        mesh=mesh,
        out_type=jax.ShapeDtypeStruct((B, S, D), jnp.float32),
        scratch_types=(
            [vmem() for _ in range(_P)]
            + [vmem() for _ in range(_P * _B)]
            + [sem] * (3 * _P)
        ),
        compiler_params=pltpu.CompilerParams(
            use_tc_tiling_on_sc=True, skip_device_barrier=True),
    )
    def sc_add(x_hbm, pe_hbm, out_hbm, pb0, pb1, pb2,
               xa0, xa1, xa2, xa3, xb0, xb1, xb2, xb3, xc0, xc1, xc2, xc3,
               ps0, ps1, ps2, gs0, gs1, gs2, ss0, ss1, ss2):
        pebufs = (pb0, pb1, pb2)
        xbufs = ((xa0, xa1, xa2, xa3), (xb0, xb1, xb2, xb3),
                 (xc0, xc1, xc2, xc3))
        psems = (ps0, ps1, ps2)
        gsems = (gs0, gs1, gs2)
        ssems = (ss0, ss1, ss2)

        wid = lax.axis_index("s") * 2 + lax.axis_index("c")
        base = wid * rows_per_w

        def pe_slice(g):
            return pe_hbm.at[pl.ds(base + g * _R, _R)]

        def x_slice(g, b):
            return x_hbm.at[b, pl.ds(base + g * _R, _R)]

        def out_slice(g, b):
            return out_hbm.at[b, pl.ds(base + g * _R, _R)]

        def issue_gathers(g, par):
            for b in range(_B):
                pltpu.async_copy(x_slice(g, b), xbufs[par][b], gsems[par])

        def wait_gathers(g, par):
            for b in range(_B):
                pltpu.make_async_copy(
                    x_slice(g, b), xbufs[par][b], gsems[par]).wait()

        def wait_scatters(g, par):
            for b in range(_B):
                pltpu.make_async_copy(
                    out_slice(g, b), xbufs[par][b], ssems[par]).wait()

        def issue_scatters(g, par):
            for b in range(_B):
                pltpu.async_copy(xbufs[par][b], out_slice(g, b), ssems[par])

        def add_chunk(par):
            bufs = xbufs[par]
            peb = pebufs[par]

            def add_body(i, _):
                r = i >> 4
                cb = (i & 15) * (D // 16)
                for k in range(4):
                    o = cb + k * _LANES
                    vpe = peb[r, pl.ds(o, _LANES)]
                    for b in range(_B):
                        bufs[b][r, pl.ds(o, _LANES)] = (
                            bufs[b][r, pl.ds(o, _LANES)] + vpe
                        )
                return 0

            lax.fori_loop(0, _R * D // (_LANES * 4), add_body, 0)

        def chunk_step(g, par, first, pe_pred, gather_pred):
            npar = (par + 2) % _P
            pltpu.make_async_copy(pe_slice(g), pebufs[par], psems[par]).wait()
            wait_gathers(g, par)
            add_chunk(par)
            issue_scatters(g, par)
            if not first:
                wait_scatters(g - 1, npar)
            if gather_pred is True:
                issue_gathers(g + 2, npar)
            elif gather_pred is not None:
                @pl.when(gather_pred)
                def _():
                    issue_gathers(g + 2, npar)
            if pe_pred is True:
                pltpu.async_copy(pe_slice(g + _P), pebufs[par], psems[par])
            elif pe_pred is not None:
                @pl.when(pe_pred)
                def _():
                    pltpu.async_copy(pe_slice(g + _P), pebufs[par], psems[par])

        pltpu.async_copy(pe_slice(0), pb0, ps0)
        pltpu.async_copy(pe_slice(1), pb1, ps1)
        pltpu.async_copy(pe_slice(2), pb2, ps2)
        issue_gathers(0, 0)
        issue_gathers(1, 1)

        chunk_step(0, 0, first=True, pe_pred=True, gather_pred=True)
        chunk_step(1, 1, first=False, pe_pred=True, gather_pred=True)

        def block_body(gg, _):
            for j in range(_P):
                g = gg * _P + 2 + j
                par = (2 + j) % _P
                more = gg < n_blocks - 1
                chunk_step(g, par, first=False,
                           pe_pred=more, gather_pred=True if j == 0 else more)
            return 0

        lax.fori_loop(0, n_blocks, block_body, 0)

        wait_scatters(n_chunks - 1, (n_chunks - 1) % _P)

    return sc_add(x, pe)

# --- scband reference (transcript-rebuilt; emitter-appended) ---
"""Pipeline reference for scband-positional-encoding-12232066859145 (READ-ONLY COPY).

The authoritative reference and input builder live on the scoring server;
editing this copy changes nothing except your own understanding.
"""

import jax, jax.numpy as jnp
import numpy as np

D_MODEL = 1024
MAX_LEN = 8192
BATCH = 4
SEQ_LEN = 8192


def setup_inputs(seed: int = 0) -> dict:
    key = jax.random.key(seed)
    k1, k2 = jax.random.split(key)
    x = jax.random.normal(k1, (BATCH, SEQ_LEN, D_MODEL), dtype=jnp.float32)
    # learned positional embedding table, init std=0.02 like nn.init.normal_
    pe_table = jax.random.normal(k2, (MAX_LEN, D_MODEL), dtype=jnp.float32) * 0.02
    return {"x": x, "pe_table": pe_table}


def reference(x, pe_table):
    # LearnedPositionalEncoding.forward (dropout p=0.0 -> identity)
    seq_len = x.shape[1]
    positions = jnp.arange(seq_len, dtype=jnp.int32)
    pos_emb = jnp.take(pe_table, positions, axis=0)  # embedding lookup -> gather
    out = x + pos_emb[None, :, :]
    return out

if __name__ == "__main__":
    import jax
    _d = setup_inputs()
    print(jax.jit(kernel)(*tuple(_d.values())))

</pallas_src>

<mosaic_0001>
#map = affine_map<(d0, d1) -> (0, 0, 0)>
#map1 = affine_map<(d0, d1) -> (0, 0)>
module attributes {stable_mosaic.version = 14 : i64} {
  func.func @sc_add(%arg0: i32, %arg1: i32, %arg2: memref<4x8192x1024xf32, #tpu.memory_space<hbm>>, %arg3: memref<8192x1024xf32, #tpu.memory_space<hbm>>, %arg4: memref<4x8192x1024xf32, #tpu.memory_space<hbm>>, %arg5: memref<8x1024xf32, #tpu.memory_space<vmem>>, %arg6: memref<8x1024xf32, #tpu.memory_space<vmem>>, %arg7: memref<8x1024xf32, #tpu.memory_space<vmem>>, %arg8: memref<8x1024xf32, #tpu.memory_space<vmem>>, %arg9: memref<8x1024xf32, #tpu.memory_space<vmem>>, %arg10: memref<8x1024xf32, #tpu.memory_space<vmem>>, %arg11: memref<8x1024xf32, #tpu.memory_space<vmem>>, %arg12: memref<8x1024xf32, #tpu.memory_space<vmem>>, %arg13: memref<8x1024xf32, #tpu.memory_space<vmem>>, %arg14: memref<8x1024xf32, #tpu.memory_space<vmem>>, %arg15: memref<8x1024xf32, #tpu.memory_space<vmem>>, %arg16: memref<8x1024xf32, #tpu.memory_space<vmem>>, %arg17: memref<8x1024xf32, #tpu.memory_space<vmem>>, %arg18: memref<8x1024xf32, #tpu.memory_space<vmem>>, %arg19: memref<8x1024xf32, #tpu.memory_space<vmem>>, %arg20: memref<!tpu.dma_semaphore, #tpu.memory_space<semaphore_mem>>, %arg21: memref<!tpu.dma_semaphore, #tpu.memory_space<semaphore_mem>>, %arg22: memref<!tpu.dma_semaphore, #tpu.memory_space<semaphore_mem>>, %arg23: memref<!tpu.dma_semaphore, #tpu.memory_space<semaphore_mem>>, %arg24: memref<!tpu.dma_semaphore, #tpu.memory_space<semaphore_mem>>, %arg25: memref<!tpu.dma_semaphore, #tpu.memory_space<semaphore_mem>>, %arg26: memref<!tpu.dma_semaphore, #tpu.memory_space<semaphore_mem>>, %arg27: memref<!tpu.dma_semaphore, #tpu.memory_space<semaphore_mem>>, %arg28: memref<!tpu.dma_semaphore, #tpu.memory_space<semaphore_mem>>) attributes {dimension_semantics = [#tpu.dimension_semantics<core_parallel>, #tpu.dimension_semantics<subcore_parallel>], iteration_bounds = array<i64: 2, 16>, scalar_prefetch = 0 : i64, scratch_operands = 24 : i64, tpu.core_type = #tpu.core_type<sc_vector_subcore>, window_params = [{transform_indices = #map}, {transform_indices = #map1}, {transform_indices = #map}]} {
    %mul3A = arith.constant 2 : i32
    %mul3A_0 = arith.muli %arg1, %mul3A : i32
    %add3A = arith.addi %mul3A_0, %arg0 : i32
    %mul3A_1 = arith.constant 256 : i32
    %mul3A_2 = arith.muli %add3A, %mul3A_1 : i32
    %add3A_3 = arith.constant 0 : i32
    %add3A_4 = arith.addi %mul3A_2, %add3A_3 : i32
    %dma_start3A = arith.constant 0 : i32
    %dma_start3A_5 = tpu.memref_slice %arg3[%add3A_4, %dma_start3A] : memref<8192x1024xf32, #tpu.memory_space<hbm>> -> memref<8x1024xf32, #tpu.memory_space<hbm>>
    %dma_start3A_6 = arith.constant 0 : i32
    %dma_start3A_7 = tpu.memref_slice %arg3[%add3A_4, %dma_start3A_6] : memref<8192x1024xf32, #tpu.memory_space<hbm>> -> memref<8x1024xf32, #tpu.memory_space<hbm>>
    tpu.enqueue_dma source(%dma_start3A_7 : memref<8x1024xf32, #tpu.memory_space<hbm>>) target(%arg5 : memref<8x1024xf32, #tpu.memory_space<vmem>>) target_semaphore(%arg20 : memref<!tpu.dma_semaphore, #tpu.memory_space<semaphore_mem>>)
    %add3A_8 = arith.constant 8 : i32
    %add3A_9 = arith.addi %mul3A_2, %add3A_8 : i32
    %dma_start3A_10 = arith.constant 0 : i32
    %dma_start3A_11 = tpu.memref_slice %arg3[%add3A_9, %dma_start3A_10] : memref<8192x1024xf32, #tpu.memory_space<hbm>> -> memref<8x1024xf32, #tpu.memory_space<hbm>>
    %dma_start3A_12 = arith.constant 0 : i32
    %dma_start3A_13 = tpu.memref_slice %arg3[%add3A_9, %dma_start3A_12] : memref<8192x1024xf32, #tpu.memory_space<hbm>> -> memref<8x1024xf32, #tpu.memory_space<hbm>>
    tpu.enqueue_dma source(%dma_start3A_13 : memref<8x1024xf32, #tpu.memory_space<hbm>>) target(%arg6 : memref<8x1024xf32, #tpu.memory_space<vmem>>) target_semaphore(%arg21 : memref<!tpu.dma_semaphore, #tpu.memory_space<semaphore_mem>>)
    %add3A_14 = arith.constant 16 : i32
    %add3A_15 = arith.addi %mul3A_2, %add3A_14 : i32
    %dma_start3A_16 = arith.constant 0 : i32
    %dma_start3A_17 = tpu.memref_slice %arg3[%add3A_15, %dma_start3A_16] : memref<8192x1024xf32, #tpu.memory_space<hbm>> -> memref<8x1024xf32, #tpu.memory_space<hbm>>
    %dma_start3A_18 = arith.constant 0 : i32
    %dma_start3A_19 = tpu.memref_slice %arg3[%add3A_15, %dma_start3A_18] : memref<8192x1024xf32, #tpu.memory_space<hbm>> -> memref<8x1024xf32, #tpu.memory_space<hbm>>
    tpu.enqueue_dma source(%dma_start3A_19 : memref<8x1024xf32, #tpu.memory_space<hbm>>) target(%arg7 : memref<8x1024xf32, #tpu.memory_space<vmem>>) target_semaphore(%arg22 : memref<!tpu.dma_semaphore, #tpu.memory_space<semaphore_mem>>)
    %add3A_20 = arith.constant 0 : i32
    %add3A_21 = arith.addi %mul3A_2, %add3A_20 : i32
    %dma_start3A_22 = arith.constant 0 : i32
    %dma_start3A_23 = arith.constant 0 : i32
    %dma_start3A_24 = tpu.memref_slice %arg2[%dma_start3A_22, %add3A_21, %dma_start3A_23] : memref<4x8192x1024xf32, #tpu.memory_space<hbm>> -> memref<1x8x1024xf32, #tpu.memory_space<hbm>>
    %dma_start3A_25 = tpu.memref_squeeze %dma_start3A_24 : memref<1x8x1024xf32, #tpu.memory_space<hbm>> -> memref<8x1024xf32, #tpu.memory_space<hbm>>
    %dma_start3A_26 = arith.constant 0 : i32
    %dma_start3A_27 = tpu.memref_slice %arg2[%dma_start3A_22, %add3A_21, %dma_start3A_26] : memref<4x8192x1024xf32, #tpu.memory_space<hbm>> -> memref<1x8x1024xf32, #tpu.memory_space<hbm>>
    %dma_start3A_28 = tpu.memref_squeeze %dma_start3A_27 : memref<1x8x1024xf32, #tpu.memory_space<hbm>> -> memref<8x1024xf32, #tpu.memory_space<hbm>>
    tpu.enqueue_dma source(%dma_start3A_28 : memref<8x1024xf32, #tpu.memory_space<hbm>>) target(%arg8 : memref<8x1024xf32, #tpu.memory_space<vmem>>) target_semaphore(%arg23 : memref<!tpu.dma_semaphore, #tpu.memory_space<semaphore_mem>>)
    %add3A_29 = arith.constant 0 : i32
    %add3A_30 = arith.addi %mul3A_2, %add3A_29 : i32
    %dma_start3A_31 = arith.constant 1 : i32
    %dma_start3A_32 = arith.constant 0 : i32
    %dma_start3A_33 = tpu.memref_slice %arg2[%dma_start3A_31, %add3A_30, %dma_start3A_32] : memref<4x8192x1024xf32, #tpu.memory_space<hbm>> -> memref<1x8x1024xf32, #tpu.memory_space<hbm>>
    %dma_start3A_34 = tpu.memref_squeeze %dma_start3A_33 : memref<1x8x1024xf32, #tpu.memory_space<hbm>> -> memref<8x1024xf32, #tpu.memory_space<hbm>>
    %dma_start3A_35 = arith.constant 0 : i32
    %dma_start3A_36 = tpu.memref_slice %arg2[%dma_start3A_31, %add3A_30, %dma_start3A_35] : memref<4x8192x1024xf32, #tpu.memory_space<hbm>> -> memref<1x8x1024xf32, #tpu.memory_space<hbm>>
    %dma_start3A_37 = tpu.memref_squeeze %dma_start3A_36 : memref<1x8x1024xf32, #tpu.memory_space<hbm>> -> memref<8x1024xf32, #tpu.memory_space<hbm>>
    tpu.enqueue_dma source(%dma_start3A_37 : memref<8x1024xf32, #tpu.memory_space<hbm>>) target(%arg9 : memref<8x1024xf32, #tpu.memory_space<vmem>>) target_semaphore(%arg23 : memref<!tpu.dma_semaphore, #tpu.memory_space<semaphore_mem>>)
    %add3A_38 = arith.constant 0 : i32
    %add3A_39 = arith.addi %mul3A_2, %add3A_38 : i32
    %dma_start3A_40 = arith.constant 2 : i32
    %dma_start3A_41 = arith.constant 0 : i32
    %dma_start3A_42 = tpu.memref_slice %arg2[%dma_start3A_40, %add3A_39, %dma_start3A_41] : memref<4x8192x1024xf32, #tpu.memory_space<hbm>> -> memref<1x8x1024xf32, #tpu.memory_space<hbm>>
    %dma_start3A_43 = tpu.memref_squeeze %dma_start3A_42 : memref<1x8x1024xf32, #tpu.memory_space<hbm>> -> memref<8x1024xf32, #tpu.memory_space<hbm>>
    %dma_start3A_44 = arith.constant 0 : i32
    %dma_start3A_45 = tpu.memref_slice %arg2[%dma_start3A_40, %add3A_39, %dma_start3A_44] : memref<4x8192x1024xf32, #tpu.memory_space<hbm>> -> memref<1x8x1024xf32, #tpu.memory_space<hbm>>
    %dma_start3A_46 = tpu.memref_squeeze %dma_start3A_45 : memref<1x8x1024xf32, #tpu.memory_space<hbm>> -> memref<8x1024xf32, #tpu.memory_space<hbm>>
    tpu.enqueue_dma source(%dma_start3A_46 : memref<8x1024xf32, #tpu.memory_space<hbm>>) target(%arg10 : memref<8x1024xf32, #tpu.memory_space<vmem>>) target_semaphore(%arg23 : memref<!tpu.dma_semaphore, #tpu.memory_space<semaphore_mem>>)
    %add3A_47 = arith.constant 0 : i32
    %add3A_48 = arith.addi %mul3A_2, %add3A_47 : i32
    %dma_start3A_49 = arith.constant 3 : i32
    %dma_start3A_50 = arith.constant 0 : i32
    %dma_start3A_51 = tpu.memref_slice %arg2[%dma_start3A_49, %add3A_48, %dma_start3A_50] : memref<4x8192x1024xf32, #tpu.memory_space<hbm>> -> memref<1x8x1024xf32, #tpu.memory_space<hbm>>
    %dma_start3A_52 = tpu.memref_squeeze %dma_start3A_51 : memref<1x8x1024xf32, #tpu.memory_space<hbm>> -> memref<8x1024xf32, #tpu.memory_space<hbm>>
    %dma_start3A_53 = arith.constant 0 : i32
    %dma_start3A_54 = tpu.memref_slice %arg2[%dma_start3A_49, %add3A_48, %dma_start3A_53] : memref<4x8192x1024xf32, #tpu.memory_space<hbm>> -> memref<1x8x1024xf32, #tpu.memory_space<hbm>>
    %dma_start3A_55 = tpu.memref_squeeze %dma_start3A_54 : memref<1x8x1024xf32, #tpu.memory_space<hbm>> -> memref<8x1024xf32, #tpu.memory_space<hbm>>
    tpu.enqueue_dma source(%dma_start3A_55 : memref<8x1024xf32, #tpu.memory_space<hbm>>) target(%arg11 : memref<8x1024xf32, #tpu.memory_space<vmem>>) target_semaphore(%arg23 : memref<!tpu.dma_semaphore, #tpu.memory_space<semaphore_mem>>)
    %add3A_56 = arith.constant 8 : i32
    %add3A_57 = arith.addi %mul3A_2, %add3A_56 : i32
    %dma_start3A_58 = arith.constant 0 : i32
    %dma_start3A_59 = arith.constant 0 : i32
    %dma_start3A_60 = tpu.memref_slice %arg2[%dma_start3A_58, %add3A_57, %dma_start3A_59] : memref<4x8192x1024xf32, #tpu.memory_space<hbm>> -> memref<1x8x1024xf32, #tpu.memory_space<hbm>>
    %dma_start3A_61 = tpu.memref_squeeze %dma_start3A_60 : memref<1x8x1024xf32, #tpu.memory_space<hbm>> -> memref<8x1024xf32, #tpu.memory_space<hbm>>
    %dma_start3A_62 = arith.constant 0 : i32
    %dma_start3A_63 = tpu.memref_slice %arg2[%dma_start3A_58, %add3A_57, %dma_start3A_62] : memref<4x8192x1024xf32, #tpu.memory_space<hbm>> -> memref<1x8x1024xf32, #tpu.memory_space<hbm>>
    %dma_start3A_64 = tpu.memref_squeeze %dma_start3A_63 : memref<1x8x1024xf32, #tpu.memory_space<hbm>> -> memref<8x1024xf32, #tpu.memory_space<hbm>>
    tpu.enqueue_dma source(%dma_start3A_64 : memref<8x1024xf32, #tpu.memory_space<hbm>>) target(%arg12 : memref<8x1024xf32, #tpu.memory_space<vmem>>) target_semaphore(%arg24 : memref<!tpu.dma_semaphore, #tpu.memory_space<semaphore_mem>>)
    %add3A_65 = arith.constant 8 : i32
    %add3A_66 = arith.addi %mul3A_2, %add3A_65 : i32
    %dma_start3A_67 = arith.constant 1 : i32
    %dma_start3A_68 = arith.constant 0 : i32
    %dma_start3A_69 = tpu.memref_slice %arg2[%dma_start3A_67, %add3A_66, %dma_start3A_68] : memref<4x8192x1024xf32, #tpu.memory_space<hbm>> -> memref<1x8x1024xf32, #tpu.memory_space<hbm>>
    %dma_start3A_70 = tpu.memref_squeeze %dma_start3A_69 : memref<1x8x1024xf32, #tpu.memory_space<hbm>> -> memref<8x1024xf32, #tpu.memory_space<hbm>>
    %dma_start3A_71 = arith.constant 0 : i32
    %dma_start3A_72 = tpu.memref_slice %arg2[%dma_start3A_67, %add3A_66, %dma_start3A_71] : memref<4x8192x1024xf32, #tpu.memory_space<hbm>> -> memref<1x8x1024xf32, #tpu.memory_space<hbm>>
    %dma_start3A_73 = tpu.memref_squeeze %dma_start3A_72 : memref<1x8x1024xf32, #tpu.memory_space<hbm>> -> memref<8x1024xf32, #tpu.memory_space<hbm>>
    tpu.enqueue_dma source(%dma_start3A_73 : memref<8x1024xf32, #tpu.memory_space<hbm>>) target(%arg13 : memref<8x1024xf32, #tpu.memory_space<vmem>>) target_semaphore(%arg24 : memref<!tpu.dma_semaphore, #tpu.memory_space<semaphore_mem>>)
    %add3A_74 = arith.constant 8 : i32
    %add3A_75 = arith.addi %mul3A_2, %add3A_74 : i32
    %dma_start3A_76 = arith.constant 2 : i32
    %dma_start3A_77 = arith.constant 0 : i32
    %dma_start3A_78 = tpu.memref_slice %arg2[%dma_start3A_76, %add3A_75, %dma_start3A_77] : memref<4x8192x1024xf32, #tpu.memory_space<hbm>> -> memref<1x8x1024xf32, #tpu.memory_space<hbm>>
    %dma_start3A_79 = tpu.memref_squeeze %dma_start3A_78 : memref<1x8x1024xf32, #tpu.memory_space<hbm>> -> memref<8x1024xf32, #tpu.memory_space<hbm>>
    %dma_start3A_80 = arith.constant 0 : i32
    %dma_start3A_81 = tpu.memref_slice %arg2[%dma_start3A_76, %add3A_75, %dma_start3A_80] : memref<4x8192x1024xf32, #tpu.memory_space<hbm>> -> memref<1x8x1024xf32, #tpu.memory_space<hbm>>
    %dma_start3A_82 = tpu.memref_squeeze %dma_start3A_81 : memref<1x8x1024xf32, #tpu.memory_space<hbm>> -> memref<8x1024xf32, #tpu.memory_space<hbm>>
    tpu.enqueue_dma source(%dma_start3A_82 : memref<8x1024xf32, #tpu.memory_space<hbm>>) target(%arg14 : memref<8x1024xf32, #tpu.memory_space<vmem>>) target_semaphore(%arg24 : memref<!tpu.dma_semaphore, #tpu.memory_space<semaphore_mem>>)
    %add3A_83 = arith.constant 8 : i32
    %add3A_84 = arith.addi %mul3A_2, %add3A_83 : i32
    %dma_start3A_85 = arith.constant 3 : i32
    %dma_start3A_86 = arith.constant 0 : i32
    %dma_start3A_87 = tpu.memref_slice %arg2[%dma_start3A_85, %add3A_84, %dma_start3A_86] : memref<4x8192x1024xf32, #tpu.memory_space<hbm>> -> memref<1x8x1024xf32, #tpu.memory_space<hbm>>
    %dma_start3A_88 = tpu.memref_squeeze %dma_start3A_87 : memref<1x8x1024xf32, #tpu.memory_space<hbm>> -> memref<8x1024xf32, #tpu.memory_space<hbm>>
    %dma_start3A_89 = arith.constant 0 : i32
    %dma_start3A_90 = tpu.memref_slice %arg2[%dma_start3A_85, %add3A_84, %dma_start3A_89] : memref<4x8192x1024xf32, #tpu.memory_space<hbm>> -> memref<1x8x1024xf32, #tpu.memory_space<hbm>>
    %dma_start3A_91 = tpu.memref_squeeze %dma_start3A_90 : memref<1x8x1024xf32, #tpu.memory_space<hbm>> -> memref<8x1024xf32, #tpu.memory_space<hbm>>
    tpu.enqueue_dma source(%dma_start3A_91 : memref<8x1024xf32, #tpu.memory_space<hbm>>) target(%arg15 : memref<8x1024xf32, #tpu.memory_space<vmem>>) target_semaphore(%arg24 : memref<!tpu.dma_semaphore, #tpu.memory_space<semaphore_mem>>)
    %add3A_92 = arith.constant 0 : i32
    %add3A_93 = arith.addi %mul3A_2, %add3A_92 : i32
    %dma_wait3A = arith.constant 0 : i32
    %dma_wait3A_94 = tpu.memref_slice %arg3[%add3A_93, %dma_wait3A] : memref<8192x1024xf32, #tpu.memory_space<hbm>> -> memref<8x1024xf32, #tpu.memory_space<hbm>>
    %dma_wait3A_95 = arith.constant 0 : i32
    %dma_wait3A_96 = tpu.memref_slice %arg3[%add3A_93, %dma_wait3A_95] : memref<8192x1024xf32, #tpu.memory_space<hbm>> -> memref<8x1024xf32, #tpu.memory_space<hbm>>
    tpu.wait_dma2 semaphore(%arg20 : memref<!tpu.dma_semaphore, #tpu.memory_space<semaphore_mem>>) src(%dma_wait3A_96 : memref<8x1024xf32, #tpu.memory_space<hbm>>) dst(%arg5 : memref<8x1024xf32, #tpu.memory_space<vmem>>)
    %add3A_97 = arith.constant 0 : i32
    %add3A_98 = arith.addi %mul3A_2, %add3A_97 : i32
    %dma_wait3A_99 = arith.constant 0 : i32
    %dma_wait3A_100 = arith.constant 0 : i32
    %dma_wait3A_101 = tpu.memref_slice %arg2[%dma_wait3A_99, %add3A_98, %dma_wait3A_100] : memref<4x8192x1024xf32, #tpu.memory_space<hbm>> -> memref<1x8x1024xf32, #tpu.memory_space<hbm>>
    %dma_wait3A_102 = tpu.memref_squeeze %dma_wait3A_101 : memref<1x8x1024xf32, #tpu.memory_space<hbm>> -> memref<8x1024xf32, #tpu.memory_space<hbm>>
    %dma_wait3A_103 = arith.constant 0 : i32
    %dma_wait3A_104 = tpu.memref_slice %arg2[%dma_wait3A_99, %add3A_98, %dma_wait3A_103] : memref<4x8192x1024xf32, #tpu.memory_space<hbm>> -> memref<1x8x1024xf32, #tpu.memory_space<hbm>>
    %dma_wait3A_105 = tpu.memref_squeeze %dma_wait3A_104 : memref<1x8x1024xf32, #tpu.memory_space<hbm>> -> memref<8x1024xf32, #tpu.memory_space<hbm>>
    tpu.wait_dma2 semaphore(%arg23 : memref<!tpu.dma_semaphore, #tpu.memory_space<semaphore_mem>>) src(%dma_wait3A_105 : memref<8x1024xf32, #tpu.memory_space<hbm>>) dst(%arg8 : memref<8x1024xf32, #tpu.memory_space<vmem>>)
    %add3A_106 = arith.constant 0 : i32
    %add3A_107 = arith.addi %mul3A_2, %add3A_106 : i32
    %dma_wait3A_108 = arith.constant 1 : i32
    %dma_wait3A_109 = arith.constant 0 : i32
    %dma_wait3A_110 = tpu.memref_slice %arg2[%dma_wait3A_108, %add3A_107, %dma_wait3A_109] : memref<4x8192x1024xf32, #tpu.memory_space<hbm>> -> memref<1x8x1024xf32, #tpu.memory_space<hbm>>
    %dma_wait3A_111 = tpu.memref_squeeze %dma_wait3A_110 : memref<1x8x1024xf32, #tpu.memory_space<hbm>> -> memref<8x1024xf32, #tpu.memory_space<hbm>>
    %dma_wait3A_112 = arith.constant 0 : i32
    %dma_wait3A_113 = tpu.memref_slice %arg2[%dma_wait3A_108, %add3A_107, %dma_wait3A_112] : memref<4x8192x1024xf32, #tpu.memory_space<hbm>> -> memref<1x8x1024xf32, #tpu.memory_space<hbm>>
    %dma_wait3A_114 = tpu.memref_squeeze %dma_wait3A_113 : memref<1x8x1024xf32, #tpu.memory_space<hbm>> -> memref<8x1024xf32, #tpu.memory_space<hbm>>
    tpu.wait_dma2 semaphore(%arg23 : memref<!tpu.dma_semaphore, #tpu.memory_space<semaphore_mem>>) src(%dma_wait3A_114 : memref<8x1024xf32, #tpu.memory_space<hbm>>) dst(%arg9 : memref<8x1024xf32, #tpu.memory_space<vmem>>)
    %add3A_115 = arith.constant 0 : i32
    %add3A_116 = arith.addi %mul3A_2, %add3A_115 : i32
    %dma_wait3A_117 = arith.constant 2 : i32
    %dma_wait3A_118 = arith.constant 0 : i32
    %dma_wait3A_119 = tpu.memref_slice %arg2[%dma_wait3A_117, %add3A_116, %dma_wait3A_118] : memref<4x8192x1024xf32, #tpu.memory_space<hbm>> -> memref<1x8x1024xf32, #tpu.memory_space<hbm>>
    %dma_wait3A_120 = tpu.memref_squeeze %dma_wait3A_119 : memref<1x8x1024xf32, #tpu.memory_space<hbm>> -> memref<8x1024xf32, #tpu.memory_space<hbm>>
    %dma_wait3A_121 = arith.constant 0 : i32
    %dma_wait3A_122 = tpu.memref_slice %arg2[%dma_wait3A_117, %add3A_116, %dma_wait3A_121] : memref<4x8192x1024xf32, #tpu.memory_space<hbm>> -> memref<1x8x1024xf32, #tpu.memory_space<hbm>>
    %dma_wait3A_123 = tpu.memref_squeeze %dma_wait3A_122 : memref<1x8x1024xf32, #tpu.memory_space<hbm>> -> memref<8x1024xf32, #tpu.memory_space<hbm>>
    tpu.wait_dma2 semaphore(%arg23 : memref<!tpu.dma_semaphore, #tpu.memory_space<semaphore_mem>>) src(%dma_wait3A_123 : memref<8x1024xf32, #tpu.memory_space<hbm>>) dst(%arg10 : memref<8x1024xf32, #tpu.memory_space<vmem>>)
    %add3A_124 = arith.constant 0 : i32
    %add3A_125 = arith.addi %mul3A_2, %add3A_124 : i32
    %dma_wait3A_126 = arith.constant 3 : i32
    %dma_wait3A_127 = arith.constant 0 : i32
    %dma_wait3A_128 = tpu.memref_slice %arg2[%dma_wait3A_126, %add3A_125, %dma_wait3A_127] : memref<4x8192x1024xf32, #tpu.memory_space<hbm>> -> memref<1x8x1024xf32, #tpu.memory_space<hbm>>
    %dma_wait3A_129 = tpu.memref_squeeze %dma_wait3A_128 : memref<1x8x1024xf32, #tpu.memory_space<hbm>> -> memref<8x1024xf32, #tpu.memory_space<hbm>>
    %dma_wait3A_130 = arith.constant 0 : i32
    %dma_wait3A_131 = tpu.memref_slice %arg2[%dma_wait3A_126, %add3A_125, %dma_wait3A_130] : memref<4x8192x1024xf32, #tpu.memory_space<hbm>> -> memref<1x8x1024xf32, #tpu.memory_space<hbm>>
    %dma_wait3A_132 = tpu.memref_squeeze %dma_wait3A_131 : memref<1x8x1024xf32, #tpu.memory_space<hbm>> -> memref<8x1024xf32, #tpu.memory_space<hbm>>
    tpu.wait_dma2 semaphore(%arg23 : memref<!tpu.dma_semaphore, #tpu.memory_space<semaphore_mem>>) src(%dma_wait3A_132 : memref<8x1024xf32, #tpu.memory_space<hbm>>) dst(%arg11 : memref<8x1024xf32, #tpu.memory_space<vmem>>)
    %scan3A = arith.constant 0 : i32
    %scan3A_133 = arith.constant 0 : i32
    %scan3A_134 = arith.constant 128 : i32
    %scan3A_135 = arith.addi %scan3A_133, %scan3A_134 : i32
    %scan3A_136 = arith.constant 1 : i32
    %scan3A_137 = scf.for %scan3A_423 = %scan3A_133 to %scan3A_135 step %scan3A_136 iter_args(%scan3A_424 = %scan3A) -> (i32)  : i32 {
      %shift_right_arithmetic3A = arith.constant 4 : i32
      %shift_right_arithmetic3A_425 = arith.shrsi %scan3A_423, %shift_right_arithmetic3A : i32
      %and3A = arith.constant 15 : i32
      %and3A_426 = arith.andi %scan3A_423, %and3A : i32
      %mul3A_427 = arith.constant 64 : i32
      %mul3A_428 = arith.muli %and3A_426, %mul3A_427 : i32
      %add3A_429 = arith.constant 0 : i32
      %add3A_430 = arith.addi %mul3A_428, %add3A_429 : i32
      %get3A = arith.index_cast %shift_right_arithmetic3A_425 : i32 to index
      %get3A_431 = arith.index_cast %add3A_430 : i32 to index
      %get3A_432 = tpu.vector_load %arg5[%get3A, %get3A_431] {strides = array<i32>} : memref<8x1024xf32, #tpu.memory_space<vmem>>, vector<1x16xf32>,
      %get3A_433 = vector.shape_cast %get3A_432 : vector<1x16xf32> to vector<16xf32>
      %get3A_434 = arith.index_cast %shift_right_arithmetic3A_425 : i32 to index
      %get3A_435 = arith.index_cast %add3A_430 : i32 to index
      %get3A_436 = tpu.vector_load %arg8[%get3A_434, %get3A_435] {strides = array<i32>} : memref<8x1024xf32, #tpu.memory_space<vmem>>, vector<1x16xf32>,
      %get3A_437 = vector.shape_cast %get3A_436 : vector<1x16xf32> to vector<16xf32>
      %add3A_438 = arith.addf %get3A_437, %get3A_433 : vector<16xf32>
      %swap3A = arith.index_cast %shift_right_arithmetic3A_425 : i32 to index
      %swap3A_439 = arith.index_cast %add3A_430 : i32 to index
      %swap3A_440 = tpu.vector_load %arg8[%swap3A, %swap3A_439] {strides = array<i32>} : memref<8x1024xf32, #tpu.memory_space<vmem>>, vector<1x16xf32>,
      %swap3A_441 = vector.shape_cast %swap3A_440 : vector<1x16xf32> to vector<16xf32>
      %swap3A_442 = vector.shape_cast %add3A_438 : vector<16xf32> to vector<1x16xf32>
      tpu.vector_store %arg8[%swap3A, %swap3A_439], %swap3A_442 {strides = array<i32>} : memref<8x1024xf32, #tpu.memory_space<vmem>>, vector<1x16xf32>,
      %get3A_443 = arith.index_cast %shift_right_arithmetic3A_425 : i32 to index
      %get3A_444 = arith.index_cast %add3A_430 : i32 to index
      %get3A_445 = tpu.vector_load %arg9[%get3A_443, %get3A_444] {strides = array<i32>} : memref<8x1024xf32, #tpu.memory_space<vmem>>, vector<1x16xf32>,
      %get3A_446 = vector.shape_cast %get3A_445 : vector<1x16xf32> to vector<16xf32>
      %add3A_447 = arith.addf %get3A_446, %get3A_433 : vector<16xf32>
      %swap3A_448 = arith.index_cast %shift_right_arithmetic3A_425 : i32 to index
      %swap3A_449 = arith.index_cast %add3A_430 : i32 to index
      %swap3A_450 = tpu.vector_load %arg9[%swap3A_448, %swap3A_449] {strides = array<i32>} : memref<8x1024xf32, #tpu.memory_space<vmem>>, vector<1x16xf32>,
      %swap3A_451 = vector.shape_cast %swap3A_450 : vector<1x16xf32> to vector<16xf32>
      %swap3A_452 = vector.shape_cast %add3A_447 : vector<16xf32> to vector<1x16xf32>
      tpu.vector_store %arg9[%swap3A_448, %swap3A_449], %swap3A_452 {strides = array<i32>} : memref<8x1024xf32, #tpu.memory_space<vmem>>, vector<1x16xf32>,
      %get3A_453 = arith.index_cast %shift_right_arithmetic3A_425 : i32 to index
      %get3A_454 = arith.index_cast %add3A_430 : i32 to index
      %get3A_455 = tpu.vector_load %arg10[%get3A_453, %get3A_454] {strides = array<i32>} : memref<8x1024xf32, #tpu.memory_space<vmem>>, vector<1x16xf32>,
      %get3A_456 = vector.shape_cast %get3A_455 : vector<1x16xf32> to vector<16xf32>
      %add3A_457 = arith.addf %get3A_456, %get3A_433 : vector<16xf32>
      %swap3A_458 = arith.index_cast %shift_right_arithmetic3A_425 : i32 to index
      %swap3A_459 = arith.index_cast %add3A_430 : i32 to index
      %swap3A_460 = tpu.vector_load %arg10[%swap3A_458, %swap3A_459] {strides = array<i32>} : memref<8x1024xf32, #tpu.memory_space<vmem>>, vector<1x16xf32>,
      %swap3A_461 = vector.shape_cast %swap3A_460 : vector<1x16xf32> to vector<16xf32>
      %swap3A_462 = vector.shape_cast %add3A_457 : vector<16xf32> to vector<1x16xf32>
      tpu.vector_store %arg10[%swap3A_458, %swap3A_459], %swap3A_462 {strides = array<i32>} : memref<8x1024xf32, #tpu.memory_space<vmem>>, vector<1x16xf32>,
      %get3A_463 = arith.index_cast %shift_right_arithmetic3A_425 : i32 to index
      %get3A_464 = arith.index_cast %add3A_430 : i32 to index
      %get3A_465 = tpu.vector_load %arg11[%get3A_463, %get3A_464] {strides = array<i32>} : memref<8x1024xf32, #tpu.memory_space<vmem>>, vector<1x16xf32>,
      %get3A_466 = vector.shape_cast %get3A_465 : vector<1x16xf32> to vector<16xf32>
      %add3A_467 = arith.addf %get3A_466, %get3A_433 : vector<16xf32>
      %swap3A_468 = arith.index_cast %shift_right_arithmetic3A_425 : i32 to index
      %swap3A_469 = arith.index_cast %add3A_430 : i32 to index
      %swap3A_470 = tpu.vector_load %arg11[%swap3A_468, %swap3A_469] {strides = array<i32>} : memref<8x1024xf32, #tpu.memory_space<vmem>>, vector<1x16xf32>,
      %swap3A_471 = vector.shape_cast %swap3A_470 : vector<1x16xf32> to vector<16xf32>
      %swap3A_472 = vector.shape_cast %add3A_467 : vector<16xf32> to vector<1x16xf32>
      tpu.vector_store %arg11[%swap3A_468, %swap3A_469], %swap3A_472 {strides = array<i32>} : memref<8x1024xf32, #tpu.memory_space<vmem>>, vector<1x16xf32>,
      %add3A_473 = arith.constant 16 : i32
      %add3A_474 = arith.addi %mul3A_428, %add3A_473 : i32
      %get3A_475 = arith.index_cast %shift_right_arithmetic3A_425 : i32 to index
      %get3A_476 = arith.index_cast %add3A_474 : i32 to index
      %get3A_477 = tpu.vector_load %arg5[%get3A_475, %get3A_476] {strides = array<i32>} : memref<8x1024xf32, #tpu.memory_space<vmem>>, vector<1x16xf32>,
      %get3A_478 = vector.shape_cast %get3A_477 : vector<1x16xf32> to vector<16xf32>
      %get3A_479 = arith.index_cast %shift_right_arithmetic3A_425 : i32 to index
      %get3A_480 = arith.index_cast %add3A_474 : i32 to index
      %get3A_481 = tpu.vector_load %arg8[%get3A_479, %get3A_480] {strides = array<i32>} : memref<8x1024xf32, #tpu.memory_space<vmem>>, vector<1x16xf32>,
      %get3A_482 = vector.shape_cast %get3A_481 : vector<1x16xf32> to vector<16xf32>
      %add3A_483 = arith.addf %get3A_482, %get3A_478 : vector<16xf32>
      %swap3A_484 = arith.index_cast %shift_right_arithmetic3A_425 : i32 to index
      %swap3A_485 = arith.index_cast %add3A_474 : i32 to index
      %swap3A_486 = tpu.vector_load %arg8[%swap3A_484, %swap3A_485] {strides = array<i32>} : memref<8x1024xf32, #tpu.memory_space<vmem>>, vector<1x16xf32>,
      %swap3A_487 = vector.shape_cast %swap3A_486 : vector<1x16xf32> to vector<16xf32>
      %swap3A_488 = vector.shape_cast %add3A_483 : vector<16xf32> to vector<1x16xf32>
      tpu.vector_store %arg8[%swap3A_484, %swap3A_485], %swap3A_488 {strides = array<i32>} : memref<8x1024xf32, #tpu.memory_space<vmem>>, vector<1x16xf32>,
      %get3A_489 = arith.index_cast %shift_right_arithmetic3A_425 : i32 to index
      %get3A_490 = arith.index_cast %add3A_474 : i32 to index
      %get3A_491 = tpu.vector_load %arg9[%get3A_489, %get3A_490] {strides = array<i32>} : memref<8x1024xf32, #tpu.memory_space<vmem>>, vector<1x16xf32>,
      %get3A_492 = vector.shape_cast %get3A_491 : vector<1x16xf32> to vector<16xf32>
      %add3A_493 = arith.addf %get3A_492, %get3A_478 : vector<16xf32>
      %swap3A_494 = arith.index_cast %shift_right_arithmetic3A_425 : i32 to index
      %swap3A_495 = arith.index_cast %add3A_474 : i32 to index
      %swap3A_496 = tpu.vector_load %arg9[%swap3A_494, %swap3A_495] {strides = array<i32>} : memref<8x1024xf32, #tpu.memory_space<vmem>>, vector<1x16xf32>,
      %swap3A_497 = vector.shape_cast %swap3A_496 : vector<1x16xf32> to vector<16xf32>
      %swap3A_498 = vector.shape_cast %add3A_493 : vector<16xf32> to vector<1x16xf32>
      tpu.vector_store %arg9[%swap3A_494, %swap3A_495], %swap3A_498 {strides = array<i32>} : memref<8x1024xf32, #tpu.memory_space<vmem>>, vector<1x16xf32>,
      %get3A_499 = arith.index_cast %shift_right_arithmetic3A_425 : i32 to index
      %get3A_500 = arith.index_cast %add3A_474 : i32 to index
      %get3A_501 = tpu.vector_load %arg10[%get3A_499, %get3A_500] {strides = array<i32>} : memref<8x1024xf32, #tpu.memory_space<vmem>>, vector<1x16xf32>,
      %get3A_502 = vector.shape_cast %get3A_501 : vector<1x16xf32> to vector<16xf32>
      %add3A_503 = arith.addf %get3A_502, %get3A_478 : vector<16xf32>
      %swap3A_504 = arith.index_cast %shift_right_arithmetic3A_425 : i32 to index
      %swap3A_505 = arith.index_cast %add3A_474 : i32 to index
      %swap3A_506 = tpu.vector_load %arg10[%swap3A_504, %swap3A_505] {strides = array<i32>} : memref<8x1024xf32, #tpu.memory_space<vmem>>, vector<1x16xf32>,
      %swap3A_507 = vector.shape_cast %swap3A_506 : vector<1x16xf32> to vector<16xf32>
      %swap3A_508 = vector.shape_cast %add3A_503 : vector<16xf32> to vector<1x16xf32>
      tpu.vector_store %arg10[%swap3A_504, %swap3A_505], %swap3A_508 {strides = array<i32>} : memref<8x1024xf32, #tpu.memory_space<vmem>>, vector<1x16xf32>,
      %get3A_509 = arith.index_cast %shift_right_arithmetic3A_425 : i32 to index
      %get3A_510 = arith.index_cast %add3A_474 : i32 to index
      %get3A_511 = tpu.vector_load %arg11[%get3A_509, %get3A_510] {strides = array<i32>} : memref<8x1024xf32, #tpu.memory_space<vmem>>, vector<1x16xf32>,
      %get3A_512 = vector.shape_cast %get3A_511 : vector<1x16xf32> to vector<16xf32>
      %add3A_513 = arith.addf %get3A_512, %get3A_478 : vector<16xf32>
      %swap3A_514 = arith.index_cast %shift_right_arithmetic3A_425 : i32 to index
      %swap3A_515 = arith.index_cast %add3A_474 : i32 to index
      %swap3A_516 = tpu.vector_load %arg11[%swap3A_514, %swap3A_515] {strides = array<i32>} : memref<8x1024xf32, #tpu.memory_space<vmem>>, vector<1x16xf32>,
      %swap3A_517 = vector.shape_cast %swap3A_516 : vector<1x16xf32> to vector<16xf32>
      %swap3A_518 = vector.shape_cast %add3A_513 : vector<16xf32> to vector<1x16xf32>
      tpu.vector_store %arg11[%swap3A_514, %swap3A_515], %swap3A_518 {strides = array<i32>} : memref<8x1024xf32, #tpu.memory_space<vmem>>, vector<1x16xf32>,
      %add3A_519 = arith.constant 32 : i32
      %add3A_520 = arith.addi %mul3A_428, %add3A_519 : i32
      %get3A_521 = arith.index_cast %shift_right_arithmetic3A_425 : i32 to index
      %get3A_522 = arith.index_cast %add3A_520 : i32 to index
      %get3A_523 = tpu.vector_load %arg5[%get3A_521, %get3A_522] {strides = array<i32>} : memref<8x1024xf32, #tpu.memory_space<vmem>>, vector<1x16xf32>,
      %get3A_524 = vector.shape_cast %get3A_523 : vector<1x16xf32> to vector<16xf32>
      %get3A_525 = arith.index_cast %shift_right_arithmetic3A_425 : i32 to index
      %get3A_526 = arith.index_cast %add3A_520 : i32 to index
      %get3A_527 = tpu.vector_load %arg8[%get3A_525, %get3A_526] {strides = array<i32>} : memref<8x1024xf32, #tpu.memory_space<vmem>>, vector<1x16xf32>,
      %get3A_528 = vector.shape_cast %get3A_527 : vector<1x16xf32> to vector<16xf32>
      %add3A_529 = arith.addf %get3A_528, %get3A_524 : vector<16xf32>
      %swap3A_530 = arith.index_cast %shift_right_arithmetic3A_425 : i32 to index
      %swap3A_531 = arith.index_cast %add3A_520 : i32 to index
      %swap3A_532 = tpu.vector_load %arg8[%swap3A_530, %swap3A_531] {strides = array<i32>} : memref<8x1024xf32, #tpu.memory_space<vmem>>, vector<1x16xf32>,
      %swap3A_533 = vector.shape_cast %swap3A_532 : vector<1x16xf32> to vector<16xf32>
      %swap3A_534 = vector.shape_cast %add3A_529 : vector<16xf32> to vector<1x16xf32>
      tpu.vector_store %arg8[%swap3A_530, %swap3A_531], %swap3A_534 {strides = array<i32>} : memref<8x1024xf32, #tpu.memory_space<vmem>>, vector<1x16xf32>,
      %get3A_535 = arith.index_cast %shift_right_arithmetic3A_425 : i32 to index
      %get3A_536 = arith.index_cast %add3A_520 : i32 to index
      %get3A_537 = tpu.vector_load %arg9[%get3A_535, %get3A_536] {strides = array<i32>} : memref<8x1024xf32, #tpu.memory_space<vmem>>, vector<1x16xf32>,
      %get3A_538 = vector.shape_cast %get3A_537 : vector<1x16xf32> to vector<16xf32>
      %add3A_539 = arith.addf %get3A_538, %get3A_524 : vector<16xf32>
      %swap3A_540 = arith.index_cast %shift_right_arithmetic3A_425 : i32 to index
      %swap3A_541 = arith.index_cast %add3A_520 : i32 to index
      %swap3A_542 = tpu.vector_load %arg9[%swap3A_540, %swap3A_541] {strides = array<i32>} : memref<8x1024xf32, #tpu.memory_space<vmem>>, vector<1x16xf32>,
      %swap3A_543 = vector.shape_cast %swap3A_542 : vector<1x16xf32> to vector<16xf32>
      %swap3A_544 = vector.shape_cast %add3A_539 : vector<16xf32> to vector<1x16xf32>
      tpu.vector_store %arg9[%swap3A_540, %swap3A_541], %swap3A_544 {strides = array<i32>} : memref<8x1024xf32, #tpu.memory_space<vmem>>, vector<1x16xf32>,
      %get3A_545 = arith.index_cast %shift_right_arithmetic3A_425 : i32 to index
      %get3A_546 = arith.index_cast %add3A_520 : i32 to index
      %get3A_547 = tpu.vector_load %arg10[%get3A_545, %get3A_546] {strides = array<i32>} : memref<8x1024xf32, #tpu.memory_space<vmem>>, vector<1x16xf32>,
      %get3A_548 = vector.shape_cast %get3A_547 : vector<1x16xf32> to vector<16xf32>
      %add3A_549 = arith.addf %get3A_548, %get3A_524 : vector<16xf32>
      %swap3A_550 = arith.index_cast %shift_right_arithmetic3A_425 : i32 to index
      %swap3A_551 = arith.index_cast %add3A_520 : i32 to index
      %swap3A_552 = tpu.vector_load %arg10[%swap3A_550, %swap3A_551] {strides = array<i32>} : memref<8x1024xf32, #tpu.memory_space<vmem>>, vector<1x16xf32>,
      %swap3A_553 = vector.shape_cast %swap3A_552 : vector<1x16xf32> to vector<16xf32>
      %swap3A_554 = vector.shape_cast %add3A_549 : vector<16xf32> to vector<1x16xf32>
      tpu.vector_store %arg10[%swap3A_550, %swap3A_551], %swap3A_554 {strides = array<i32>} : memref<8x1024xf32, #tpu.memory_space<vmem>>, vector<1x16xf32>,
      %get3A_555 = arith.index_cast %shift_right_arithmetic3A_425 : i32 to index
      %get3A_556 = arith.index_cast %add3A_520 : i32 to index
      %get3A_557 = tpu.vector_load %arg11[%get3A_555, %get3A_556] {strides = array<i32>} : memref<8x1024xf32, #tpu.memory_space<vmem>>, vector<1x16xf32>,
      %get3A_558 = vector.shape_cast %get3A_557 : vector<1x16xf32> to vector<16xf32>
      %add3A_559 = arith.addf %get3A_558, %get3A_524 : vector<16xf32>
      %swap3A_560 = arith.index_cast %shift_right_arithmetic3A_425 : i32 to index
      %swap3A_561 = arith.index_cast %add3A_520 : i32 to index
      %swap3A_562 = tpu.vector_load %arg11[%swap3A_560, %swap3A_561] {strides = array<i32>} : memref<8x1024xf32, #tpu.memory_space<vmem>>, vector<1x16xf32>,
      %swap3A_563 = vector.shape_cast %swap3A_562 : vector<1x16xf32> to vector<16xf32>
      %swap3A_564 = vector.shape_cast %add3A_559 : vector<16xf32> to vector<1x16xf32>
      tpu.vector_store %arg11[%swap3A_560, %swap3A_561], %swap3A_564 {strides = array<i32>} : memref<8x1024xf32, #tpu.memory_space<vmem>>, vector<1x16xf32>,
      %add3A_565 = arith.constant 48 : i32
      %add3A_566 = arith.addi %mul3A_428, %add3A_565 : i32
      %get3A_567 = arith.index_cast %shift_right_arithmetic3A_425 : i32 to index
      %get3A_568 = arith.index_cast %add3A_566 : i32 to index
      %get3A_569 = tpu.vector_load %arg5[%get3A_567, %get3A_568] {strides = array<i32>} : memref<8x1024xf32, #tpu.memory_space<vmem>>, vector<1x16xf32>,
      %get3A_570 = vector.shape_cast %get3A_569 : vector<1x16xf32> to vector<16xf32>
      %get3A_571 = arith.index_cast %shift_right_arithmetic3A_425 : i32 to index
      %get3A_572 = arith.index_cast %add3A_566 : i32 to index
      %get3A_573 = tpu.vector_load %arg8[%get3A_571, %get3A_572] {strides = array<i32>} : memref<8x1024xf32, #tpu.memory_space<vmem>>, vector<1x16xf32>,
      %get3A_574 = vector.shape_cast %get3A_573 : vector<1x16xf32> to vector<16xf32>
      %add3A_575 = arith.addf %get3A_574, %get3A_570 : vector<16xf32>
      %swap3A_576 = arith.index_cast %shift_right_arithmetic3A_425 : i32 to index
      %swap3A_577 = arith.index_cast %add3A_566 : i32 to index
      %swap3A_578 = tpu.vector_load %arg8[%swap3A_576, %swap3A_577] {strides = array<i32>} : memref<8x1024xf32, #tpu.memory_space<vmem>>, vector<1x16xf32>,
      %swap3A_579 = vector.shape_cast %swap3A_578 : vector<1x16xf32> to vector<16xf32>
      %swap3A_580 = vector.shape_cast %add3A_575 : vector<16xf32> to vector<1x16xf32>
      tpu.vector_store %arg8[%swap3A_576, %swap3A_577], %swap3A_580 {strides = array<i32>} : memref<8x1024xf32, #tpu.memory_space<vmem>>, vector<1x16xf32>,
      %get3A_581 = arith.index_cast %shift_right_arithmetic3A_425 : i32 to index
      %get3A_582 = arith.index_cast %add3A_566 : i32 to index
      %get3A_583 = tpu.vector_load %arg9[%get3A_581, %get3A_582] {strides = array<i32>} : memref<8x1024xf32, #tpu.memory_space<vmem>>, vector<1x16xf32>,
      %get3A_584 = vector.shape_cast %get3A_583 : vector<1x16xf32> to vector<16xf32>
      %add3A_585 = arith.addf %get3A_584, %get3A_570 : vector<16xf32>
      %swap3A_586 = arith.index_cast %shift_right_arithmetic3A_425 : i32 to index
      %swap3A_587 = arith.index_cast %add3A_566 : i32 to index
      %swap3A_588 = tpu.vector_load %arg9[%swap3A_586, %swap3A_587] {strides = array<i32>} : memref<8x1024xf32, #tpu.memory_space<vmem>>, vector<1x16xf32>,
      %swap3A_589 = vector.shape_cast %swap3A_588 : vector<1x16xf32> to vector<16xf32>
      %swap3A_590 = vector.shape_cast %add3A_585 : vector<16xf32> to vector<1x16xf32>
      tpu.vector_store %arg9[%swap3A_586, %swap3A_587], %swap3A_590 {strides = array<i32>} : memref<8x1024xf32, #tpu.memory_space<vmem>>, vector<1x16xf32>,
      %get3A_591 = arith.index_cast %shift_right_arithmetic3A_425 : i32 to index
      %get3A_592 = arith.index_cast %add3A_566 : i32 to index
      %get3A_593 = tpu.vector_load %arg10[%get3A_591, %get3A_592] {strides = array<i32>} : memref<8x1024xf32, #tpu.memory_space<vmem>>, vector<1x16xf32>,
      %get3A_594 = vector.shape_cast %get3A_593 : vector<1x16xf32> to vector<16xf32>
      %add3A_595 = arith.addf %get3A_594, %get3A_570 : vector<16xf32>
      %swap3A_596 = arith.index_cast %shift_right_arithmetic3A_425 : i32 to index
      %swap3A_597 = arith.index_cast %add3A_566 : i32 to index
      %swap3A_598 = tpu.vector_load %arg10[%swap3A_596, %swap3A_597] {strides = array<i32>} : memref<8x1024xf32, #tpu.memory_space<vmem>>, vector<1x16xf32>,
      %swap3A_599 = vector.shape_cast %swap3A_598 : vector<1x16xf32> to vector<16xf32>
      %swap3A_600 = vector.shape_cast %add3A_595 : vector<16xf32> to vector<1x16xf32>
      tpu.vector_store %arg10[%swap3A_596, %swap3A_597], %swap3A_600 {strides = array<i32>} : memref<8x1024xf32, #tpu.memory_space<vmem>>, vector<1x16xf32>,
      %get3A_601 = arith.index_cast %shift_right_arithmetic3A_425 : i32 to index
      %get3A_602 = arith.index_cast %add3A_566 : i32 to index
      %get3A_603 = tpu.vector_load %arg11[%get3A_601, %get3A_602] {strides = array<i32>} : memref<8x1024xf32, #tpu.memory_space<vmem>>, vector<1x16xf32>,
      %get3A_604 = vector.shape_cast %get3A_603 : vector<1x16xf32> to vector<16xf32>
      %add3A_605 = arith.addf %get3A_604, %get3A_570 : vector<16xf32>
      %swap3A_606 = arith.index_cast %shift_right_arithmetic3A_425 : i32 to index
      %swap3A_607 = arith.index_cast %add3A_566 : i32 to index
      %swap3A_608 = tpu.vector_load %arg11[%swap3A_606, %swap3A_607] {strides = array<i32>} : memref<8x1024xf32, #tpu.memory_space<vmem>>, vector<1x16xf32>,
      %swap3A_609 = vector.shape_cast %swap3A_608 : vector<1x16xf32> to vector<16xf32>
      %swap3A_610 = vector.shape_cast %add3A_605 : vector<16xf32> to vector<1x16xf32>
      tpu.vector_store %arg11[%swap3A_606, %swap3A_607], %swap3A_610 {strides = array<i32>} : memref<8x1024xf32, #tpu.memory_space<vmem>>, vector<1x16xf32>,
      %scan3A_611 = arith.constant 0 : i32
      scf.yield %scan3A_611 : i32
    }
    %scan3A_138 = arith.constant 128 : i32
    %add3A_139 = arith.constant 0 : i32
    %add3A_140 = arith.addi %mul3A_2, %add3A_139 : i32
    %dma_start3A_141 = arith.constant 0 : i32
    %dma_start3A_142 = arith.constant 0 : i32
    %dma_start3A_143 = tpu.memref_slice %arg4[%dma_start3A_141, %add3A_140, %dma_start3A_142] : memref<4x8192x1024xf32, #tpu.memory_space<hbm>> -> memref<1x8x1024xf32, #tpu.memory_space<hbm>>
    %dma_start3A_144 = tpu.memref_squeeze %dma_start3A_143 : memref<1x8x1024xf32, #tpu.memory_space<hbm>> -> memref<8x1024xf32, #tpu.memory_space<hbm>>
    %dma_start3A_145 = arith.constant 0 : i32
    %dma_start3A_146 = tpu.memref_slice %arg4[%dma_start3A_141, %add3A_140, %dma_start3A_145] : memref<4x8192x1024xf32, #tpu.memory_space<hbm>> -> memref<1x8x1024xf32, #tpu.memory_space<hbm>>
    %dma_start3A_147 = tpu.memref_squeeze %dma_start3A_146 : memref<1x8x1024xf32, #tpu.memory_space<hbm>> -> memref<8x1024xf32, #tpu.memory_space<hbm>>
    tpu.enqueue_dma source(%arg8 : memref<8x1024xf32, #tpu.memory_space<vmem>>) target(%dma_start3A_147 : memref<8x1024xf32, #tpu.memory_space<hbm>>) target_semaphore(%arg26 : memref<!tpu.dma_semaphore, #tpu.memory_space<semaphore_mem>>)
    %add3A_148 = arith.constant 0 : i32
    %add3A_149 = arith.addi %mul3A_2, %add3A_148 : i32
    %dma_start3A_150 = arith.constant 1 : i32
    %dma_start3A_151 = arith.constant 0 : i32
    %dma_start3A_152 = tpu.memref_slice %arg4[%dma_start3A_150, %add3A_149, %dma_start3A_151] : memref<4x8192x1024xf32, #tpu.memory_space<hbm>> -> memref<1x8x1024xf32, #tpu.memory_space<hbm>>
    %dma_start3A_153 = tpu.memref_squeeze %dma_start3A_152 : memref<1x8x1024xf32, #tpu.memory_space<hbm>> -> memref<8x1024xf32, #tpu.memory_space<hbm>>
    %dma_start3A_154 = arith.constant 0 : i32
    %dma_start3A_155 = tpu.memref_slice %arg4[%dma_start3A_150, %add3A_149, %dma_start3A_154] : memref<4x8192x1024xf32, #tpu.memory_space<hbm>> -> memref<1x8x1024xf32, #tpu.memory_space<hbm>>
    %dma_start3A_156 = tpu.memref_squeeze %dma_start3A_155 : memref<1x8x1024xf32, #tpu.memory_space<hbm>> -> memref<8x1024xf32, #tpu.memory_space<hbm>>
    tpu.enqueue_dma source(%arg9 : memref<8x1024xf32, #tpu.memory_space<vmem>>) target(%dma_start3A_156 : memref<8x1024xf32, #tpu.memory_space<hbm>>) target_semaphore(%arg26 : memref<!tpu.dma_semaphore, #tpu.memory_space<semaphore_mem>>)
    %add3A_157 = arith.constant 0 : i32
    %add3A_158 = arith.addi %mul3A_2, %add3A_157 : i32
    %dma_start3A_159 = arith.constant 2 : i32
    %dma_start3A_160 = arith.constant 0 : i32
    %dma_start3A_161 = tpu.memref_slice %arg4[%dma_start3A_159, %add3A_158, %dma_start3A_160] : memref<4x8192x1024xf32, #tpu.memory_space<hbm>> -> memref<1x8x1024xf32, #tpu.memory_space<hbm>>
    %dma_start3A_162 = tpu.memref_squeeze %dma_start3A_161 : memref<1x8x1024xf32, #tpu.memory_space<hbm>> -> memref<8x1024xf32, #tpu.memory_space<hbm>>
    %dma_start3A_163 = arith.constant 0 : i32
    %dma_start3A_164 = tpu.memref_slice %arg4[%dma_start3A_159, %add3A_158, %dma_start3A_163] : memref<4x8192x1024xf32, #tpu.memory_space<hbm>> -> memref<1x8x1024xf32, #tpu.memory_space<hbm>>
    %dma_start3A_165 = tpu.memref_squeeze %dma_start3A_164 : memref<1x8x1024xf32, #tpu.memory_space<hbm>> -> memref<8x1024xf32, #tpu.memory_space<hbm>>
    tpu.enqueue_dma source(%arg10 : memref<8x1024xf32, #tpu.memory_space<vmem>>) target(%dma_start3A_165 : memref<8x1024xf32, #tpu.memory_space<hbm>>) target_semaphore(%arg26 : memref<!tpu.dma_semaphore, #tpu.memory_space<semaphore_mem>>)
    %add3A_166 = arith.constant 0 : i32
    %add3A_167 = arith.addi %mul3A_2, %add3A_166 : i32
    %dma_start3A_168 = arith.constant 3 : i32
    %dma_start3A_169 = arith.constant 0 : i32
    %dma_start3A_170 = tpu.memref_slice %arg4[%dma_start3A_168, %add3A_167, %dma_start3A_169] : memref<4x8192x1024xf32, #tpu.memory_space<hbm>> -> memref<1x8x1024xf32, #tpu.memory_space<hbm>>
    %dma_start3A_171 = tpu.memref_squeeze %dma_start3A_170 : memref<1x8x1024xf32, #tpu.memory_space<hbm>> -> memref<8x1024xf32, #tpu.memory_space<hbm>>
    %dma_start3A_172 = arith.constant 0 : i32
    %dma_start3A_173 = tpu.memref_slice %arg4[%dma_start3A_168, %add3A_167, %dma_start3A_172] : memref<4x8192x1024xf32, #tpu.memory_space<hbm>> -> memref<1x8x1024xf32, #tpu.memory_space<hbm>>
    %dma_start3A_174 = tpu.memref_squeeze %dma_start3A_173 : memref<1x8x1024xf32, #tpu.memory_space<hbm>> -> memref<8x1024xf32, #tpu.memory_space<hbm>>
    tpu.enqueue_dma source(%arg11 : memref<8x1024xf32, #tpu.memory_space<vmem>>) target(%dma_start3A_174 : memref<8x1024xf32, #tpu.memory_space<hbm>>) target_semaphore(%arg26 : memref<!tpu.dma_semaphore, #tpu.memory_space<semaphore_mem>>)
    %add3A_175 = arith.constant 16 : i32
    %add3A_176 = arith.addi %mul3A_2, %add3A_175 : i32
    %dma_start3A_177 = arith.constant 0 : i32
    %dma_start3A_178 = arith.constant 0 : i32
    %dma_start3A_179 = tpu.memref_slice %arg2[%dma_start3A_177, %add3A_176, %dma_start3A_178] : memref<4x8192x1024xf32, #tpu.memory_space<hbm>> -> memref<1x8x1024xf32, #tpu.memory_space<hbm>>
    %dma_start3A_180 = tpu.memref_squeeze %dma_start3A_179 : memref<1x8x1024xf32, #tpu.memory_space<hbm>> -> memref<8x1024xf32, #tpu.memory_space<hbm>>
    %dma_start3A_181 = arith.constant 0 : i32
    %dma_start3A_182 = tpu.memref_slice %arg2[%dma_start3A_177, %add3A_176, %dma_start3A_181] : memref<4x8192x1024xf32, #tpu.memory_space<hbm>> -> memref<1x8x1024xf32, #tpu.memory_space<hbm>>
    %dma_start3A_183 = tpu.memref_squeeze %dma_start3A_182 : memref<1x8x1024xf32, #tpu.memory_space<hbm>> -> memref<8x1024xf32, #tpu.memory_space<hbm>>
    tpu.enqueue_dma source(%dma_start3A_183 : memref<8x1024xf32, #tpu.memory_space<hbm>>) target(%arg16 : memref<8x1024xf32, #tpu.memory_space<vmem>>) target_semaphore(%arg25 : memref<!tpu.dma_semaphore, #tpu.memory_space<semaphore_mem>>)
    %add3A_184 = arith.constant 16 : i32
    %add3A_185 = arith.addi %mul3A_2, %add3A_184 : i32
    %dma_start3A_186 = arith.constant 1 : i32
    %dma_start3A_187 = arith.constant 0 : i32
    %dma_start3A_188 = tpu.memref_slice %arg2[%dma_start3A_186, %add3A_185, %dma_start3A_187] : memref<4x8192x1024xf32, #tpu.memory_space<hbm>> -> memref<1x8x1024xf32, #tpu.memory_space<hbm>>
    %dma_start3A_189 = tpu.memref_squeeze %dma_start3A_188 : memref<1x8x1024xf32, #tpu.memory_space<hbm>> -> memref<8x1024xf32, #tpu.memory_space<hbm>>
    %dma_start3A_190 = arith.constant 0 : i32
    %dma_start3A_191 = tpu.memref_slice %arg2[%dma_start3A_186, %add3A_185, %dma_start3A_190] : memref<4x8192x1024xf32, #tpu.memory_space<hbm>> -> memref<1x8x1024xf32, #tpu.memory_space<hbm>>
    %dma_start3A_192 = tpu.memref_squeeze %dma_start3A_191 : memref<1x8x1024xf32, #tpu.memory_space<hbm>> -> memref<8x1024xf32, #tpu.memory_space<hbm>>
    tpu.enqueue_dma source(%dma_start3A_192 : memref<8x1024xf32, #tpu.memory_space<hbm>>) target(%arg17 : memref<8x1024xf32, #tpu.memory_space<vmem>>) target_semaphore(%arg25 : memref<!tpu.dma_semaphore, #tpu.memory_space<semaphore_mem>>)
    %add3A_193 = arith.constant 16 : i32
    %add3A_194 = arith.addi %mul3A_2, %add3A_193 : i32
    %dma_start3A_195 = arith.constant 2 : i32
    %dma_start3A_196 = arith.constant 0 : i32
    %dma_start3A_197 = tpu.memref_slice %arg2[%dma_start3A_195, %add3A_194, %dma_start3A_196] : memref<4x8192x1024xf32, #tpu.memory_space<hbm>> -> memref<1x8x1024xf32, #tpu.memory_space<hbm>>
    %dma_start3A_198 = tpu.memref_squeeze %dma_start3A_197 : memref<1x8x1024xf32, #tpu.memory_space<hbm>> -> memref<8x1024xf32, #tpu.memory_space<hbm>>
    %dma_start3A_199 = arith.constant 0 : i32
    %dma_start3A_200 = tpu.memref_slice %arg2[%dma_start3A_195, %add3A_194, %dma_start3A_199] : memref<4x8192x1024xf32, #tpu.memory_space<hbm>> -> memref<1x8x1024xf32, #tpu.memory_space<hbm>>
    %dma_start3A_201 = tpu.memref_squeeze %dma_start3A_200 : memref<1x8x1024xf32, #tpu.memory_space<hbm>> -> memref<8x1024xf32, #tpu.memory_space<hbm>>
    tpu.enqueue_dma source(%dma_start3A_201 : memref<8x1024xf32, #tpu.memory_space<hbm>>) target(%arg18 : memref<8x1024xf32, #tpu.memory_space<vmem>>) target_semaphore(%arg25 : memref<!tpu.dma_semaphore, #tpu.memory_space<semaphore_mem>>)
    %add3A_202 = arith.constant 16 : i32
    %add3A_203 = arith.addi %mul3A_2, %add3A_202 : i32
    %dma_start3A_204 = arith.constant 3 : i32
    %dma_start3A_205 = arith.constant 0 : i32
    %dma_start3A_206 = tpu.memref_slice %arg2[%dma_start3A_204, %add3A_203, %dma_start3A_205] : memref<4x8192x1024xf32, #tpu.memory_space<hbm>> -> memref<1x8x1024xf32, #tpu.memory_space<hbm>>
    %dma_start3A_207 = tpu.memref_squeeze %dma_start3A_206 : memref<1x8x1024xf32, #tpu.memory_space<hbm>> -> memref<8x1024xf32, #tpu.memory_space<hbm>>
    %dma_start3A_208 = arith.constant 0 : i32
    %dma_start3A_209 = tpu.memref_slice %arg2[%dma_start3A_204, %add3A_203, %dma_start3A_208] : memref<4x8192x1024xf32, #tpu.memory_space<hbm>> -> memref<1x8x1024xf32, #tpu.memory_space<hbm>>
    %dma_start3A_210 = tpu.memref_squeeze %dma_start3A_209 : memref<1x8x1024xf32, #tpu.memory_space<hbm>> -> memref<8x1024xf32, #tpu.memory_space<hbm>>
    tpu.enqueue_dma source(%dma_start3A_210 : memref<8x1024xf32, #tpu.memory_space<hbm>>) target(%arg19 : memref<8x1024xf32, #tpu.memory_space<vmem>>) target_semaphore(%arg25 : memref<!tpu.dma_semaphore, #tpu.memory_space<semaphore_mem>>)
    %add3A_211 = arith.constant 24 : i32
    %add3A_212 = arith.addi %mul3A_2, %add3A_211 : i32
    %dma_start3A_213 = arith.constant 0 : i32
    %dma_start3A_214 = tpu.memref_slice %arg3[%add3A_212, %dma_start3A_213] : memref<8192x1024xf32, #tpu.memory_space<hbm>> -> memref<8x1024xf32, #tpu.memory_space<hbm>>
    %dma_start3A_215 = arith.constant 0 : i32
    %dma_start3A_216 = tpu.memref_slice %arg3[%add3A_212, %dma_start3A_215] : memref<8192x1024xf32, #tpu.memory_space<hbm>> -> memref<8x1024xf32, #tpu.memory_space<hbm>>
    tpu.enqueue_dma source(%dma_start3A_216 : memref<8x1024xf32, #tpu.memory_space<hbm>>) target(%arg5 : memref<8x1024xf32, #tpu.memory_space<vmem>>) target_semaphore(%arg20 : memref<!tpu.dma_semaphore, #tpu.memory_space<semaphore_mem>>)
    %add3A_217 = arith.constant 8 : i32
    %add3A_218 = arith.addi %mul3A_2, %add3A_217 : i32
    %dma_wait3A_219 = arith.constant 0 : i32
    %dma_wait3A_220 = tpu.memref_slice %arg3[%add3A_218, %dma_wait3A_219] : memref<8192x1024xf32, #tpu.memory_space<hbm>> -> memref<8x1024xf32, #tpu.memory_space<hbm>>
    %dma_wait3A_221 = arith.constant 0 : i32
    %dma_wait3A_222 = tpu.memref_slice %arg3[%add3A_218, %dma_wait3A_221] : memref<8192x1024xf32, #tpu.memory_space<hbm>> -> memref<8x1024xf32, #tpu.memory_space<hbm>>
    tpu.wait_dma2 semaphore(%arg21 : memref<!tpu.dma_semaphore, #tpu.memory_space<semaphore_mem>>) src(%dma_wait3A_222 : memref<8x1024xf32, #tpu.memory_space<hbm>>) dst(%arg6 : memref<8x1024xf32, #tpu.memory_space<vmem>>)
    %add3A_223 = arith.constant 8 : i32
    %add3A_224 = arith.addi %mul3A_2, %add3A_223 : i32
    %dma_wait3A_225 = arith.constant 0 : i32
    %dma_wait3A_226 = arith.constant 0 : i32
    %dma_wait3A_227 = tpu.memref_slice %arg2[%dma_wait3A_225, %add3A_224, %dma_wait3A_226] : memref<4x8192x1024xf32, #tpu.memory_space<hbm>> -> memref<1x8x1024xf32, #tpu.memory_space<hbm>>
    %dma_wait3A_228 = tpu.memref_squeeze %dma_wait3A_227 : memref<1x8x1024xf32, #tpu.memory_space<hbm>> -> memref<8x1024xf32, #tpu.memory_space<hbm>>
    %dma_wait3A_229 = arith.constant 0 : i32
    %dma_wait3A_230 = tpu.memref_slice %arg2[%dma_wait3A_225, %add3A_224, %dma_wait3A_229] : memref<4x8192x1024xf32, #tpu.memory_space<hbm>> -> memref<1x8x1024xf32, #tpu.memory_space<hbm>>
    %dma_wait3A_231 = tpu.memref_squeeze %dma_wait3A_230 : memref<1x8x1024xf32, #tpu.memory_space<hbm>> -> memref<8x1024xf32, #tpu.memory_space<hbm>>
    tpu.wait_dma2 semaphore(%arg24 : memref<!tpu.dma_semaphore, #tpu.memory_space<semaphore_mem>>) src(%dma_wait3A_231 : memref<8x1024xf32, #tpu.memory_space<hbm>>) dst(%arg12 : memref<8x1024xf32, #tpu.memory_space<vmem>>)
    %add3A_232 = arith.constant 8 : i32
    %add3A_233 = arith.addi %mul3A_2, %add3A_232 : i32
    %dma_wait3A_234 = arith.constant 1 : i32
    %dma_wait3A_235 = arith.constant 0 : i32
    %dma_wait3A_236 = tpu.memref_slice %arg2[%dma_wait3A_234, %add3A_233, %dma_wait3A_235] : memref<4x8192x1024xf32, #tpu.memory_space<hbm>> -> memref<1x8x1024xf32, #tpu.memory_space<hbm>>
    %dma_wait3A_237 = tpu.memref_squeeze %dma_wait3A_236 : memref<1x8x1024xf32, #tpu.memory_space<hbm>> -> memref<8x1024xf32, #tpu.memory_space<hbm>>
    %dma_wait3A_238 = arith.constant 0 : i32
    %dma_wait3A_239 = tpu.memref_slice %arg2[%dma_wait3A_234, %add3A_233, %dma_wait3A_238] : memref<4x8192x1024xf32, #tpu.memory_space<hbm>> -> memref<1x8x1024xf32, #tpu.memory_space<hbm>>
    %dma_wait3A_240 = tpu.memref_squeeze %dma_wait3A_239 : memref<1x8x1024xf32, #tpu.memory_space<hbm>> -> memref<8x1024xf32, #tpu.memory_space<hbm>>
    tpu.wait_dma2 semaphore(%arg24 : memref<!tpu.dma_semaphore, #tpu.memory_space<semaphore_mem>>) src(%dma_wait3A_240 : memref<8x1024xf32, #tpu.memory_space<hbm>>) dst(%arg13 : memref<8x1024xf32, #tpu.memory_space<vmem>>)
    %add3A_241 = arith.constant 8 : i32
    %add3A_242 = arith.addi %mul3A_2, %add3A_241 : i32
    %dma_wait3A_243 = arith.constant 2 : i32
    %dma_wait3A_244 = arith.constant 0 : i32
    %dma_wait3A_245 = tpu.memref_slice %arg2[%dma_wait3A_243, %add3A_242, %dma_wait3A_244] : memref<4x8192x1024xf32, #tpu.memory_space<hbm>> -> memref<1x8x1024xf32, #tpu.memory_space<hbm>>
    %dma_wait3A_246 = tpu.memref_squeeze %dma_wait3A_245 : memref<1x8x1024xf32, #tpu.memory_space<hbm>> -> memref<8x1024xf32, #tpu.memory_space<hbm>>
    %dma_wait3A_247 = arith.constant 0 : i32
    %dma_wait3A_248 = tpu.memref_slice %arg2[%dma_wait3A_243, %add3A_242, %dma_wait3A_247] : memref<4x8192x1024xf32, #tpu.memory_space<hbm>> -> memref<1x8x1024xf32, #tpu.memory_space<hbm>>
    %dma_wait3A_249 = tpu.memref_squeeze %dma_wait3A_248 : memref<1x8x1024xf32, #tpu.memory_space<hbm>> -> memref<8x1024xf32, #tpu.memory_space<hbm>>
    tpu.wait_dma2 semaphore(%arg24 : memref<!tpu.dma_semaphore, #tpu.memory_space<semaphore_mem>>) src(%dma_wait3A_249 : memref<8x1024xf32, #tpu.memory_space<hbm>>) dst(%arg14 : memref<8x1024xf32, #tpu.memory_space<vmem>>)
    %add3A_250 = arith.constant 8 : i32
    %add3A_251 = arith.addi %mul3A_2, %add3A_250 : i32
    %dma_wait3A_252 = arith.constant 3 : i32
    %dma_wait3A_253 = arith.constant 0 : i32
    %dma_wait3A_254 = tpu.memref_slice %arg2[%dma_wait3A_252, %add3A_251, %dma_wait3A_253] : memref<4x8192x1024xf32, #tpu.memory_space<hbm>> -> memref<1x8x1024xf32, #tpu.memory_space<hbm>>
    %dma_wait3A_255 = tpu.memref_squeeze %dma_wait3A_254 : memref<1x8x1024xf32, #tpu.memory_space<hbm>> -> memref<8x1024xf32, #tpu.memory_space<hbm>>
    %dma_wait3A_256 = arith.constant 0 : i32
    %dma_wait3A_257 = tpu.memref_slice %arg2[%dma_wait3A_252, %add3A_251, %dma_wait3A_256] : memref<4x8192x1024xf32, #tpu.memory_space<hbm>> -> memref<1x8x1024xf32, #tpu.memory_space<hbm>>
    %dma_wait3A_258 = tpu.memref_squeeze %dma_wait3A_257 : memref<1x8x1024xf32, #tpu.memory_space<hbm>> -> memref<8x1024xf32, #tpu.memory_space<hbm>>
    tpu.wait_dma2 semaphore(%arg24 : memref<!tpu.dma_semaphore, #tpu.memory_space<semaphore_mem>>) src(%dma_wait3A_258 : memref<8x1024xf32, #tpu.memory_space<hbm>>) dst(%arg15 : memref<8x1024xf32, #tpu.memory_space<vmem>>)
    %scan3A_259 = arith.constant 0 : i32
    %scan3A_260 = arith.constant 0 : i32
    %scan3A_261 = arith.constant 128 : i32
    %scan3A_262 = arith.addi %scan3A_260, %scan3A_261 : i32
    %scan3A_263 = arith.constant 1 : i32
    %scan3A_264 = scf.for %scan3A_423 = %scan3A_260 to %scan3A_262 step %scan3A_263 iter_args(%scan3A_424 = %scan3A_259) -> (i32)  : i32 {
      %shift_right_arithmetic3A = arith.constant 4 : i32
      %shift_right_arithmetic3A_425 = arith.shrsi %scan3A_423, %shift_right_arithmetic3A : i32
      %and3A = arith.constant 15 : i32
      %and3A_426 = arith.andi %scan3A_423, %and3A : i32
      %mul3A_427 = arith.constant 64 : i32
      %mul3A_428 = arith.muli %and3A_426, %mul3A_427 : i32
      %add3A_429 = arith.constant 0 : i32
      %add3A_430 = arith.addi %mul3A_428, %add3A_429 : i32
      %get3A = arith.index_cast %shift_right_arithmetic3A_425 : i32 to index
      %get3A_431 = arith.index_cast %add3A_430 : i32 to index
      %get3A_432 = tpu.vector_load %arg6[%get3A, %get3A_431] {strides = array<i32>} : memref<8x1024xf32, #tpu.memory_space<vmem>>, vector<1x16xf32>,
      %get3A_433 = vector.shape_cast %get3A_432 : vector<1x16xf32> to vector<16xf32>
      %get3A_434 = arith.index_cast %shift_right_arithmetic3A_425 : i32 to index
      %get3A_435 = arith.index_cast %add3A_430 : i32 to index
      %get3A_436 = tpu.vector_load %arg12[%get3A_434, %get3A_435] {strides = array<i32>} : memref<8x1024xf32, #tpu.memory_space<vmem>>, vector<1x16xf32>,
      %get3A_437 = vector.shape_cast %get3A_436 : vector<1x16xf32> to vector<16xf32>
      %add3A_438 = arith.addf %get3A_437, %get3A_433 : vector<16xf32>
      %swap3A = arith.index_cast %shift_right_arithmetic3A_425 : i32 to index
      %swap3A_439 = arith.index_cast %add3A_430 : i32 to index
      %swap3A_440 = tpu.vector_load %arg12[%swap3A, %swap3A_439] {strides = array<i32>} : memref<8x1024xf32, #tpu.memory_space<vmem>>, vector<1x16xf32>,
      %swap3A_441 = vector.shape_cast %swap3A_440 : vector<1x16xf32> to vector<16xf32>
      %swap3A_442 = vector.shape_cast %add3A_438 : vector<16xf32> to vector<1x16xf32>
      tpu.vector_store %arg12[%swap3A, %swap3A_439], %swap3A_442 {strides = array<i32>} : memref<8x1024xf32, #tpu.memory_space<vmem>>, vector<1x16xf32>,
      %get3A_443 = arith.index_cast %shift_right_arithmetic3A_425 : i32 to index
      %get3A_444 = arith.index_cast %add3A_430 : i32 to index
      %get3A_445 = tpu.vector_load %arg13[%get3A_443, %get3A_444] {strides = array<i32>} : memref<8x1024xf32, #tpu.memory_space<vmem>>, vector<1x16xf32>,
      %get3A_446 = vector.shape_cast %get3A_445 : vector<1x16xf32> to vector<16xf32>
      %add3A_447 = arith.addf %get3A_446, %get3A_433 : vector<16xf32>
      %swap3A_448 = arith.index_cast %shift_right_arithmetic3A_425 : i32 to index
      %swap3A_449 = arith.index_cast %add3A_430 : i32 to index
      %swap3A_450 = tpu.vector_load %arg13[%swap3A_448, %swap3A_449] {strides = array<i32>} : memref<8x1024xf32, #tpu.memory_space<vmem>>, vector<1x16xf32>,
      %swap3A_451 = vector.shape_cast %swap3A_450 : vector<1x16xf32> to vector<16xf32>
      %swap3A_452 = vector.shape_cast %add3A_447 : vector<16xf32> to vector<1x16xf32>
      tpu.vector_store %arg13[%swap3A_448, %swap3A_449], %swap3A_452 {strides = array<i32>} : memref<8x1024xf32, #tpu.memory_space<vmem>>, vector<1x16xf32>,
      %get3A_453 = arith.index_cast %shift_right_arithmetic3A_425 : i32 to index
      %get3A_454 = arith.index_cast %add3A_430 : i32 to index
      %get3A_455 = tpu.vector_load %arg14[%get3A_453, %get3A_454] {strides = array<i32>} : memref<8x1024xf32, #tpu.memory_space<vmem>>, vector<1x16xf32>,
      %get3A_456 = vector.shape_cast %get3A_455 : vector<1x16xf32> to vector<16xf32>
      %add3A_457 = arith.addf %get3A_456, %get3A_433 : vector<16xf32>
      %swap3A_458 = arith.index_cast %shift_right_arithmetic3A_425 : i32 to index
      %swap3A_459 = arith.index_cast %add3A_430 : i32 to index
      %swap3A_460 = tpu.vector_load %arg14[%swap3A_458, %swap3A_459] {strides = array<i32>} : memref<8x1024xf32, #tpu.memory_space<vmem>>, vector<1x16xf32>,
      %swap3A_461 = vector.shape_cast %swap3A_460 : vector<1x16xf32> to vector<16xf32>
      %swap3A_462 = vector.shape_cast %add3A_457 : vector<16xf32> to vector<1x16xf32>
      tpu.vector_store %arg14[%swap3A_458, %swap3A_459], %swap3A_462 {strides = array<i32>} : memref<8x1024xf32, #tpu.memory_space<vmem>>, vector<1x16xf32>,
      %get3A_463 = arith.index_cast %shift_right_arithmetic3A_425 : i32 to index
      %get3A_464 = arith.index_cast %add3A_430 : i32 to index
      %get3A_465 = tpu.vector_load %arg15[%get3A_463, %get3A_464] {strides = array<i32>} : memref<8x1024xf32, #tpu.memory_space<vmem>>, vector<1x16xf32>,
      %get3A_466 = vector.shape_cast %get3A_465 : vector<1x16xf32> to vector<16xf32>
      %add3A_467 = arith.addf %get3A_466, %get3A_433 : vector<16xf32>
      %swap3A_468 = arith.index_cast %shift_right_arithmetic3A_425 : i32 to index
      %swap3A_469 = arith.index_cast %add3A_430 : i32 to index
      %swap3A_470 = tpu.vector_load %arg15[%swap3A_468, %swap3A_469] {strides = array<i32>} : memref<8x1024xf32, #tpu.memory_space<vmem>>, vector<1x16xf32>,
      %swap3A_471 = vector.shape_cast %swap3A_470 : vector<1x16xf32> to vector<16xf32>
      %swap3A_472 = vector.shape_cast %add3A_467 : vector<16xf32> to vector<1x16xf32>
      tpu.vector_store %arg15[%swap3A_468, %swap3A_469], %swap3A_472 {strides = array<i32>} : memref<8x1024xf32, #tpu.memory_space<vmem>>, vector<1x16xf32>,
      %add3A_473 = arith.constant 16 : i32
      %add3A_474 = arith.addi %mul3A_428, %add3A_473 : i32
      %get3A_475 = arith.index_cast %shift_right_arithmetic3A_425 : i32 to index
      %get3A_476 = arith.index_cast %add3A_474 : i32 to index
      %get3A_477 = tpu.vector_load %arg6[%get3A_475, %get3A_476] {strides = array<i32>} : memref<8x1024xf32, #tpu.memory_space<vmem>>, vector<1x16xf32>,
      %get3A_478 = vector.shape_cast %get3A_477 : vector<1x16xf32> to vector<16xf32>
      %get3A_479 = arith.index_cast %shift_right_arithmetic3A_425 : i32 to index
      %get3A_480 = arith.index_cast %add3A_474 : i32 to index
      %get3A_481 = tpu.vector_load %arg12[%get3A_479, %get3A_480] {strides = array<i32>} : memref<8x1024xf32, #tpu.memory_space<vmem>>, vector<1x16xf32>,
      %get3A_482 = vector.shape_cast %get3A_481 : vector<1x16xf32> to vector<16xf32>
      %add3A_483 = arith.addf %get3A_482, %get3A_478 : vector<16xf32>
      %swap3A_484 = arith.index_cast %shift_right_arithmetic3A_425 : i32 to index
      %swap3A_485 = arith.index_cast %add3A_474 : i32 to index
      %swap3A_486 = tpu.vector_load %arg12[%swap3A_484, %swap3A_485] {strides = array<i32>} : memref<8x1024xf32, #tpu.memory_space<vmem>>, vector<1x16xf32>,
      %swap3A_487 = vector.shape_cast %swap3A_486 : vector<1x16xf32> to vector<16xf32>
      %swap3A_488 = vector.shape_cast %add3A_483 : vector<16xf32> to vector<1x16xf32>
      tpu.vector_store %arg12[%swap3A_484, %swap3A_485], %swap3A_488 {strides = array<i32>} : memref<8x1024xf32, #tpu.memory_space<vmem>>, vector<1x16xf32>,
      %get3A_489 = arith.index_cast %shift_right_arithmetic3A_425 : i32 to index
      %get3A_490 = arith.index_cast %add3A_474 : i32 to index
      %get3A_491 = tpu.vector_load %arg13[%get3A_489, %get3A_490] {strides = array<i32>} : memref<8x1024xf32, #tpu.memory_space<vmem>>, vector<1x16xf32>,
      %get3A_492 = vector.shape_cast %get3A_491 : vector<1x16xf32> to vector<16xf32>
      %add3A_493 = arith.addf %get3A_492, %get3A_478 : vector<16xf32>
      %swap3A_494 = arith.index_cast %shift_right_arithmetic3A_425 : i32 to index
      %swap3A_495 = arith.index_cast %add3A_474 : i32 to index
      %swap3A_496 = tpu.vector_load %arg13[%swap3A_494, %swap3A_495] {strides = array<i32>} : memref<8x1024xf32, #tpu.memory_space<vmem>>, vector<1x16xf32>,
      %swap3A_497 = vector.shape_cast %swap3A_496 : vector<1x16xf32> to vector<16xf32>
      %swap3A_498 = vector.shape_cast %add3A_493 : vector<16xf32> to vector<1x16xf32>
      tpu.vector_store %arg13[%swap3A_494, %swap3A_495], %swap3A_498 {strides = array<i32>} : memref<8x1024xf32, #tpu.memory_space<vmem>>, vector<1x16xf32>,
      %get3A_499 = arith.index_cast %shift_right_arithmetic3A_425 : i32 to index
      %get3A_500 = arith.index_cast %add3A_474 : i32 to index
      %get3A_501 = tpu.vector_load %arg14[%get3A_499, %get3A_500] {strides = array<i32>} : memref<8x1024xf32, #tpu.memory_space<vmem>>, vector<1x16xf32>,
      %get3A_502 = vector.shape_cast %get3A_501 : vector<1x16xf32> to vector<16xf32>
      %add3A_503 = arith.addf %get3A_502, %get3A_478 : vector<16xf32>
      %swap3A_504 = arith.index_cast %shift_right_arithmetic3A_425 : i32 to index
      %swap3A_505 = arith.index_cast %add3A_474 : i32 to index
      %swap3A_506 = tpu.vector_load %arg14[%swap3A_504, %swap3A_505] {strides = array<i32>} : memref<8x1024xf32, #tpu.memory_space<vmem>>, vector<1x16xf32>,
      %swap3A_507 = vector.shape_cast %swap3A_506 : vector<1x16xf32> to vector<16xf32>
      %swap3A_508 = vector.shape_cast %add3A_503 : vector<16xf32> to vector<1x16xf32>
      tpu.vector_store %arg14[%swap3A_504, %swap3A_505], %swap3A_508 {strides = array<i32>} : memref<8x1024xf32, #tpu.memory_space<vmem>>, vector<1x16xf32>,
      %get3A_509 = arith.index_cast %shift_right_arithmetic3A_425 : i32 to index
      %get3A_510 = arith.index_cast %add3A_474 : i32 to index
      %get3A_511 = tpu.vector_load %arg15[%get3A_509, %get3A_510] {strides = array<i32>} : memref<8x1024xf32, #tpu.memory_space<vmem>>, vector<1x16xf32>,
      %get3A_512 = vector.shape_cast %get3A_511 : vector<1x16xf32> to vector<16xf32>
      %add3A_513 = arith.addf %get3A_512, %get3A_478 : vector<16xf32>
      %swap3A_514 = arith.index_cast %shift_right_arithmetic3A_425 : i32 to index
      %swap3A_515 = arith.index_cast %add3A_474 : i32 to index
      %swap3A_516 = tpu.vector_load %arg15[%swap3A_514, %swap3A_515] {strides = array<i32>} : memref<8x1024xf32, #tpu.memory_space<vmem>>, vector<1x16xf32>,
      %swap3A_517 = vector.shape_cast %swap3A_516 : vector<1x16xf32> to vector<16xf32>
      %swap3A_518 = vector.shape_cast %add3A_513 : vector<16xf32> to vector<1x16xf32>
      tpu.vector_store %arg15[%swap3A_514, %swap3A_515], %swap3A_518 {strides = array<i32>} : memref<8x1024xf32, #tpu.memory_space<vmem>>, vector<1x16xf32>,
      %add3A_519 = arith.constant 32 : i32
      %add3A_520 = arith.addi %mul3A_428, %add3A_519 : i32
      %get3A_521 = arith.index_cast %shift_right_arithmetic3A_425 : i32 to index
      %get3A_522 = arith.index_cast %add3A_520 : i32 to index
      %get3A_523 = tpu.vector_load %arg6[%get3A_521, %get3A_522] {strides = array<i32>} : memref<8x1024xf32, #tpu.memory_space<vmem>>, vector<1x16xf32>,
      %get3A_524 = vector.shape_cast %get3A_523 : vector<1x16xf32> to vector<16xf32>
      %get3A_525 = arith.index_cast %shift_right_arithmetic3A_425 : i32 to index
      %get3A_526 = arith.index_cast %add3A_520 : i32 to index
      %get3A_527 = tpu.vector_load %arg12[%get3A_525, %get3A_526] {strides = array<i32>} : memref<8x1024xf32, #tpu.memory_space<vmem>>, vector<1x16xf32>,
      %get3A_528 = vector.shape_cast %get3A_527 : vector<1x16xf32> to vector<16xf32>
      %add3A_529 = arith.addf %get3A_528, %get3A_524 : vector<16xf32>
      %swap3A_530 = arith.index_cast %shift_right_arithmetic3A_425 : i32 to index
      %swap3A_531 = arith.index_cast %add3A_520 : i32 to index
      %swap3A_532 = tpu.vector_load %arg12[%swap3A_530, %swap3A_531] {strides = array<i32>} : memref<8x1024xf32, #tpu.memory_space<vmem>>, vector<1x16xf32>,
      %swap3A_533 = vector.shape_cast %swap3A_532 : vector<1x16xf32> to vector<16xf32>
      %swap3A_534 = vector.shape_cast %add3A_529 : vector<16xf32> to vector<1x16xf32>
      tpu.vector_store %arg12[%swap3A_530, %swap3A_531], %swap3A_534 {strides = array<i32>} : memref<8x1024xf32, #tpu.memory_space<vmem>>, vector<1x16xf32>,
      %get3A_535 = arith.index_cast %shift_right_arithmetic3A_425 : i32 to index
      %get3A_536 = arith.index_cast %add3A_520 : i32 to index
      %get3A_537 = tpu.vector_load %arg13[%get3A_535, %get3A_536] {strides = array<i32>} : memref<8x1024xf32, #tpu.memory_space<vmem>>, vector<1x16xf32>,
      %get3A_538 = vector.shape_cast %get3A_537 : vector<1x16xf32> to vector<16xf32>
      %add3A_539 = arith.addf %get3A_538, %get3A_524 : vector<16xf32>
      %swap3A_540 = arith.index_cast %shift_right_arithmetic3A_425 : i32 to index
      %swap3A_541 = arith.index_cast %add3A_520 : i32 to index
      %swap3A_542 = tpu.vector_load %arg13[%swap3A_540, %swap3A_541] {strides = array<i32>} : memref<8x1024xf32, #tpu.memory_space<vmem>>, vector<1x16xf32>,
      %swap3A_543 = vector.shape_cast %swap3A_542 : vector<1x16xf32> to vector<16xf32>
      %swap3A_544 = vector.shape_cast %add3A_539 : vector<16xf32> to vector<1x16xf32>
      tpu.vector_store %arg13[%swap3A_540, %swap3A_541], %swap3A_544 {strides = array<i32>} : memref<8x1024xf32, #tpu.memory_space<vmem>>, vector<1x16xf32>,
      %get3A_545 = arith.index_cast %shift_right_arithmetic3A_425 : i32 to index
      %get3A_546 = arith.index_cast %add3A_520 : i32 to index
      %get3A_547 = tpu.vector_load %arg14[%get3A_545, %get3A_546] {strides = array<i32>} : memref<8x1024xf32, #tpu.memory_space<vmem>>, vector<1x16xf32>,
      %get3A_548 = vector.shape_cast %get3A_547 : vector<1x16xf32> to vector<16xf32>
      %add3A_549 = arith.addf %get3A_548, %get3A_524 : vector<16xf32>
      %swap3A_550 = arith.index_cast %shift_right_arithmetic3A_425 : i32 to index
      %swap3A_551 = arith.index_cast %add3A_520 : i32 to index
      %swap3A_552 = tpu.vector_load %arg14[%swap3A_550, %swap3A_551] {strides = array<i32>} : memref<8x1024xf32, #tpu.memory_space<vmem>>, vector<1x16xf32>,
      %swap3A_553 = vector.shape_cast %swap3A_552 : vector<1x16xf32> to vector<16xf32>
      %swap3A_554 = vector.shape_cast %add3A_549 : vector<16xf32> to vector<1x16xf32>
      tpu.vector_store %arg14[%swap3A_550, %swap3A_551], %swap3A_554 {strides = array<i32>} : memref<8x1024xf32, #tpu.memory_space<vmem>>, vector<1x16xf32>,
      %get3A_555 = arith.index_cast %shift_right_arithmetic3A_425 : i32 to index
      %get3A_556 = arith.index_cast %add3A_520 : i32 to index
      %get3A_557 = tpu.vector_load %arg15[%get3A_555, %get3A_556] {strides = array<i32>} : memref<8x1024xf32, #tpu.memory_space<vmem>>, vector<1x16xf32>,
      %get3A_558 = vector.shape_cast %get3A_557 : vector<1x16xf32> to vector<16xf32>
      %add3A_559 = arith.addf %get3A_558, %get3A_524 : vector<16xf32>
      %swap3A_560 = arith.index_cast %shift_right_arithmetic3A_425 : i32 to index
      %swap3A_561 = arith.index_cast %add3A_520 : i32 to index
      %swap3A_562 = tpu.vector_load %arg15[%swap3A_560, %swap3A_561] {strides = array<i32>} : memref<8x1024xf32, #tpu.memory_space<vmem>>, vector<1x16xf32>,
      %swap3A_563 = vector.shape_cast %swap3A_562 : vector<1x16xf32> to vector<16xf32>
      %swap3A_564 = vector.shape_cast %add3A_559 : vector<16xf32> to vector<1x16xf32>
      tpu.vector_store %arg15[%swap3A_560, %swap3A_561], %swap3A_564 {strides = array<i32>} : memref<8x1024xf32, #tpu.memory_space<vmem>>, vector<1x16xf32>,
      %add3A_565 = arith.constant 48 : i32
      %add3A_566 = arith.addi %mul3A_428, %add3A_565 : i32
      %get3A_567 = arith.index_cast %shift_right_arithmetic3A_425 : i32 to index
      %get3A_568 = arith.index_cast %add3A_566 : i32 to index
      %get3A_569 = tpu.vector_load %arg6[%get3A_567, %get3A_568] {strides = array<i32>} : memref<8x1024xf32, #tpu.memory_space<vmem>>, vector<1x16xf32>,
      %get3A_570 = vector.shape_cast %get3A_569 : vector<1x16xf32> to vector<16xf32>
      %get3A_571 = arith.index_cast %shift_right_arithmetic3A_425 : i32 to index
      %get3A_572 = arith.index_cast %add3A_566 : i32 to index
      %get3A_573 = tpu.vector_load %arg12[%get3A_571, %get3A_572] {strides = array<i32>} : memref<8x1024xf32, #tpu.memory_space<vmem>>, vector<1x16xf32>,
      %get3A_574 = vector.shape_cast %get3A_573 : vector<1x16xf32> to vector<16xf32>
      %add3A_575 = arith.addf %get3A_574, %get3A_570 : vector<16xf32>
      %swap3A_576 = arith.index_cast %shift_right_arithmetic3A_425 : i32 to index
      %swap3A_577 = arith.index_cast %add3A_566 : i32 to index
      %swap3A_578 = tpu.vector_load %arg12[%swap3A_576, %swap3A_577] {strides = array<i32>} : memref<8x1024xf32, #tpu.memory_space<vmem>>, vector<1x16xf32>,
      %swap3A_579 = vector.shape_cast %swap3A_578 : vector<1x16xf32> to vector<16xf32>
      %swap3A_580 = vector.shape_cast %add3A_575 : vector<16xf32> to vector<1x16xf32>
      tpu.vector_store %arg12[%swap3A_576, %swap3A_577], %swap3A_580 {strides = array<i32>} : memref<8x1024xf32, #tpu.memory_space<vmem>>, vector<1x16xf32>,
      %get3A_581 = arith.index_cast %shift_right_arithmetic3A_425 : i32 to index
      %get3A_582 = arith.index_cast %add3A_566 : i32 to index
      %get3A_583 = tpu.vector_load %arg13[%get3A_581, %get3A_582] {strides = array<i32>} : memref<8x1024xf32, #tpu.memory_space<vmem>>, vector<1x16xf32>,
      %get3A_584 = vector.shape_cast %get3A_583 : vector<1x16xf32> to vector<16xf32>
      %add3A_585 = arith.addf %get3A_584, %get3A_570 : vector<16xf32>
      %swap3A_586 = arith.index_cast %shift_right_arithmetic3A_425 : i32 to index
      %swap3A_587 = arith.index_cast %add3A_566 : i32 to index
      %swap3A_588 = tpu.vector_load %arg13[%swap3A_586, %swap3A_587] {strides = array<i32>} : memref<8x1024xf32, #tpu.memory_space<vmem>>, vector<1x16xf32>,
      %swap3A_589 = vector.shape_cast %swap3A_588 : vector<1x16xf32> to vector<16xf32>
      %swap3A_590 = vector.shape_cast %add3A_585 : vector<16xf32> to vector<1x16xf32>
      tpu.vector_store %arg13[%swap3A_586, %swap3A_587], %swap3A_590 {strides = array<i32>} : memref<8x1024xf32, #tpu.memory_space<vmem>>, vector<1x16xf32>,
      %get3A_591 = arith.index_cast %shift_right_arithmetic3A_425 : i32 to index
      %get3A_592 = arith.index_cast %add3A_566 : i32 to index
      %get3A_593 = tpu.vector_load %arg14[%get3A_591, %get3A_592] {strides = array<i32>} : memref<8x1024xf32, #tpu.memory_space<vmem>>, vector<1x16xf32>,
      %get3A_594 = vector.shape_cast %get3A_593 : vector<1x16xf32> to vector<16xf32>
      %add3A_595 = arith.addf %get3A_594, %get3A_570 : vector<16xf32>
      %swap3A_596 = arith.index_cast %shift_right_arithmetic3A_425 : i32 to index
      %swap3A_597 = arith.index_cast %add3A_566 : i32 to index
      %swap3A_598 = tpu.vector_load %arg14[%swap3A_596, %swap3A_597] {strides = array<i32>} : memref<8x1024xf32, #tpu.memory_space<vmem>>, vector<1x16xf32>,
      %swap3A_599 = vector.shape_cast %swap3A_598 : vector<1x16xf32> to vector<16xf32>
      %swap3A_600 = vector.shape_cast %add3A_595 : vector<16xf32> to vector<1x16xf32>
      tpu.vector_store %arg14[%swap3A_596, %swap3A_597], %swap3A_600 {strides = array<i32>} : memref<8x1024xf32, #tpu.memory_space<vmem>>, vector<1x16xf32>,
      %get3A_601 = arith.index_cast %shift_right_arithmetic3A_425 : i32 to index
      %get3A_602 = arith.index_cast %add3A_566 : i32 to index
      %get3A_603 = tpu.vector_load %arg15[%get3A_601, %get3A_602] {strides = array<i32>} : memref<8x1024xf32, #tpu.memory_space<vmem>>, vector<1x16xf32>,
      %get3A_604 = vector.shape_cast %get3A_603 : vector<1x16xf32> to vector<16xf32>
      %add3A_605 = arith.addf %get3A_604, %get3A_570 : vector<16xf32>
      %swap3A_606 = arith.index_cast %shift_right_arithmetic3A_425 : i32 to index
      %swap3A_607 = arith.index_cast %add3A_566 : i32 to index
      %swap3A_608 = tpu.vector_load %arg15[%swap3A_606, %swap3A_607] {strides = array<i32>} : memref<8x1024xf32, #tpu.memory_space<vmem>>, vector<1x16xf32>,
      %swap3A_609 = vector.shape_cast %swap3A_608 : vector<1x16xf32> to vector<16xf32>
      %swap3A_610 = vector.shape_cast %add3A_605 : vector<16xf32> to vector<1x16xf32>
      tpu.vector_store %arg15[%swap3A_606, %swap3A_607], %swap3A_610 {strides = array<i32>} : memref<8x1024xf32, #tpu.memory_space<vmem>>, vector<1x16xf32>,
      %scan3A_611 = arith.constant 0 : i32
      scf.yield %scan3A_611 : i32
    }
    %scan3A_265 = arith.constant 128 : i32
    %add3A_266 = arith.constant 8 : i32
    %add3A_267 = arith.addi %mul3A_2, %add3A_266 : i32
    %dma_start3A_268 = arith.constant 0 : i32
    %dma_start3A_269 = arith.constant 0 : i32
    %dma_start3A_270 = tpu.memref_slice %arg4[%dma_start3A_268, %add3A_267, %dma_start3A_269] : memref<4x8192x1024xf32, #tpu.memory_space<hbm>> -> memref<1x8x1024xf32, #tpu.memory_space<hbm>>
    %dma_start3A_271 = tpu.memref_squeeze %dma_start3A_270 : memref<1x8x1024xf32, #tpu.memory_space<hbm>> -> memref<8x1024xf32, #tpu.memory_space<hbm>>
    %dma_start3A_272 = arith.constant 0 : i32
    %dma_start3A_273 = tpu.memref_slice %arg4[%dma_start3A_268, %add3A_267, %dma_start3A_272] : memref<4x8192x1024xf32, #tpu.memory_space<hbm>> -> memref<1x8x1024xf32, #tpu.memory_space<hbm>>
    %dma_start3A_274 = tpu.memref_squeeze %dma_start3A_273 : memref<1x8x1024xf32, #tpu.memory_space<hbm>> -> memref<8x1024xf32, #tpu.memory_space<hbm>>
    tpu.enqueue_dma source(%arg12 : memref<8x1024xf32, #tpu.memory_space<vmem>>) target(%dma_start3A_274 : memref<8x1024xf32, #tpu.memory_space<hbm>>) target_semaphore(%arg27 : memref<!tpu.dma_semaphore, #tpu.memory_space<semaphore_mem>>)
    %add3A_275 = arith.constant 8 : i32
    %add3A_276 = arith.addi %mul3A_2, %add3A_275 : i32
    %dma_start3A_277 = arith.constant 1 : i32
    %dma_start3A_278 = arith.constant 0 : i32
    %dma_start3A_279 = tpu.memref_slice %arg4[%dma_start3A_277, %add3A_276, %dma_start3A_278] : memref<4x8192x1024xf32, #tpu.memory_space<hbm>> -> memref<1x8x1024xf32, #tpu.memory_space<hbm>>
    %dma_start3A_280 = tpu.memref_squeeze %dma_start3A_279 : memref<1x8x1024xf32, #tpu.memory_space<hbm>> -> memref<8x1024xf32, #tpu.memory_space<hbm>>
    %dma_start3A_281 = arith.constant 0 : i32
    %dma_start3A_282 = tpu.memref_slice %arg4[%dma_start3A_277, %add3A_276, %dma_start3A_281] : memref<4x8192x1024xf32, #tpu.memory_space<hbm>> -> memref<1x8x1024xf32, #tpu.memory_space<hbm>>
    %dma_start3A_283 = tpu.memref_squeeze %dma_start3A_282 : memref<1x8x1024xf32, #tpu.memory_space<hbm>> -> memref<8x1024xf32, #tpu.memory_space<hbm>>
    tpu.enqueue_dma source(%arg13 : memref<8x1024xf32, #tpu.memory_space<vmem>>) target(%dma_start3A_283 : memref<8x1024xf32, #tpu.memory_space<hbm>>) target_semaphore(%arg27 : memref<!tpu.dma_semaphore, #tpu.memory_space<semaphore_mem>>)
    %add3A_284 = arith.constant 8 : i32
    %add3A_285 = arith.addi %mul3A_2, %add3A_284 : i32
    %dma_start3A_286 = arith.constant 2 : i32
    %dma_start3A_287 = arith.constant 0 : i32
    %dma_start3A_288 = tpu.memref_slice %arg4[%dma_start3A_286, %add3A_285, %dma_start3A_287] : memref<4x8192x1024xf32, #tpu.memory_space<hbm>> -> memref<1x8x1024xf32, #tpu.memory_space<hbm>>
    %dma_start3A_289 = tpu.memref_squeeze %dma_start3A_288 : memref<1x8x1024xf32, #tpu.memory_space<hbm>> -> memref<8x1024xf32, #tpu.memory_space<hbm>>
    %dma_start3A_290 = arith.constant 0 : i32
    %dma_start3A_291 = tpu.memref_slice %arg4[%dma_start3A_286, %add3A_285, %dma_start3A_290] : memref<4x8192x1024xf32, #tpu.memory_space<hbm>> -> memref<1x8x1024xf32, #tpu.memory_space<hbm>>
    %dma_start3A_292 = tpu.memref_squeeze %dma_start3A_291 : memref<1x8x1024xf32, #tpu.memory_space<hbm>> -> memref<8x1024xf32, #tpu.memory_space<hbm>>
    tpu.enqueue_dma source(%arg14 : memref<8x1024xf32, #tpu.memory_space<vmem>>) target(%dma_start3A_292 : memref<8x1024xf32, #tpu.memory_space<hbm>>) target_semaphore(%arg27 : memref<!tpu.dma_semaphore, #tpu.memory_space<semaphore_mem>>)
    %add3A_293 = arith.constant 8 : i32
    %add3A_294 = arith.addi %mul3A_2, %add3A_293 : i32
    %dma_start3A_295 = arith.constant 3 : i32
    %dma_start3A_296 = arith.constant 0 : i32
    %dma_start3A_297 = tpu.memref_slice %arg4[%dma_start3A_295, %add3A_294, %dma_start3A_296] : memref<4x8192x1024xf32, #tpu.memory_space<hbm>> -> memref<1x8x1024xf32, #tpu.memory_space<hbm>>
    %dma_start3A_298 = tpu.memref_squeeze %dma_start3A_297 : memref<1x8x1024xf32, #tpu.memory_space<hbm>> -> memref<8x1024xf32, #tpu.memory_space<hbm>>
    %dma_start3A_299 = arith.constant 0 : i32
    %dma_start3A_300 = tpu.memref_slice %arg4[%dma_start3A_295, %add3A_294, %dma_start3A_299] : memref<4x8192x1024xf32, #tpu.memory_space<hbm>> -> memref<1x8x1024xf32, #tpu.memory_space<hbm>>
    %dma_start3A_301 = tpu.memref_squeeze %dma_start3A_300 : memref<1x8x1024xf32, #tpu.memory_space<hbm>> -> memref<8x1024xf32, #tpu.memory_space<hbm>>
    tpu.enqueue_dma source(%arg15 : memref<8x1024xf32, #tpu.memory_space<vmem>>) target(%dma_start3A_301 : memref<8x1024xf32, #tpu.memory_space<hbm>>) target_semaphore(%arg27 : memref<!tpu.dma_semaphore, #tpu.memory_space<semaphore_mem>>)
    %add3A_302 = arith.constant 0 : i32
    %add3A_303 = arith.addi %mul3A_2, %add3A_302 : i32
    %dma_wait3A_304 = arith.constant 0 : i32
    %dma_wait3A_305 = arith.constant 0 : i32
    %dma_wait3A_306 = tpu.memref_slice %arg4[%dma_wait3A_304, %add3A_303, %dma_wait3A_305] : memref<4x8192x1024xf32, #tpu.memory_space<hbm>> -> memref<1x8x1024xf32, #tpu.memory_space<hbm>>
    %dma_wait3A_307 = tpu.memref_squeeze %dma_wait3A_306 : memref<1x8x1024xf32, #tpu.memory_space<hbm>> -> memref<8x1024xf32, #tpu.memory_space<hbm>>
    %dma_wait3A_308 = arith.constant 0 : i32
    %dma_wait3A_309 = tpu.memref_slice %arg4[%dma_wait3A_304, %add3A_303, %dma_wait3A_308] : memref<4x8192x1024xf32, #tpu.memory_space<hbm>> -> memref<1x8x1024xf32, #tpu.memory_space<hbm>>
    %dma_wait3A_310 = tpu.memref_squeeze %dma_wait3A_309 : memref<1x8x1024xf32, #tpu.memory_space<hbm>> -> memref<8x1024xf32, #tpu.memory_space<hbm>>
    tpu.wait_dma2 semaphore(%arg26 : memref<!tpu.dma_semaphore, #tpu.memory_space<semaphore_mem>>) src(%dma_wait3A_310 : memref<8x1024xf32, #tpu.memory_space<hbm>>) dst(%arg8 : memref<8x1024xf32, #tpu.memory_space<vmem>>)
    %add3A_311 = arith.constant 0 : i32
    %add3A_312 = arith.addi %mul3A_2, %add3A_311 : i32
    %dma_wait3A_313 = arith.constant 1 : i32
    %dma_wait3A_314 = arith.constant 0 : i32
    %dma_wait3A_315 = tpu.memref_slice %arg4[%dma_wait3A_313, %add3A_312, %dma_wait3A_314] : memref<4x8192x1024xf32, #tpu.memory_space<hbm>> -> memref<1x8x1024xf32, #tpu.memory_space<hbm>>
    %dma_wait3A_316 = tpu.memref_squeeze %dma_wait3A_315 : memref<1x8x1024xf32, #tpu.memory_space<hbm>> -> memref<8x1024xf32, #tpu.memory_space<hbm>>
    %dma_wait3A_317 = arith.constant 0 : i32
    %dma_wait3A_318 = tpu.memref_slice %arg4[%dma_wait3A_313, %add3A_312, %dma_wait3A_317] : memref<4x8192x1024xf32, #tpu.memory_space<hbm>> -> memref<1x8x1024xf32, #tpu.memory_space<hbm>>
    %dma_wait3A_319 = tpu.memref_squeeze %dma_wait3A_318 : memref<1x8x1024xf32, #tpu.memory_space<hbm>> -> memref<8x1024xf32, #tpu.memory_space<hbm>>
    tpu.wait_dma2 semaphore(%arg26 : memref<!tpu.dma_semaphore, #tpu.memory_space<semaphore_mem>>) src(%dma_wait3A_319 : memref<8x1024xf32, #tpu.memory_space<hbm>>) dst(%arg9 : memref<8x1024xf32, #tpu.memory_space<vmem>>)
    %add3A_320 = arith.constant 0 : i32
    %add3A_321 = arith.addi %mul3A_2, %add3A_320 : i32
    %dma_wait3A_322 = arith.constant 2 : i32
    %dma_wait3A_323 = arith.constant 0 : i32
    %dma_wait3A_324 = tpu.memref_slice %arg4[%dma_wait3A_322, %add3A_321, %dma_wait3A_323] : memref<4x8192x1024xf32, #tpu.memory_space<hbm>> -> memref<1x8x1024xf32, #tpu.memory_space<hbm>>
    %dma_wait3A_325 = tpu.memref_squeeze %dma_wait3A_324 : memref<1x8x1024xf32, #tpu.memory_space<hbm>> -> memref<8x1024xf32, #tpu.memory_space<hbm>>
    %dma_wait3A_326 = arith.constant 0 : i32
    %dma_wait3A_327 = tpu.memref_slice %arg4[%dma_wait3A_322, %add3A_321, %dma_wait3A_326] : memref<4x8192x1024xf32, #tpu.memory_space<hbm>> -> memref<1x8x1024xf32, #tpu.memory_space<hbm>>
    %dma_wait3A_328 = tpu.memref_squeeze %dma_wait3A_327 : memref<1x8x1024xf32, #tpu.memory_space<hbm>> -> memref<8x1024xf32, #tpu.memory_space<hbm>>
    tpu.wait_dma2 semaphore(%arg26 : memref<!tpu.dma_semaphore, #tpu.memory_space<semaphore_mem>>) src(%dma_wait3A_328 : memref<8x1024xf32, #tpu.memory_space<hbm>>) dst(%arg10 : memref<8x1024xf32, #tpu.memory_space<vmem>>)
    %add3A_329 = arith.constant 0 : i32
    %add3A_330 = arith.addi %mul3A_2, %add3A_329 : i32
    %dma_wait3A_331 = arith.constant 3 : i32
    %dma_wait3A_332 = arith.constant 0 : i32
    %dma_wait3A_333 = tpu.memref_slice %arg4[%dma_wait3A_331, %add3A_330, %dma_wait3A_332] : memref<4x8192x1024xf32, #tpu.memory_space<hbm>> -> memref<1x8x1024xf32, #tpu.memory_space<hbm>>
    %dma_wait3A_334 = tpu.memref_squeeze %dma_wait3A_333 : memref<1x8x1024xf32, #tpu.memory_space<hbm>> -> memref<8x1024xf32, #tpu.memory_space<hbm>>
    %dma_wait3A_335 = arith.constant 0 : i32
    %dma_wait3A_336 = tpu.memref_slice %arg4[%dma_wait3A_331, %add3A_330, %dma_wait3A_335] : memref<4x8192x1024xf32, #tpu.memory_space<hbm>> -> memref<1x8x1024xf32, #tpu.memory_space<hbm>>
    %dma_wait3A_337 = tpu.memref_squeeze %dma_wait3A_336 : memref<1x8x1024xf32, #tpu.memory_space<hbm>> -> memref<8x1024xf32, #tpu.memory_space<hbm>>
    tpu.wait_dma2 semaphore(%arg26 : memref<!tpu.dma_semaphore, #tpu.memory_space<semaphore_mem>>) src(%dma_wait3A_337 : memref<8x1024xf32, #tpu.memory_space<hbm>>) dst(%arg11 : memref<8x1024xf32, #tpu.memory_space<vmem>>)
    %add3A_338 = arith.constant 24 : i32
    %add3A_339 = arith.addi %mul3A_2, %add3A_338 : i32
    %dma_start3A_340 = arith.constant 0 : i32
    %dma_start3A_341 = arith.constant 0 : i32
    %dma_start3A_342 = tpu.memref_slice %arg2[%dma_start3A_340, %add3A_339, %dma_start3A_341] : memref<4x8192x1024xf32, #tpu.memory_space<hbm>> -> memref<1x8x1024xf32, #tpu.memory_space<hbm>>
    %dma_start3A_343 = tpu.memref_squeeze %dma_start3A_342 : memref<1x8x1024xf32, #tpu.memory_space<hbm>> -> memref<8x1024xf32, #tpu.memory_space<hbm>>
    %dma_start3A_344 = arith.constant 0 : i32
    %dma_start3A_345 = tpu.memref_slice %arg2[%dma_start3A_340, %add3A_339, %dma_start3A_344] : memref<4x8192x1024xf32, #tpu.memory_space<hbm>> -> memref<1x8x1024xf32, #tpu.memory_space<hbm>>
    %dma_start3A_346 = tpu.memref_squeeze %dma_start3A_345 : memref<1x8x1024xf32, #tpu.memory_space<hbm>> -> memref<8x1024xf32, #tpu.memory_space<hbm>>
    tpu.enqueue_dma source(%dma_start3A_346 : memref<8x1024xf32, #tpu.memory_space<hbm>>) target(%arg8 : memref<8x1024xf32, #tpu.memory_space<vmem>>) target_semaphore(%arg23 : memref<!tpu.dma_semaphore, #tpu.memory_space<semaphore_mem>>)
    %add3A_347 = arith.constant 24 : i32
    %add3A_348 = arith.addi %mul3A_2, %add3A_347 : i32
    %dma_start3A_349 = arith.constant 1 : i32
    %dma_start3A_350 = arith.constant 0 : i32
    %dma_start3A_351 = tpu.memref_slice %arg2[%dma_start3A_349, %add3A_348, %dma_start3A_350] : memref<4x8192x1024xf32, #tpu.memory_space<hbm>> -> memref<1x8x1024xf32, #tpu.memory_space<hbm>>
    %dma_start3A_352 = tpu.memref_squeeze %dma_start3A_351 : memref<1x8x1024xf32, #tpu.memory_space<hbm>> -> memref<8x1024xf32, #tpu.memory_space<hbm>>
    %dma_start3A_353 = arith.constant 0 : i32
    %dma_start3A_354 = tpu.memref_slice %arg2[%dma_start3A_349, %add3A_348, %dma_start3A_353] : memref<4x8192x1024xf32, #tpu.memory_space<hbm>> -> memref<1x8x1024xf32, #tpu.memory_space<hbm>>
    %dma_start3A_355 = tpu.memref_squeeze %dma_start3A_354 : memref<1x8x1024xf32, #tpu.memory_space<hbm>> -> memref<8x1024xf32, #tpu.memory_space<hbm>>
    tpu.enqueue_dma source(%dma_start3A_355 : memref<8x1024xf32, #tpu.memory_space<hbm>>) target(%arg9 : memref<8x1024xf32, #tpu.memory_space<vmem>>) target_semaphore(%arg23 : memref<!tpu.dma_semaphore, #tpu.memory_space<semaphore_mem>>)
    %add3A_356 = arith.constant 24 : i32
    %add3A_357 = arith.addi %mul3A_2, %add3A_356 : i32
    %dma_start3A_358 = arith.constant 2 : i32
    %dma_start3A_359 = arith.constant 0 : i32
    %dma_start3A_360 = tpu.memref_slice %arg2[%dma_start3A_358, %add3A_357, %dma_start3A_359] : memref<4x8192x1024xf32, #tpu.memory_space<hbm>> -> memref<1x8x1024xf32, #tpu.memory_space<hbm>>
    %dma_start3A_361 = tpu.memref_squeeze %dma_start3A_360 : memref<1x8x1024xf32, #tpu.memory_space<hbm>> -> memref<8x1024xf32, #tpu.memory_space<hbm>>
    %dma_start3A_362 = arith.constant 0 : i32
    %dma_start3A_363 = tpu.memref_slice %arg2[%dma_start3A_358, %add3A_357, %dma_start3A_362] : memref<4x8192x1024xf32, #tpu.memory_space<hbm>> -> memref<1x8x1024xf32, #tpu.memory_space<hbm>>
    %dma_start3A_364 = tpu.memref_squeeze %dma_start3A_363 : memref<1x8x1024xf32, #tpu.memory_space<hbm>> -> memref<8x1024xf32, #tpu.memory_space<hbm>>
    tpu.enqueue_dma source(%dma_start3A_364 : memref<8x1024xf32, #tpu.memory_space<hbm>>) target(%arg10 : memref<8x1024xf32, #tpu.memory_space<vmem>>) target_semaphore(%arg23 : memref<!tpu.dma_semaphore, #tpu.memory_space<semaphore_mem>>)
    %add3A_365 = arith.constant 24 : i32
    %add3A_366 = arith.addi %mul3A_2, %add3A_365 : i32
    %dma_start3A_367 = arith.constant 3 : i32
    %dma_start3A_368 = arith.constant 0 : i32
    %dma_start3A_369 = tpu.memref_slice %arg2[%dma_start3A_367, %add3A_366, %dma_start3A_368] : memref<4x8192x1024xf32, #tpu.memory_space<hbm>> -> memref<1x8x1024xf32, #tpu.memory_space<hbm>>
    %dma_start3A_370 = tpu.memref_squeeze %dma_start3A_369 : memref<1x8x1024xf32, #tpu.memory_space<hbm>> -> memref<8x1024xf32, #tpu.memory_space<hbm>>
    %dma_start3A_371 = arith.constant 0 : i32
    %dma_start3A_372 = tpu.memref_slice %arg2[%dma_start3A_367, %add3A_366, %dma_start3A_371] : memref<4x8192x1024xf32, #tpu.memory_space<hbm>> -> memref<1x8x1024xf32, #tpu.memory_space<hbm>>
    %dma_start3A_373 = tpu.memref_squeeze %dma_start3A_372 : memref<1x8x1024xf32, #tpu.memory_space<hbm>> -> memref<8x1024xf32, #tpu.memory_space<hbm>>
    tpu.enqueue_dma source(%dma_start3A_373 : memref<8x1024xf32, #tpu.memory_space<hbm>>) target(%arg11 : memref<8x1024xf32, #tpu.memory_space<vmem>>) target_semaphore(%arg23 : memref<!tpu.dma_semaphore, #tpu.memory_space<semaphore_mem>>)
    %add3A_374 = arith.constant 32 : i32
    %add3A_375 = arith.addi %mul3A_2, %add3A_374 : i32
    %dma_start3A_376 = arith.constant 0 : i32
    %dma_start3A_377 = tpu.memref_slice %arg3[%add3A_375, %dma_start3A_376] : memref<8192x1024xf32, #tpu.memory_space<hbm>> -> memref<8x1024xf32, #tpu.memory_space<hbm>>
    %dma_start3A_378 = arith.constant 0 : i32
    %dma_start3A_379 = tpu.memref_slice %arg3[%add3A_375, %dma_start3A_378] : memref<8192x1024xf32, #tpu.memory_space<hbm>> -> memref<8x1024xf32, #tpu.memory_space<hbm>>
    tpu.enqueue_dma source(%dma_start3A_379 : memref<8x1024xf32, #tpu.memory_space<hbm>>) target(%arg6 : memref<8x1024xf32, #tpu.memory_space<vmem>>) target_semaphore(%arg21 : memref<!tpu.dma_semaphore, #tpu.memory_space<semaphore_mem>>)
    %scan3A_380 = arith.constant 0 : i32
    %scan3A_381 = arith.constant 0 : i32
    %scan3A_382 = arith.constant 10 : i32
    %scan3A_383 = arith.addi %scan3A_381, %scan3A_382 : i32
    %scan3A_384 = arith.constant 1 : i32
    %scan3A_385 = scf.for %scan3A_423 = %scan3A_381 to %scan3A_383 step %scan3A_384 iter_args(%scan3A_424 = %scan3A_380) -> (i32)  : i32 {
      %mul3A_425 = arith.constant 3 : i32
      %mul3A_426 = arith.muli %scan3A_423, %mul3A_425 : i32
      %add3A_427 = arith.constant 2 : i32
      %add3A_428 = arith.addi %mul3A_426, %add3A_427 : i32
      %add3A_429 = arith.constant 0 : i32
      %add3A_430 = arith.addi %add3A_428, %add3A_429 : i32
      %lt3A = arith.constant 9 : i32
      %lt3A_431 = arith.cmpi slt, %scan3A_423, %lt3A : i32
      %mul3A_432 = arith.constant 8 : i32
      %mul3A_433 = arith.muli %add3A_430, %mul3A_432 : i32
      %add3A_434 = arith.addi %mul3A_2, %mul3A_433 : i32
      %dma_wait3A_435 = arith.constant 0 : i32
      %dma_wait3A_436 = tpu.memref_slice %arg3[%add3A_434, %dma_wait3A_435] : memref<8192x1024xf32, #tpu.memory_space<hbm>> -> memref<8x1024xf32, #tpu.memory_space<hbm>>
      %dma_wait3A_437 = arith.constant 0 : i32
      %dma_wait3A_438 = tpu.memref_slice %arg3[%add3A_434, %dma_wait3A_437] : memref<8192x1024xf32, #tpu.memory_space<hbm>> -> memref<8x1024xf32, #tpu.memory_space<hbm>>
      tpu.wait_dma2 semaphore(%arg22 : memref<!tpu.dma_semaphore, #tpu.memory_space<semaphore_mem>>) src(%dma_wait3A_438 : memref<8x1024xf32, #tpu.memory_space<hbm>>) dst(%arg7 : memref<8x1024xf32, #tpu.memory_space<vmem>>)
      %mul3A_439 = arith.constant 8 : i32
      %mul3A_440 = arith.muli %add3A_430, %mul3A_439 : i32
      %add3A_441 = arith.addi %mul3A_2, %mul3A_440 : i32
      %dma_wait3A_442 = arith.constant 0 : i32
      %dma_wait3A_443 = arith.constant 0 : i32
      %dma_wait3A_444 = tpu.memref_slice %arg2[%dma_wait3A_442, %add3A_441, %dma_wait3A_443] : memref<4x8192x1024xf32, #tpu.memory_space<hbm>> -> memref<1x8x1024xf32, #tpu.memory_space<hbm>>
      %dma_wait3A_445 = tpu.memref_squeeze %dma_wait3A_444 : memref<1x8x1024xf32, #tpu.memory_space<hbm>> -> memref<8x1024xf32, #tpu.memory_space<hbm>>
      %dma_wait3A_446 = arith.constant 0 : i32
      %dma_wait3A_447 = tpu.memref_slice %arg2[%dma_wait3A_442, %add3A_441, %dma_wait3A_446] : memref<4x8192x1024xf32, #tpu.memory_space<hbm>> -> memref<1x8x1024xf32, #tpu.memory_space<hbm>>
      %dma_wait3A_448 = tpu.memref_squeeze %dma_wait3A_447 : memref<1x8x1024xf32, #tpu.memory_space<hbm>> -> memref<8x1024xf32, #tpu.memory_space<hbm>>
      tpu.wait_dma2 semaphore(%arg25 : memref<!tpu.dma_semaphore, #tpu.memory_space<semaphore_mem>>) src(%dma_wait3A_448 : memref<8x1024xf32, #tpu.memory_space<hbm>>) dst(%arg16 : memref<8x1024xf32, #tpu.memory_space<vmem>>)
      %mul3A_449 = arith.constant 8 : i32
      %mul3A_450 = arith.muli %add3A_430, %mul3A_449 : i32
      %add3A_451 = arith.addi %mul3A_2, %mul3A_450 : i32
      %dma_wait3A_452 = arith.constant 1 : i32
      %dma_wait3A_453 = arith.constant 0 : i32
      %dma_wait3A_454 = tpu.memref_slice %arg2[%dma_wait3A_452, %add3A_451, %dma_wait3A_453] : memref<4x8192x1024xf32, #tpu.memory_space<hbm>> -> memref<1x8x1024xf32, #tpu.memory_space<hbm>>
      %dma_wait3A_455 = tpu.memref_squeeze %dma_wait3A_454 : memref<1x8x1024xf32, #tpu.memory_space<hbm>> -> memref<8x1024xf32, #tpu.memory_space<hbm>>
      %dma_wait3A_456 = arith.constant 0 : i32
      %dma_wait3A_457 = tpu.memref_slice %arg2[%dma_wait3A_452, %add3A_451, %dma_wait3A_456] : memref<4x8192x1024xf32, #tpu.memory_space<hbm>> -> memref<1x8x1024xf32, #tpu.memory_space<hbm>>
      %dma_wait3A_458 = tpu.memref_squeeze %dma_wait3A_457 : memref<1x8x1024xf32, #tpu.memory_space<hbm>> -> memref<8x1024xf32, #tpu.memory_space<hbm>>
      tpu.wait_dma2 semaphore(%arg25 : memref<!tpu.dma_semaphore, #tpu.memory_space<semaphore_mem>>) src(%dma_wait3A_458 : memref<8x1024xf32, #tpu.memory_space<hbm>>) dst(%arg17 : memref<8x1024xf32, #tpu.memory_space<vmem>>)
      %mul3A_459 = arith.constant 8 : i32
      %mul3A_460 = arith.muli %add3A_430, %mul3A_459 : i32
      %add3A_461 = arith.addi %mul3A_2, %mul3A_460 : i32
      %dma_wait3A_462 = arith.constant 2 : i32
      %dma_wait3A_463 = arith.constant 0 : i32
      %dma_wait3A_464 = tpu.memref_slice %arg2[%dma_wait3A_462, %add3A_461, %dma_wait3A_463] : memref<4x8192x1024xf32, #tpu.memory_space<hbm>> -> memref<1x8x1024xf32, #tpu.memory_space<hbm>>
      %dma_wait3A_465 = tpu.memref_squeeze %dma_wait3A_464 : memref<1x8x1024xf32, #tpu.memory_space<hbm>> -> memref<8x1024xf32, #tpu.memory_space<hbm>>
      %dma_wait3A_466 = arith.constant 0 : i32
      %dma_wait3A_467 = tpu.memref_slice %arg2[%dma_wait3A_462, %add3A_461, %dma_wait3A_466] : memref<4x8192x1024xf32, #tpu.memory_space<hbm>> -> memref<1x8x1024xf32, #tpu.memory_space<hbm>>
      %dma_wait3A_468 = tpu.memref_squeeze %dma_wait3A_467 : memref<1x8x1024xf32, #tpu.memory_space<hbm>> -> memref<8x1024xf32, #tpu.memory_space<hbm>>
      tpu.wait_dma2 semaphore(%arg25 : memref<!tpu.dma_semaphore, #tpu.memory_space<semaphore_mem>>) src(%dma_wait3A_468 : memref<8x1024xf32, #tpu.memory_space<hbm>>) dst(%arg18 : memref<8x1024xf32, #tpu.memory_space<vmem>>)
      %mul3A_469 = arith.constant 8 : i32
      %mul3A_470 = arith.muli %add3A_430, %mul3A_469 : i32
      %add3A_471 = arith.addi %mul3A_2, %mul3A_470 : i32
      %dma_wait3A_472 = arith.constant 3 : i32
      %dma_wait3A_473 = arith.constant 0 : i32
      %dma_wait3A_474 = tpu.memref_slice %arg2[%dma_wait3A_472, %add3A_471, %dma_wait3A_473] : memref<4x8192x1024xf32, #tpu.memory_space<hbm>> -> memref<1x8x1024xf32, #tpu.memory_space<hbm>>
      %dma_wait3A_475 = tpu.memref_squeeze %dma_wait3A_474 : memref<1x8x1024xf32, #tpu.memory_space<hbm>> -> memref<8x1024xf32, #tpu.memory_space<hbm>>
      %dma_wait3A_476 = arith.constant 0 : i32
      %dma_wait3A_477 = tpu.memref_slice %arg2[%dma_wait3A_472, %add3A_471, %dma_wait3A_476] : memref<4x8192x1024xf32, #tpu.memory_space<hbm>> -> memref<1x8x1024xf32, #tpu.memory_space<hbm>>
      %dma_wait3A_478 = tpu.memref_squeeze %dma_wait3A_477 : memref<1x8x1024xf32, #tpu.memory_space<hbm>> -> memref<8x1024xf32, #tpu.memory_space<hbm>>
      tpu.wait_dma2 semaphore(%arg25 : memref<!tpu.dma_semaphore, #tpu.memory_space<semaphore_mem>>) src(%dma_wait3A_478 : memref<8x1024xf32, #tpu.memory_space<hbm>>) dst(%arg19 : memref<8x1024xf32, #tpu.memory_space<vmem>>)
      %scan3A_479 = arith.constant 0 : i32
      %scan3A_480 = arith.constant 0 : i32
      %scan3A_481 = arith.constant 128 : i32
      %scan3A_482 = arith.addi %scan3A_480, %scan3A_481 : i32
      %scan3A_483 = arith.constant 1 : i32
      %scan3A_484 = scf.for %scan3A_911 = %scan3A_480 to %scan3A_482 step %scan3A_483 iter_args(%scan3A_912 = %scan3A_479) -> (i32)  : i32 {
        %shift_right_arithmetic3A = arith.constant 4 : i32
        %shift_right_arithmetic3A_913 = arith.shrsi %scan3A_911, %shift_right_arithmetic3A : i32
        %and3A = arith.constant 15 : i32
        %and3A_914 = arith.andi %scan3A_911, %and3A : i32
        %mul3A_915 = arith.constant 64 : i32
        %mul3A_916 = arith.muli %and3A_914, %mul3A_915 : i32
        %add3A_917 = arith.constant 0 : i32
        %add3A_918 = arith.addi %mul3A_916, %add3A_917 : i32
        %get3A = arith.index_cast %shift_right_arithmetic3A_913 : i32 to index
        %get3A_919 = arith.index_cast %add3A_918 : i32 to index
        %get3A_920 = tpu.vector_load %arg7[%get3A, %get3A_919] {strides = array<i32>} : memref<8x1024xf32, #tpu.memory_space<vmem>>, vector<1x16xf32>,
        %get3A_921 = vector.shape_cast %get3A_920 : vector<1x16xf32> to vector<16xf32>
        %get3A_922 = arith.index_cast %shift_right_arithmetic3A_913 : i32 to index
        %get3A_923 = arith.index_cast %add3A_918 : i32 to index
        %get3A_924 = tpu.vector_load %arg16[%get3A_922, %get3A_923] {strides = array<i32>} : memref<8x1024xf32, #tpu.memory_space<vmem>>, vector<1x16xf32>,
        %get3A_925 = vector.shape_cast %get3A_924 : vector<1x16xf32> to vector<16xf32>
        %add3A_926 = arith.addf %get3A_925, %get3A_921 : vector<16xf32>
        %swap3A = arith.index_cast %shift_right_arithmetic3A_913 : i32 to index
        %swap3A_927 = arith.index_cast %add3A_918 : i32 to index
        %swap3A_928 = tpu.vector_load %arg16[%swap3A, %swap3A_927] {strides = array<i32>} : memref<8x1024xf32, #tpu.memory_space<vmem>>, vector<1x16xf32>,
        %swap3A_929 = vector.shape_cast %swap3A_928 : vector<1x16xf32> to vector<16xf32>
        %swap3A_930 = vector.shape_cast %add3A_926 : vector<16xf32> to vector<1x16xf32>
        tpu.vector_store %arg16[%swap3A, %swap3A_927], %swap3A_930 {strides = array<i32>} : memref<8x1024xf32, #tpu.memory_space<vmem>>, vector<1x16xf32>,
        %get3A_931 = arith.index_cast %shift_right_arithmetic3A_913 : i32 to index
        %get3A_932 = arith.index_cast %add3A_918 : i32 to index
        %get3A_933 = tpu.vector_load %arg17[%get3A_931, %get3A_932] {strides = array<i32>} : memref<8x1024xf32, #tpu.memory_space<vmem>>, vector<1x16xf32>,
        %get3A_934 = vector.shape_cast %get3A_933 : vector<1x16xf32> to vector<16xf32>
        %add3A_935 = arith.addf %get3A_934, %get3A_921 : vector<16xf32>
        %swap3A_936 = arith.index_cast %shift_right_arithmetic3A_913 : i32 to index
        %swap3A_937 = arith.index_cast %add3A_918 : i32 to index
        %swap3A_938 = tpu.vector_load %arg17[%swap3A_936, %swap3A_937] {strides = array<i32>} : memref<8x1024xf32, #tpu.memory_space<vmem>>, vector<1x16xf32>,
        %swap3A_939 = vector.shape_cast %swap3A_938 : vector<1x16xf32> to vector<16xf32>
        %swap3A_940 = vector.shape_cast %add3A_935 : vector<16xf32> to vector<1x16xf32>
        tpu.vector_store %arg17[%swap3A_936, %swap3A_937], %swap3A_940 {strides = array<i32>} : memref<8x1024xf32, #tpu.memory_space<vmem>>, vector<1x16xf32>,
        %get3A_941 = arith.index_cast %shift_right_arithmetic3A_913 : i32 to index
        %get3A_942 = arith.index_cast %add3A_918 : i32 to index
        %get3A_943 = tpu.vector_load %arg18[%get3A_941, %get3A_942] {strides = array<i32>} : memref<8x1024xf32, #tpu.memory_space<vmem>>, vector<1x16xf32>,
        %get3A_944 = vector.shape_cast %get3A_943 : vector<1x16xf32> to vector<16xf32>
        %add3A_945 = arith.addf %get3A_944, %get3A_921 : vector<16xf32>
        %swap3A_946 = arith.index_cast %shift_right_arithmetic3A_913 : i32 to index
        %swap3A_947 = arith.index_cast %add3A_918 : i32 to index
        %swap3A_948 = tpu.vector_load %arg18[%swap3A_946, %swap3A_947] {strides = array<i32>} : memref<8x1024xf32, #tpu.memory_space<vmem>>, vector<1x16xf32>,
        %swap3A_949 = vector.shape_cast %swap3A_948 : vector<1x16xf32> to vector<16xf32>
        %swap3A_950 = vector.shape_cast %add3A_945 : vector<16xf32> to vector<1x16xf32>
        tpu.vector_store %arg18[%swap3A_946, %swap3A_947], %swap3A_950 {strides = array<i32>} : memref<8x1024xf32, #tpu.memory_space<vmem>>, vector<1x16xf32>,
        %get3A_951 = arith.index_cast %shift_right_arithmetic3A_913 : i32 to index
        %get3A_952 = arith.index_cast %add3A_918 : i32 to index
        %get3A_953 = tpu.vector_load %arg19[%get3A_951, %get3A_952] {strides = array<i32>} : memref<8x1024xf32, #tpu.memory_space<vmem>>, vector<1x16xf32>,
        %get3A_954 = vector.shape_cast %get3A_953 : vector<1x16xf32> to vector<16xf32>
        %add3A_955 = arith.addf %get3A_954, %get3A_921 : vector<16xf32>
        %swap3A_956 = arith.index_cast %shift_right_arithmetic3A_913 : i32 to index
        %swap3A_957 = arith.index_cast %add3A_918 : i32 to index
        %swap3A_958 = tpu.vector_load %arg19[%swap3A_956, %swap3A_957] {strides = array<i32>} : memref<8x1024xf32, #tpu.memory_space<vmem>>, vector<1x16xf32>,
        %swap3A_959 = vector.shape_cast %swap3A_958 : vector<1x16xf32> to vector<16xf32>
        %swap3A_960 = vector.shape_cast %add3A_955 : vector<16xf32> to vector<1x16xf32>
        tpu.vector_store %arg19[%swap3A_956, %swap3A_957], %swap3A_960 {strides = array<i32>} : memref<8x1024xf32, #tpu.memory_space<vmem>>, vector<1x16xf32>,
        %add3A_961 = arith.constant 16 : i32
        %add3A_962 = arith.addi %mul3A_916, %add3A_961 : i32
        %get3A_963 = arith.index_cast %shift_right_arithmetic3A_913 : i32 to index
        %get3A_964 = arith.index_cast %add3A_962 : i32 to index
        %get3A_965 = tpu.vector_load %arg7[%get3A_963, %get3A_964] {strides = array<i32>} : memref<8x1024xf32, #tpu.memory_space<vmem>>, vector<1x16xf32>,
        %get3A_966 = vector.shape_cast %get3A_965 : vector<1x16xf32> to vector<16xf32>
        %get3A_967 = arith.index_cast %shift_right_arithmetic3A_913 : i32 to index
        %get3A_968 = arith.index_cast %add3A_962 : i32 to index
        %get3A_969 = tpu.vector_load %arg16[%get3A_967, %get3A_968] {strides = array<i32>} : memref<8x1024xf32, #tpu.memory_space<vmem>>, vector<1x16xf32>,
        %get3A_970 = vector.shape_cast %get3A_969 : vector<1x16xf32> to vector<16xf32>
        %add3A_971 = arith.addf %get3A_970, %get3A_966 : vector<16xf32>
        %swap3A_972 = arith.index_cast %shift_right_arithmetic3A_913 : i32 to index
        %swap3A_973 = arith.index_cast %add3A_962 : i32 to index
        %swap3A_974 = tpu.vector_load %arg16[%swap3A_972, %swap3A_973] {strides = array<i32>} : memref<8x1024xf32, #tpu.memory_space<vmem>>, vector<1x16xf32>,
        %swap3A_975 = vector.shape_cast %swap3A_974 : vector<1x16xf32> to vector<16xf32>
        %swap3A_976 = vector.shape_cast %add3A_971 : vector<16xf32> to vector<1x16xf32>
        tpu.vector_store %arg16[%swap3A_972, %swap3A_973], %swap3A_976 {strides = array<i32>} : memref<8x1024xf32, #tpu.memory_space<vmem>>, vector<1x16xf32>,
        %get3A_977 = arith.index_cast %shift_right_arithmetic3A_913 : i32 to index
        %get3A_978 = arith.index_cast %add3A_962 : i32 to index
        %get3A_979 = tpu.vector_load %arg17[%get3A_977, %get3A_978] {strides = array<i32>} : memref<8x1024xf32, #tpu.memory_space<vmem>>, vector<1x16xf32>,
        %get3A_980 = vector.shape_cast %get3A_979 : vector<1x16xf32> to vector<16xf32>
        %add3A_981 = arith.addf %get3A_980, %get3A_966 : vector<16xf32>
        %swap3A_982 = arith.index_cast %shift_right_arithmetic3A_913 : i32 to index
        %swap3A_983 = arith.index_cast %add3A_962 : i32 to index
        %swap3A_984 = tpu.vector_load %arg17[%swap3A_982, %swap3A_983] {strides = array<i32>} : memref<8x1024xf32, #tpu.memory_space<vmem>>, vector<1x16xf32>,
        %swap3A_985 = vector.shape_cast %swap3A_984 : vector<1x16xf32> to vector<16xf32>
        %swap3A_986 = vector.shape_cast %add3A_981 : vector<16xf32> to vector<1x16xf32>
        tpu.vector_store %arg17[%swap3A_982, %swap3A_983], %swap3A_986 {strides = array<i32>} : memref<8x1024xf32, #tpu.memory_space<vmem>>, vector<1x16xf32>,
        %get3A_987 = arith.index_cast %shift_right_arithmetic3A_913 : i32 to index
        %get3A_988 = arith.index_cast %add3A_962 : i32 to index
        %get3A_989 = tpu.vector_load %arg18[%get3A_987, %get3A_988] {strides = array<i32>} : memref<8x1024xf32, #tpu.memory_space<vmem>>, vector<1x16xf32>,
        %get3A_990 = vector.shape_cast %get3A_989 : vector<1x16xf32> to vector<16xf32>
        %add3A_991 = arith.addf %get3A_990, %get3A_966 : vector<16xf32>
        %swap3A_992 = arith.index_cast %shift_right_arithmetic3A_913 : i32 to index
        %swap3A_993 = arith.index_cast %add3A_962 : i32 to index
        %swap3A_994 = tpu.vector_load %arg18[%swap3A_992, %swap3A_993] {strides = array<i32>} : memref<8x1024xf32, #tpu.memory_space<vmem>>, vector<1x16xf32>,
        %swap3A_995 = vector.shape_cast %swap3A_994 : vector<1x16xf32> to vector<16xf32>
        %swap3A_996 = vector.shape_cast %add3A_991 : vector<16xf32> to vector<1x16xf32>
        tpu.vector_store %arg18[%swap3A_992, %swap3A_993], %swap3A_996 {strides = array<i32>} : memref<8x1024xf32, #tpu.memory_space<vmem>>, vector<1x16xf32>,
        %get3A_997 = arith.index_cast %shift_right_arithmetic3A_913 : i32 to index
        %get3A_998 = arith.index_cast %add3A_962 : i32 to index
        %get3A_999 = tpu.vector_load %arg19[%get3A_997, %get3A_998] {strides = array<i32>} : memref<8x1024xf32, #tpu.memory_space<vmem>>, vector<1x16xf32>,
        %get3A_1000 = vector.shape_cast %get3A_999 : vector<1x16xf32> to vector<16xf32>
        %add3A_1001 = arith.addf %get3A_1000, %get3A_966 : vector<16xf32>
        %swap3A_1002 = arith.index_cast %shift_right_arithmetic3A_913 : i32 to index
        %swap3A_1003 = arith.index_cast %add3A_962 : i32 to index
        %swap3A_1004 = tpu.vector_load %arg19[%swap3A_1002, %swap3A_1003] {strides = array<i32>} : memref<8x1024xf32, #tpu.memory_space<vmem>>, vector<1x16xf32>,
        %swap3A_1005 = vector.shape_cast %swap3A_1004 : vector<1x16xf32> to vector<16xf32>
        %swap3A_1006 = vector.shape_cast %add3A_1001 : vector<16xf32> to vector<1x16xf32>
        tpu.vector_store %arg19[%swap3A_1002, %swap3A_1003], %swap3A_1006 {strides = array<i32>} : memref<8x1024xf32, #tpu.memory_space<vmem>>, vector<1x16xf32>,
        %add3A_1007 = arith.constant 32 : i32
        %add3A_1008 = arith.addi %mul3A_916, %add3A_1007 : i32
        %get3A_1009 = arith.index_cast %shift_right_arithmetic3A_913 : i32 to index
        %get3A_1010 = arith.index_cast %add3A_1008 : i32 to index
        %get3A_1011 = tpu.vector_load %arg7[%get3A_1009, %get3A_1010] {strides = array<i32>} : memref<8x1024xf32, #tpu.memory_space<vmem>>, vector<1x16xf32>,
        %get3A_1012 = vector.shape_cast %get3A_1011 : vector<1x16xf32> to vector<16xf32>
        %get3A_1013 = arith.index_cast %shift_right_arithmetic3A_913 : i32 to index
        %get3A_1014 = arith.index_cast %add3A_1008 : i32 to index
        %get3A_1015 = tpu.vector_load %arg16[%get3A_1013, %get3A_1014] {strides = array<i32>} : memref<8x1024xf32, #tpu.memory_space<vmem>>, vector<1x16xf32>,
        %get3A_1016 = vector.shape_cast %get3A_1015 : vector<1x16xf32> to vector<16xf32>
        %add3A_1017 = arith.addf %get3A_1016, %get3A_1012 : vector<16xf32>
        %swap3A_1018 = arith.index_cast %shift_right_arithmetic3A_913 : i32 to index
        %swap3A_1019 = arith.index_cast %add3A_1008 : i32 to index
        %swap3A_1020 = tpu.vector_load %arg16[%swap3A_1018, %swap3A_1019] {strides = array<i32>} : memref<8x1024xf32, #tpu.memory_space<vmem>>, vector<1x16xf32>,
        %swap3A_1021 = vector.shape_cast %swap3A_1020 : vector<1x16xf32> to vector<16xf32>
        %swap3A_1022 = vector.shape_cast %add3A_1017 : vector<16xf32> to vector<1x16xf32>
        tpu.vector_store %arg16[%swap3A_1018, %swap3A_1019], %swap3A_1022 {strides = array<i32>} : memref<8x1024xf32, #tpu.memory_space<vmem>>, vector<1x16xf32>,
        %get3A_1023 = arith.index_cast %shift_right_arithmetic3A_913 : i32 to index
        %get3A_1024 = arith.index_cast %add3A_1008 : i32 to index
        %get3A_1025 = tpu.vector_load %arg17[%get3A_1023, %get3A_1024] {strides = array<i32>} : memref<8x1024xf32, #tpu.memory_space<vmem>>, vector<1x16xf32>,
        %get3A_1026 = vector.shape_cast %get3A_1025 : vector<1x16xf32> to vector<16xf32>
        %add3A_1027 = arith.addf %get3A_1026, %get3A_1012 : vector<16xf32>
        %swap3A_1028 = arith.index_cast %shift_right_arithmetic3A_913 : i32 to index
        %swap3A_1029 = arith.index_cast %add3A_1008 : i32 to index
        %swap3A_1030 = tpu.vector_load %arg17[%swap3A_1028, %swap3A_1029] {strides = array<i32>} : memref<8x1024xf32, #tpu.memory_space<vmem>>, vector<1x16xf32>,
        %swap3A_1031 = vector.shape_cast %swap3A_1030 : vector<1x16xf32> to vector<16xf32>
        %swap3A_1032 = vector.shape_cast %add3A_1027 : vector<16xf32> to vector<1x16xf32>
        tpu.vector_store %arg17[%swap3A_1028, %swap3A_1029], %swap3A_1032 {strides = array<i32>} : memref<8x1024xf32, #tpu.memory_space<vmem>>, vector<1x16xf32>,
        %get3A_1033 = arith.index_cast %shift_right_arithmetic3A_913 : i32 to index
        %get3A_1034 = arith.index_cast %add3A_1008 : i32 to index
        %get3A_1035 = tpu.vector_load %arg18[%get3A_1033, %get3A_1034] {strides = array<i32>} : memref<8x1024xf32, #tpu.memory_space<vmem>>, vector<1x16xf32>,
        %get3A_1036 = vector.shape_cast %get3A_1035 : vector<1x16xf32> to vector<16xf32>
        %add3A_1037 = arith.addf %get3A_1036, %get3A_1012 : vector<16xf32>
        %swap3A_1038 = arith.index_cast %shift_right_arithmetic3A_913 : i32 to index
        %swap3A_1039 = arith.index_cast %add3A_1008 : i32 to index
        %swap3A_1040 = tpu.vector_load %arg18[%swap3A_1038, %swap3A_1039] {strides = array<i32>} : memref<8x1024xf32, #tpu.memory_space<vmem>>, vector<1x16xf32>,
        %swap3A_1041 = vector.shape_cast %swap3A_1040 : vector<1x16xf32> to vector<16xf32>
        %swap3A_1042 = vector.shape_cast %add3A_1037 : vector<16xf32> to vector<1x16xf32>
        tpu.vector_store %arg18[%swap3A_1038, %swap3A_1039], %swap3A_1042 {strides = array<i32>} : memref<8x1024xf32, #tpu.memory_space<vmem>>, vector<1x16xf32>,
        %get3A_1043 = arith.index_cast %shift_right_arithmetic3A_913 : i32 to index
        %get3A_1044 = arith.index_cast %add3A_1008 : i32 to index
        %get3A_1045 = tpu.vector_load %arg19[%get3A_1043, %get3A_1044] {strides = array<i32>} : memref<8x1024xf32, #tpu.memory_space<vmem>>, vector<1x16xf32>,
        %get3A_1046 = vector.shape_cast %get3A_1045 : vector<1x16xf32> to vector<16xf32>
        %add3A_1047 = arith.addf %get3A_1046, %get3A_1012 : vector<16xf32>
        %swap3A_1048 = arith.index_cast %shift_right_arithmetic3A_913 : i32 to index
        %swap3A_1049 = arith.index_cast %add3A_1008 : i32 to index
        %swap3A_1050 = tpu.vector_load %arg19[%swap3A_1048, %swap3A_1049] {strides = array<i32>} : memref<8x1024xf32, #tpu.memory_space<vmem>>, vector<1x16xf32>,
        %swap3A_1051 = vector.shape_cast %swap3A_1050 : vector<1x16xf32> to vector<16xf32>
        %swap3A_1052 = vector.shape_cast %add3A_1047 : vector<16xf32> to vector<1x16xf32>
        tpu.vector_store %arg19[%swap3A_1048, %swap3A_1049], %swap3A_1052 {strides = array<i32>} : memref<8x1024xf32, #tpu.memory_space<vmem>>, vector<1x16xf32>,
        %add3A_1053 = arith.constant 48 : i32
        %add3A_1054 = arith.addi %mul3A_916, %add3A_1053 : i32
        %get3A_1055 = arith.index_cast %shift_right_arithmetic3A_913 : i32 to index
        %get3A_1056 = arith.index_cast %add3A_1054 : i32 to index
        %get3A_1057 = tpu.vector_load %arg7[%get3A_1055, %get3A_1056] {strides = array<i32>} : memref<8x1024xf32, #tpu.memory_space<vmem>>, vector<1x16xf32>,
        %get3A_1058 = vector.shape_cast %get3A_1057 : vector<1x16xf32> to vector<16xf32>
        %get3A_1059 = arith.index_cast %shift_right_arithmetic3A_913 : i32 to index
        %get3A_1060 = arith.index_cast %add3A_1054 : i32 to index
        %get3A_1061 = tpu.vector_load %arg16[%get3A_1059, %get3A_1060] {strides = array<i32>} : memref<8x1024xf32, #tpu.memory_space<vmem>>, vector<1x16xf32>,
        %get3A_1062 = vector.shape_cast %get3A_1061 : vector<1x16xf32> to vector<16xf32>
        %add3A_1063 = arith.addf %get3A_1062, %get3A_1058 : vector<16xf32>
        %swap3A_1064 = arith.index_cast %shift_right_arithmetic3A_913 : i32 to index
        %swap3A_1065 = arith.index_cast %add3A_1054 : i32 to index
        %swap3A_1066 = tpu.vector_load %arg16[%swap3A_1064, %swap3A_1065] {strides = array<i32>} : memref<8x1024xf32, #tpu.memory_space<vmem>>, vector<1x16xf32>,
        %swap3A_1067 = vector.shape_cast %swap3A_1066 : vector<1x16xf32> to vector<16xf32>
        %swap3A_1068 = vector.shape_cast %add3A_1063 : vector<16xf32> to vector<1x16xf32>
        tpu.vector_store %arg16[%swap3A_1064, %swap3A_1065], %swap3A_1068 {strides = array<i32>} : memref<8x1024xf32, #tpu.memory_space<vmem>>, vector<1x16xf32>,
        %get3A_1069 = arith.index_cast %shift_right_arithmetic3A_913 : i32 to index
        %get3A_1070 = arith.index_cast %add3A_1054 : i32 to index
        %get3A_1071 = tpu.vector_load %arg17[%get3A_1069, %get3A_1070] {strides = array<i32>} : memref<8x1024xf32, #tpu.memory_space<vmem>>, vector<1x16xf32>,
        %get3A_1072 = vector.shape_cast %get3A_1071 : vector<1x16xf32> to vector<16xf32>
        %add3A_1073 = arith.addf %get3A_1072, %get3A_1058 : vector<16xf32>
        %swap3A_1074 = arith.index_cast %shift_right_arithmetic3A_913 : i32 to index
        %swap3A_1075 = arith.index_cast %add3A_1054 : i32 to index
        %swap3A_1076 = tpu.vector_load %arg17[%swap3A_1074, %swap3A_1075] {strides = array<i32>} : memref<8x1024xf32, #tpu.memory_space<vmem>>, vector<1x16xf32>,
        %swap3A_1077 = vector.shape_cast %swap3A_1076 : vector<1x16xf32> to vector<16xf32>
        %swap3A_1078 = vector.shape_cast %add3A_1073 : vector<16xf32> to vector<1x16xf32>
        tpu.vector_store %arg17[%swap3A_1074, %swap3A_1075], %swap3A_1078 {strides = array<i32>} : memref<8x1024xf32, #tpu.memory_space<vmem>>, vector<1x16xf32>,
        %get3A_1079 = arith.index_cast %shift_right_arithmetic3A_913 : i32 to index
        %get3A_1080 = arith.index_cast %add3A_1054 : i32 to index
        %get3A_1081 = tpu.vector_load %arg18[%get3A_1079, %get3A_1080] {strides = array<i32>} : memref<8x1024xf32, #tpu.memory_space<vmem>>, vector<1x16xf32>,
        %get3A_1082 = vector.shape_cast %get3A_1081 : vector<1x16xf32> to vector<16xf32>
        %add3A_1083 = arith.addf %get3A_1082, %get3A_1058 : vector<16xf32>
        %swap3A_1084 = arith.index_cast %shift_right_arithmetic3A_913 : i32 to index
        %swap3A_1085 = arith.index_cast %add3A_1054 : i32 to index
        %swap3A_1086 = tpu.vector_load %arg18[%swap3A_1084, %swap3A_1085] {strides = array<i32>} : memref<8x1024xf32, #tpu.memory_space<vmem>>, vector<1x16xf32>,
        %swap3A_1087 = vector.shape_cast %swap3A_1086 : vector<1x16xf32> to vector<16xf32>
        %swap3A_1088 = vector.shape_cast %add3A_1083 : vector<16xf32> to vector<1x16xf32>
        tpu.vector_store %arg18[%swap3A_1084, %swap3A_1085], %swap3A_1088 {strides = array<i32>} : memref<8x1024xf32, #tpu.memory_space<vmem>>, vector<1x16xf32>,
        %get3A_1089 = arith.index_cast %shift_right_arithmetic3A_913 : i32 to index
        %get3A_1090 = arith.index_cast %add3A_1054 : i32 to index
        %get3A_1091 = tpu.vector_load %arg19[%get3A_1089, %get3A_1090] {strides = array<i32>} : memref<8x1024xf32, #tpu.memory_space<vmem>>, vector<1x16xf32>,
        %get3A_1092 = vector.shape_cast %get3A_1091 : vector<1x16xf32> to vector<16xf32>
        %add3A_1093 = arith.addf %get3A_1092, %get3A_1058 : vector<16xf32>
        %swap3A_1094 = arith.index_cast %shift_right_arithmetic3A_913 : i32 to index
        %swap3A_1095 = arith.index_cast %add3A_1054 : i32 to index
        %swap3A_1096 = tpu.vector_load %arg19[%swap3A_1094, %swap3A_1095] {strides = array<i32>} : memref<8x1024xf32, #tpu.memory_space<vmem>>, vector<1x16xf32>,
        %swap3A_1097 = vector.shape_cast %swap3A_1096 : vector<1x16xf32> to vector<16xf32>
        %swap3A_1098 = vector.shape_cast %add3A_1093 : vector<16xf32> to vector<1x16xf32>
        tpu.vector_store %arg19[%swap3A_1094, %swap3A_1095], %swap3A_1098 {strides = array<i32>} : memref<8x1024xf32, #tpu.memory_space<vmem>>, vector<1x16xf32>,
        %scan3A_1099 = arith.constant 0 : i32
        scf.yield %scan3A_1099 : i32
      }
      %scan3A_485 = arith.constant 128 : i32
      %mul3A_486 = arith.constant 8 : i32
      %mul3A_487 = arith.muli %add3A_430, %mul3A_486 : i32
      %add3A_488 = arith.addi %mul3A_2, %mul3A_487 : i32
      %dma_start3A_489 = arith.constant 0 : i32
      %dma_start3A_490 = arith.constant 0 : i32
      %dma_start3A_491 = tpu.memref_slice %arg4[%dma_start3A_489, %add3A_488, %dma_start3A_490] : memref<4x8192x1024xf32, #tpu.memory_space<hbm>> -> memref<1x8x1024xf32, #tpu.memory_space<hbm>>
      %dma_start3A_492 = tpu.memref_squeeze %dma_start3A_491 : memref<1x8x1024xf32, #tpu.memory_space<hbm>> -> memref<8x1024xf32, #tpu.memory_space<hbm>>
      %dma_start3A_493 = arith.constant 0 : i32
      %dma_start3A_494 = tpu.memref_slice %arg4[%dma_start3A_489, %add3A_488, %dma_start3A_493] : memref<4x8192x1024xf32, #tpu.memory_space<hbm>> -> memref<1x8x1024xf32, #tpu.memory_space<hbm>>
      %dma_start3A_495 = tpu.memref_squeeze %dma_start3A_494 : memref<1x8x1024xf32, #tpu.memory_space<hbm>> -> memref<8x1024xf32, #tpu.memory_space<hbm>>
      tpu.enqueue_dma source(%arg16 : memref<8x1024xf32, #tpu.memory_space<vmem>>) target(%dma_start3A_495 : memref<8x1024xf32, #tpu.memory_space<hbm>>) target_semaphore(%arg28 : memref<!tpu.dma_semaphore, #tpu.memory_space<semaphore_mem>>)
      %mul3A_496 = arith.constant 8 : i32
      %mul3A_497 = arith.muli %add3A_430, %mul3A_496 : i32
      %add3A_498 = arith.addi %mul3A_2, %mul3A_497 : i32
      %dma_start3A_499 = arith.constant 1 : i32
      %dma_start3A_500 = arith.constant 0 : i32
      %dma_start3A_501 = tpu.memref_slice %arg4[%dma_start3A_499, %add3A_498, %dma_start3A_500] : memref<4x8192x1024xf32, #tpu.memory_space<hbm>> -> memref<1x8x1024xf32, #tpu.memory_space<hbm>>
      %dma_start3A_502 = tpu.memref_squeeze %dma_start3A_501 : memref<1x8x1024xf32, #tpu.memory_space<hbm>> -> memref<8x1024xf32, #tpu.memory_space<hbm>>
      %dma_start3A_503 = arith.constant 0 : i32
      %dma_start3A_504 = tpu.memref_slice %arg4[%dma_start3A_499, %add3A_498, %dma_start3A_503] : memref<4x8192x1024xf32, #tpu.memory_space<hbm>> -> memref<1x8x1024xf32, #tpu.memory_space<hbm>>
      %dma_start3A_505 = tpu.memref_squeeze %dma_start3A_504 : memref<1x8x1024xf32, #tpu.memory_space<hbm>> -> memref<8x1024xf32, #tpu.memory_space<hbm>>
      tpu.enqueue_dma source(%arg17 : memref<8x1024xf32, #tpu.memory_space<vmem>>) target(%dma_start3A_505 : memref<8x1024xf32, #tpu.memory_space<hbm>>) target_semaphore(%arg28 : memref<!tpu.dma_semaphore, #tpu.memory_space<semaphore_mem>>)
      %mul3A_506 = arith.constant 8 : i32
      %mul3A_507 = arith.muli %add3A_430, %mul3A_506 : i32
      %add3A_508 = arith.addi %mul3A_2, %mul3A_507 : i32
      %dma_start3A_509 = arith.constant 2 : i32
      %dma_start3A_510 = arith.constant 0 : i32
      %dma_start3A_511 = tpu.memref_slice %arg4[%dma_start3A_509, %add3A_508, %dma_start3A_510] : memref<4x8192x1024xf32, #tpu.memory_space<hbm>> -> memref<1x8x1024xf32, #tpu.memory_space<hbm>>
      %dma_start3A_512 = tpu.memref_squeeze %dma_start3A_511 : memref<1x8x1024xf32, #tpu.memory_space<hbm>> -> memref<8x1024xf32, #tpu.memory_space<hbm>>
      %dma_start3A_513 = arith.constant 0 : i32
      %dma_start3A_514 = tpu.memref_slice %arg4[%dma_start3A_509, %add3A_508, %dma_start3A_513] : memref<4x8192x1024xf32, #tpu.memory_space<hbm>> -> memref<1x8x1024xf32, #tpu.memory_space<hbm>>
      %dma_start3A_515 = tpu.memref_squeeze %dma_start3A_514 : memref<1x8x1024xf32, #tpu.memory_space<hbm>> -> memref<8x1024xf32, #tpu.memory_space<hbm>>
      tpu.enqueue_dma source(%arg18 : memref<8x1024xf32, #tpu.memory_space<vmem>>) target(%dma_start3A_515 : memref<8x1024xf32, #tpu.memory_space<hbm>>) target_semaphore(%arg28 : memref<!tpu.dma_semaphore, #tpu.memory_space<semaphore_mem>>)
      %mul3A_516 = arith.constant 8 : i32
      %mul3A_517 = arith.muli %add3A_430, %mul3A_516 : i32
      %add3A_518 = arith.addi %mul3A_2, %mul3A_517 : i32
      %dma_start3A_519 = arith.constant 3 : i32
      %dma_start3A_520 = arith.constant 0 : i32
      %dma_start3A_521 = tpu.memref_slice %arg4[%dma_start3A_519, %add3A_518, %dma_start3A_520] : memref<4x8192x1024xf32, #tpu.memory_space<hbm>> -> memref<1x8x1024xf32, #tpu.memory_space<hbm>>
      %dma_start3A_522 = tpu.memref_squeeze %dma_start3A_521 : memref<1x8x1024xf32, #tpu.memory_space<hbm>> -> memref<8x1024xf32, #tpu.memory_space<hbm>>
      %dma_start3A_523 = arith.constant 0 : i32
      %dma_start3A_524 = tpu.memref_slice %arg4[%dma_start3A_519, %add3A_518, %dma_start3A_523] : memref<4x8192x1024xf32, #tpu.memory_space<hbm>> -> memref<1x8x1024xf32, #tpu.memory_space<hbm>>
      %dma_start3A_525 = tpu.memref_squeeze %dma_start3A_524 : memref<1x8x1024xf32, #tpu.memory_space<hbm>> -> memref<8x1024xf32, #tpu.memory_space<hbm>>
      tpu.enqueue_dma source(%arg19 : memref<8x1024xf32, #tpu.memory_space<vmem>>) target(%dma_start3A_525 : memref<8x1024xf32, #tpu.memory_space<hbm>>) target_semaphore(%arg28 : memref<!tpu.dma_semaphore, #tpu.memory_space<semaphore_mem>>)
      %sub3A = arith.constant 1 : i32
      %sub3A_526 = arith.subi %add3A_430, %sub3A : i32
      %mul3A_527 = arith.constant 8 : i32
      %mul3A_528 = arith.muli %sub3A_526, %mul3A_527 : i32
      %add3A_529 = arith.addi %mul3A_2, %mul3A_528 : i32
      %dma_wait3A_530 = arith.constant 0 : i32
      %dma_wait3A_531 = arith.constant 0 : i32
      %dma_wait3A_532 = tpu.memref_slice %arg4[%dma_wait3A_530, %add3A_529, %dma_wait3A_531] : memref<4x8192x1024xf32, #tpu.memory_space<hbm>> -> memref<1x8x1024xf32, #tpu.memory_space<hbm>>
      %dma_wait3A_533 = tpu.memref_squeeze %dma_wait3A_532 : memref<1x8x1024xf32, #tpu.memory_space<hbm>> -> memref<8x1024xf32, #tpu.memory_space<hbm>>
      %dma_wait3A_534 = arith.constant 0 : i32
      %dma_wait3A_535 = tpu.memref_slice %arg4[%dma_wait3A_530, %add3A_529, %dma_wait3A_534] : memref<4x8192x1024xf32, #tpu.memory_space<hbm>> -> memref<1x8x1024xf32, #tpu.memory_space<hbm>>
      %dma_wait3A_536 = tpu.memref_squeeze %dma_wait3A_535 : memref<1x8x1024xf32, #tpu.memory_space<hbm>> -> memref<8x1024xf32, #tpu.memory_space<hbm>>
      tpu.wait_dma2 semaphore(%arg27 : memref<!tpu.dma_semaphore, #tpu.memory_space<semaphore_mem>>) src(%dma_wait3A_536 : memref<8x1024xf32, #tpu.memory_space<hbm>>) dst(%arg12 : memref<8x1024xf32, #tpu.memory_space<vmem>>)
      %mul3A_537 = arith.constant 8 : i32
      %mul3A_538 = arith.muli %sub3A_526, %mul3A_537 : i32
      %add3A_539 = arith.addi %mul3A_2, %mul3A_538 : i32
      %dma_wait3A_540 = arith.constant 1 : i32
      %dma_wait3A_541 = arith.constant 0 : i32
      %dma_wait3A_542 = tpu.memref_slice %arg4[%dma_wait3A_540, %add3A_539, %dma_wait3A_541] : memref<4x8192x1024xf32, #tpu.memory_space<hbm>> -> memref<1x8x1024xf32, #tpu.memory_space<hbm>>
      %dma_wait3A_543 = tpu.memref_squeeze %dma_wait3A_542 : memref<1x8x1024xf32, #tpu.memory_space<hbm>> -> memref<8x1024xf32, #tpu.memory_space<hbm>>
      %dma_wait3A_544 = arith.constant 0 : i32
      %dma_wait3A_545 = tpu.memref_slice %arg4[%dma_wait3A_540, %add3A_539, %dma_wait3A_544] : memref<4x8192x1024xf32, #tpu.memory_space<hbm>> -> memref<1x8x1024xf32, #tpu.memory_space<hbm>>
      %dma_wait3A_546 = tpu.memref_squeeze %dma_wait3A_545 : memref<1x8x1024xf32, #tpu.memory_space<hbm>> -> memref<8x1024xf32, #tpu.memory_space<hbm>>
      tpu.wait_dma2 semaphore(%arg27 : memref<!tpu.dma_semaphore, #tpu.memory_space<semaphore_mem>>) src(%dma_wait3A_546 : memref<8x1024xf32, #tpu.memory_space<hbm>>) dst(%arg13 : memref<8x1024xf32, #tpu.memory_space<vmem>>)
      %mul3A_547 = arith.constant 8 : i32
      %mul3A_548 = arith.muli %sub3A_526, %mul3A_547 : i32
      %add3A_549 = arith.addi %mul3A_2, %mul3A_548 : i32
      %dma_wait3A_550 = arith.constant 2 : i32
      %dma_wait3A_551 = arith.constant 0 : i32
      %dma_wait3A_552 = tpu.memref_slice %arg4[%dma_wait3A_550, %add3A_549, %dma_wait3A_551] : memref<4x8192x1024xf32, #tpu.memory_space<hbm>> -> memref<1x8x1024xf32, #tpu.memory_space<hbm>>
      %dma_wait3A_553 = tpu.memref_squeeze %dma_wait3A_552 : memref<1x8x1024xf32, #tpu.memory_space<hbm>> -> memref<8x1024xf32, #tpu.memory_space<hbm>>
      %dma_wait3A_554 = arith.constant 0 : i32
      %dma_wait3A_555 = tpu.memref_slice %arg4[%dma_wait3A_550, %add3A_549, %dma_wait3A_554] : memref<4x8192x1024xf32, #tpu.memory_space<hbm>> -> memref<1x8x1024xf32, #tpu.memory_space<hbm>>
      %dma_wait3A_556 = tpu.memref_squeeze %dma_wait3A_555 : memref<1x8x1024xf32, #tpu.memory_space<hbm>> -> memref<8x1024xf32, #tpu.memory_space<hbm>>
      tpu.wait_dma2 semaphore(%arg27 : memref<!tpu.dma_semaphore, #tpu.memory_space<semaphore_mem>>) src(%dma_wait3A_556 : memref<8x1024xf32, #tpu.memory_space<hbm>>) dst(%arg14 : memref<8x1024xf32, #tpu.memory_space<vmem>>)
      %mul3A_557 = arith.constant 8 : i32
      %mul3A_558 = arith.muli %sub3A_526, %mul3A_557 : i32
      %add3A_559 = arith.addi %mul3A_2, %mul3A_558 : i32
      %dma_wait3A_560 = arith.constant 3 : i32
      %dma_wait3A_561 = arith.constant 0 : i32
      %dma_wait3A_562 = tpu.memref_slice %arg4[%dma_wait3A_560, %add3A_559, %dma_wait3A_561] : memref<4x8192x1024xf32, #tpu.memory_space<hbm>> -> memref<1x8x1024xf32, #tpu.memory_space<hbm>>
      %dma_wait3A_563 = tpu.memref_squeeze %dma_wait3A_562 : memref<1x8x1024xf32, #tpu.memory_space<hbm>> -> memref<8x1024xf32, #tpu.memory_space<hbm>>
      %dma_wait3A_564 = arith.constant 0 : i32
      %dma_wait3A_565 = tpu.memref_slice %arg4[%dma_wait3A_560, %add3A_559, %dma_wait3A_564] : memref<4x8192x1024xf32, #tpu.memory_space<hbm>> -> memref<1x8x1024xf32, #tpu.memory_space<hbm>>
      %dma_wait3A_566 = tpu.memref_squeeze %dma_wait3A_565 : memref<1x8x1024xf32, #tpu.memory_space<hbm>> -> memref<8x1024xf32, #tpu.memory_space<hbm>>
      tpu.wait_dma2 semaphore(%arg27 : memref<!tpu.dma_semaphore, #tpu.memory_space<semaphore_mem>>) src(%dma_wait3A_566 : memref<8x1024xf32, #tpu.memory_space<hbm>>) dst(%arg15 : memref<8x1024xf32, #tpu.memory_space<vmem>>)
      %add3A_567 = arith.constant 2 : i32
      %add3A_568 = arith.addi %add3A_430, %add3A_567 : i32
      %mul3A_569 = arith.constant 8 : i32
      %mul3A_570 = arith.muli %add3A_568, %mul3A_569 : i32
      %add3A_571 = arith.addi %mul3A_2, %mul3A_570 : i32
      %dma_start3A_572 = arith.constant 0 : i32
      %dma_start3A_573 = arith.constant 0 : i32
      %dma_start3A_574 = tpu.memref_slice %arg2[%dma_start3A_572, %add3A_571, %dma_start3A_573] : memref<4x8192x1024xf32, #tpu.memory_space<hbm>> -> memref<1x8x1024xf32, #tpu.memory_space<hbm>>
      %dma_start3A_575 = tpu.memref_squeeze %dma_start3A_574 : memref<1x8x1024xf32, #tpu.memory_space<hbm>> -> memref<8x1024xf32, #tpu.memory_space<hbm>>
      %dma_start3A_576 = arith.constant 0 : i32
      %dma_start3A_577 = tpu.memref_slice %arg2[%dma_start3A_572, %add3A_571, %dma_start3A_576] : memref<4x8192x1024xf32, #tpu.memory_space<hbm>> -> memref<1x8x1024xf32, #tpu.memory_space<hbm>>
      %dma_start3A_578 = tpu.memref_squeeze %dma_start3A_577 : memref<1x8x1024xf32, #tpu.memory_space<hbm>> -> memref<8x1024xf32, #tpu.memory_space<hbm>>
      tpu.enqueue_dma source(%dma_start3A_578 : memref<8x1024xf32, #tpu.memory_space<hbm>>) target(%arg12 : memref<8x1024xf32, #tpu.memory_space<vmem>>) target_semaphore(%arg24 : memref<!tpu.dma_semaphore, #tpu.memory_space<semaphore_mem>>)
      %mul3A_579 = arith.constant 8 : i32
      %mul3A_580 = arith.muli %add3A_568, %mul3A_579 : i32
      %add3A_581 = arith.addi %mul3A_2, %mul3A_580 : i32
      %dma_start3A_582 = arith.constant 1 : i32
      %dma_start3A_583 = arith.constant 0 : i32
      %dma_start3A_584 = tpu.memref_slice %arg2[%dma_start3A_582, %add3A_581, %dma_start3A_583] : memref<4x8192x1024xf32, #tpu.memory_space<hbm>> -> memref<1x8x1024xf32, #tpu.memory_space<hbm>>
      %dma_start3A_585 = tpu.memref_squeeze %dma_start3A_584 : memref<1x8x1024xf32, #tpu.memory_space<hbm>> -> memref<8x1024xf32, #tpu.memory_space<hbm>>
      %dma_start3A_586 = arith.constant 0 : i32
      %dma_start3A_587 = tpu.memref_slice %arg2[%dma_start3A_582, %add3A_581, %dma_start3A_586] : memref<4x8192x1024xf32, #tpu.memory_space<hbm>> -> memref<1x8x1024xf32, #tpu.memory_space<hbm>>
      %dma_start3A_588 = tpu.memref_squeeze %dma_start3A_587 : memref<1x8x1024xf32, #tpu.memory_space<hbm>> -> memref<8x1024xf32, #tpu.memory_space<hbm>>
      tpu.enqueue_dma source(%dma_start3A_588 : memref<8x1024xf32, #tpu.memory_space<hbm>>) target(%arg13 : memref<8x1024xf32, #tpu.memory_space<vmem>>) target_semaphore(%arg24 : memref<!tpu.dma_semaphore, #tpu.memory_space<semaphore_mem>>)
      %mul3A_589 = arith.constant 8 : i32
      %mul3A_590 = arith.muli %add3A_568, %mul3A_589 : i32
      %add3A_591 = arith.addi %mul3A_2, %mul3A_590 : i32
      %dma_start3A_592 = arith.constant 2 : i32
      %dma_start3A_593 = arith.constant 0 : i32
      %dma_start3A_594 = tpu.memref_slice %arg2[%dma_start3A_592, %add3A_591, %dma_start3A_593] : memref<4x8192x1024xf32, #tpu.memory_space<hbm>> -> memref<1x8x1024xf32, #tpu.memory_space<hbm>>
      %dma_start3A_595 = tpu.memref_squeeze %dma_start3A_594 : memref<1x8x1024xf32, #tpu.memory_space<hbm>> -> memref<8x1024xf32, #tpu.memory_space<hbm>>
      %dma_start3A_596 = arith.constant 0 : i32
      %dma_start3A_597 = tpu.memref_slice %arg2[%dma_start3A_592, %add3A_591, %dma_start3A_596] : memref<4x8192x1024xf32, #tpu.memory_space<hbm>> -> memref<1x8x1024xf32, #tpu.memory_space<hbm>>
      %dma_start3A_598 = tpu.memref_squeeze %dma_start3A_597 : memref<1x8x1024xf32, #tpu.memory_space<hbm>> -> memref<8x1024xf32, #tpu.memory_space<hbm>>
      tpu.enqueue_dma source(%dma_start3A_598 : memref<8x1024xf32, #tpu.memory_space<hbm>>) target(%arg14 : memref<8x1024xf32, #tpu.memory_space<vmem>>) target_semaphore(%arg24 : memref<!tpu.dma_semaphore, #tpu.memory_space<semaphore_mem>>)
      %mul3A_599 = arith.constant 8 : i32
      %mul3A_600 = arith.muli %add3A_568, %mul3A_599 : i32
      %add3A_601 = arith.addi %mul3A_2, %mul3A_600 : i32
      %dma_start3A_602 = arith.constant 3 : i32
      %dma_start3A_603 = arith.constant 0 : i32
      %dma_start3A_604 = tpu.memref_slice %arg2[%dma_start3A_602, %add3A_601, %dma_start3A_603] : memref<4x8192x1024xf32, #tpu.memory_space<hbm>> -> memref<1x8x1024xf32, #tpu.memory_space<hbm>>
      %dma_start3A_605 = tpu.memref_squeeze %dma_start3A_604 : memref<1x8x1024xf32, #tpu.memory_space<hbm>> -> memref<8x1024xf32, #tpu.memory_space<hbm>>
      %dma_start3A_606 = arith.constant 0 : i32
      %dma_start3A_607 = tpu.memref_slice %arg2[%dma_start3A_602, %add3A_601, %dma_start3A_606] : memref<4x8192x1024xf32, #tpu.memory_space<hbm>> -> memref<1x8x1024xf32, #tpu.memory_space<hbm>>
      %dma_start3A_608 = tpu.memref_squeeze %dma_start3A_607 : memref<1x8x1024xf32, #tpu.memory_space<hbm>> -> memref<8x1024xf32, #tpu.memory_space<hbm>>
      tpu.enqueue_dma source(%dma_start3A_608 : memref<8x1024xf32, #tpu.memory_space<hbm>>) target(%arg15 : memref<8x1024xf32, #tpu.memory_space<vmem>>) target_semaphore(%arg24 : memref<!tpu.dma_semaphore, #tpu.memory_space<semaphore_mem>>)
      %convert_element_type3A = arith.extui %lt3A_431 : i1 to i32
      %cond3A = arith.constant 0 : i32
      %cond3A_609 = arith.cmpi ne, %convert_element_type3A, %cond3A : i32
      scf.if %cond3A_609 {
        %add3A_911 = arith.constant 3 : i32
        %add3A_912 = arith.addi %add3A_430, %add3A_911 : i32
        %mul3A_913 = arith.constant 8 : i32
        %mul3A_914 = arith.muli %add3A_912, %mul3A_913 : i32
        %add3A_915 = arith.addi %mul3A_2, %mul3A_914 : i32
        %dma_start3A_916 = arith.constant 0 : i32
        %dma_start3A_917 = tpu.memref_slice %arg3[%add3A_915, %dma_start3A_916] : memref<8192x1024xf32, #tpu.memory_space<hbm>> -> memref<8x1024xf32, #tpu.memory_space<hbm>>
        %dma_start3A_918 = arith.constant 0 : i32
        %dma_start3A_919 = tpu.memref_slice %arg3[%add3A_915, %dma_start3A_918] : memref<8192x1024xf32, #tpu.memory_space<hbm>> -> memref<8x1024xf32, #tpu.memory_space<hbm>>
        tpu.enqueue_dma source(%dma_start3A_919 : memref<8x1024xf32, #tpu.memory_space<hbm>>) target(%arg7 : memref<8x1024xf32, #tpu.memory_space<vmem>>) target_semaphore(%arg22 : memref<!tpu.dma_semaphore, #tpu.memory_space<semaphore_mem>>)
      } else {
      }
      %mul3A_610 = arith.constant 3 : i32
      %mul3A_611 = arith.muli %scan3A_423, %mul3A_610 : i32
      %add3A_612 = arith.constant 2 : i32
      %add3A_613 = arith.addi %mul3A_611, %add3A_612 : i32
      %add3A_614 = arith.constant 1 : i32
      %add3A_615 = arith.addi %add3A_613, %add3A_614 : i32
      %lt3A_616 = arith.constant 9 : i32
      %lt3A_617 = arith.cmpi slt, %scan3A_423, %lt3A_616 : i32
      %mul3A_618 = arith.constant 8 : i32
      %mul3A_619 = arith.muli %add3A_615, %mul3A_618 : i32
      %add3A_620 = arith.addi %mul3A_2, %mul3A_619 : i32
      %dma_wait3A_621 = arith.constant 0 : i32
      %dma_wait3A_622 = tpu.memref_slice %arg3[%add3A_620, %dma_wait3A_621] : memref<8192x1024xf32, #tpu.memory_space<hbm>> -> memref<8x1024xf32, #tpu.memory_space<hbm>>
      %dma_wait3A_623 = arith.constant 0 : i32
      %dma_wait3A_624 = tpu.memref_slice %arg3[%add3A_620, %dma_wait3A_623] : memref<8192x1024xf32, #tpu.memory_space<hbm>> -> memref<8x1024xf32, #tpu.memory_space<hbm>>
      tpu.wait_dma2 semaphore(%arg20 : memref<!tpu.dma_semaphore, #tpu.memory_space<semaphore_mem>>) src(%dma_wait3A_624 : memref<8x1024xf32, #tpu.memory_space<hbm>>) dst(%arg5 : memref<8x1024xf32, #tpu.memory_space<vmem>>)
      %mul3A_625 = arith.constant 8 : i32
      %mul3A_626 = arith.muli %add3A_615, %mul3A_625 : i32
      %add3A_627 = arith.addi %mul3A_2, %mul3A_626 : i32
      %dma_wait3A_628 = arith.constant 0 : i32
      %dma_wait3A_629 = arith.constant 0 : i32
      %dma_wait3A_630 = tpu.memref_slice %arg2[%dma_wait3A_628, %add3A_627, %dma_wait3A_629] : memref<4x8192x1024xf32, #tpu.memory_space<hbm>> -> memref<1x8x1024xf32, #tpu.memory_space<hbm>>
      %dma_wait3A_631 = tpu.memref_squeeze %dma_wait3A_630 : memref<1x8x1024xf32, #tpu.memory_space<hbm>> -> memref<8x1024xf32, #tpu.memory_space<hbm>>
      %dma_wait3A_632 = arith.constant 0 : i32
      %dma_wait3A_633 = tpu.memref_slice %arg2[%dma_wait3A_628, %add3A_627, %dma_wait3A_632] : memref<4x8192x1024xf32, #tpu.memory_space<hbm>> -> memref<1x8x1024xf32, #tpu.memory_space<hbm>>
      %dma_wait3A_634 = tpu.memref_squeeze %dma_wait3A_633 : memref<1x8x1024xf32, #tpu.memory_space<hbm>> -> memref<8x1024xf32, #tpu.memory_space<hbm>>
      tpu.wait_dma2 semaphore(%arg23 : memref<!tpu.dma_semaphore, #tpu.memory_space<semaphore_mem>>) src(%dma_wait3A_634 : memref<8x1024xf32, #tpu.memory_space<hbm>>) dst(%arg8 : memref<8x1024xf32, #tpu.memory_space<vmem>>)
      %mul3A_635 = arith.constant 8 : i32
      %mul3A_636 = arith.muli %add3A_615, %mul3A_635 : i32
      %add3A_637 = arith.addi %mul3A_2, %mul3A_636 : i32
      %dma_wait3A_638 = arith.constant 1 : i32
      %dma_wait3A_639 = arith.constant 0 : i32
      %dma_wait3A_640 = tpu.memref_slice %arg2[%dma_wait3A_638, %add3A_637, %dma_wait3A_639] : memref<4x8192x1024xf32, #tpu.memory_space<hbm>> -> memref<1x8x1024xf32, #tpu.memory_space<hbm>>
      %dma_wait3A_641 = tpu.memref_squeeze %dma_wait3A_640 : memref<1x8x1024xf32, #tpu.memory_space<hbm>> -> memref<8x1024xf32, #tpu.memory_space<hbm>>
      %dma_wait3A_642 = arith.constant 0 : i32
      %dma_wait3A_643 = tpu.memref_slice %arg2[%dma_wait3A_638, %add3A_637, %dma_wait3A_642] : memref<4x8192x1024xf32, #tpu.memory_space<hbm>> -> memref<1x8x1024xf32, #tpu.memory_space<hbm>>
      %dma_wait3A_644 = tpu.memref_squeeze %dma_wait3A_643 : memref<1x8x1024xf32, #tpu.memory_space<hbm>> -> memref<8x1024xf32, #tpu.memory_space<hbm>>
      tpu.wait_dma2 semaphore(%arg23 : memref<!tpu.dma_semaphore, #tpu.memory_space<semaphore_mem>>) src(%dma_wait3A_644 : memref<8x1024xf32, #tpu.memory_space<hbm>>) dst(%arg9 : memref<8x1024xf32, #tpu.memory_space<vmem>>)
      %mul3A_645 = arith.constant 8 : i32
      %mul3A_646 = arith.muli %add3A_615, %mul3A_645 : i32
      %add3A_647 = arith.addi %mul3A_2, %mul3A_646 : i32
      %dma_wait3A_648 = arith.constant 2 : i32
      %dma_wait3A_649 = arith.constant 0 : i32
      %dma_wait3A_650 = tpu.memref_slice %arg2[%dma_wait3A_648, %add3A_647, %dma_wait3A_649] : memref<4x8192x1024xf32, #tpu.memory_space<hbm>> -> memref<1x8x1024xf32, #tpu.memory_space<hbm>>
      %dma_wait3A_651 = tpu.memref_squeeze %dma_wait3A_650 : memref<1x8x1024xf32, #tpu.memory_space<hbm>> -> memref<8x1024xf32, #tpu.memory_space<hbm>>
      %dma_wait3A_652 = arith.constant 0 : i32
      %dma_wait3A_653 = tpu.memref_slice %arg2[%dma_wait3A_648, %add3A_647, %dma_wait3A_652] : memref<4x8192x1024xf32, #tpu.memory_space<hbm>> -> memref<1x8x1024xf32, #tpu.memory_space<hbm>>
      %dma_wait3A_654 = tpu.memref_squeeze %dma_wait3A_653 : memref<1x8x1024xf32, #tpu.memory_space<hbm>> -> memref<8x1024xf32, #tpu.memory_space<hbm>>
      tpu.wait_dma2 semaphore(%arg23 : memref<!tpu.dma_semaphore, #tpu.memory_space<semaphore_mem>>) src(%dma_wait3A_654 : memref<8x1024xf32, #tpu.memory_space<hbm>>) dst(%arg10 : memref<8x1024xf32, #tpu.memory_space<vmem>>)
      %mul3A_655 = arith.constant 8 : i32
      %mul3A_656 = arith.muli %add3A_615, %mul3A_655 : i32
      %add3A_657 = arith.addi %mul3A_2, %mul3A_656 : i32
      %dma_wait3A_658 = arith.constant 3 : i32
      %dma_wait3A_659 = arith.constant 0 : i32
      %dma_wait3A_660 = tpu.memref_slice %arg2[%dma_wait3A_658, %add3A_657, %dma_wait3A_659] : memref<4x8192x1024xf32, #tpu.memory_space<hbm>> -> memref<1x8x1024xf32, #tpu.memory_space<hbm>>
      %dma_wait3A_661 = tpu.memref_squeeze %dma_wait3A_660 : memref<1x8x1024xf32, #tpu.memory_space<hbm>> -> memref<8x1024xf32, #tpu.memory_space<hbm>>
      %dma_wait3A_662 = arith.constant 0 : i32
      %dma_wait3A_663 = tpu.memref_slice %arg2[%dma_wait3A_658, %add3A_657, %dma_wait3A_662] : memref<4x8192x1024xf32, #tpu.memory_space<hbm>> -> memref<1x8x1024xf32, #tpu.memory_space<hbm>>
      %dma_wait3A_664 = tpu.memref_squeeze %dma_wait3A_663 : memref<1x8x1024xf32, #tpu.memory_space<hbm>> -> memref<8x1024xf32, #tpu.memory_space<hbm>>
      tpu.wait_dma2 semaphore(%arg23 : memref<!tpu.dma_semaphore, #tpu.memory_space<semaphore_mem>>) src(%dma_wait3A_664 : memref<8x1024xf32, #tpu.memory_space<hbm>>) dst(%arg11 : memref<8x1024xf32, #tpu.memory_space<vmem>>)
      %scan3A_665 = arith.constant 0 : i32
      %scan3A_666 = arith.constant 0 : i32
      %scan3A_667 = arith.constant 128 : i32
      %scan3A_668 = arith.addi %scan3A_666, %scan3A_667 : i32
      %scan3A_669 = arith.constant 1 : i32
      %scan3A_670 = scf.for %scan3A_911 = %scan3A_666 to %scan3A_668 step %scan3A_669 iter_args(%scan3A_912 = %scan3A_665) -> (i32)  : i32 {
        %shift_right_arithmetic3A = arith.constant 4 : i32
        %shift_right_arithmetic3A_913 = arith.shrsi %scan3A_911, %shift_right_arithmetic3A : i32
        %and3A = arith.constant 15 : i32
        %and3A_914 = arith.andi %scan3A_911, %and3A : i32
        %mul3A_915 = arith.constant 64 : i32
        %mul3A_916 = arith.muli %and3A_914, %mul3A_915 : i32
        %add3A_917 = arith.constant 0 : i32
        %add3A_918 = arith.addi %mul3A_916, %add3A_917 : i32
        %get3A = arith.index_cast %shift_right_arithmetic3A_913 : i32 to index
        %get3A_919 = arith.index_cast %add3A_918 : i32 to index
        %get3A_920 = tpu.vector_load %arg5[%get3A, %get3A_919] {strides = array<i32>} : memref<8x1024xf32, #tpu.memory_space<vmem>>, vector<1x16xf32>,
        %get3A_921 = vector.shape_cast %get3A_920 : vector<1x16xf32> to vector<16xf32>
        %get3A_922 = arith.index_cast %shift_right_arithmetic3A_913 : i32 to index
        %get3A_923 = arith.index_cast %add3A_918 : i32 to index
        %get3A_924 = tpu.vector_load %arg8[%get3A_922, %get3A_923] {strides = array<i32>} : memref<8x1024xf32, #tpu.memory_space<vmem>>, vector<1x16xf32>,
        %get3A_925 = vector.shape_cast %get3A_924 : vector<1x16xf32> to vector<16xf32>
        %add3A_926 = arith.addf %get3A_925, %get3A_921 : vector<16xf32>
        %swap3A = arith.index_cast %shift_right_arithmetic3A_913 : i32 to index
        %swap3A_927 = arith.index_cast %add3A_918 : i32 to index
        %swap3A_928 = tpu.vector_load %arg8[%swap3A, %swap3A_927] {strides = array<i32>} : memref<8x1024xf32, #tpu.memory_space<vmem>>, vector<1x16xf32>,
        %swap3A_929 = vector.shape_cast %swap3A_928 : vector<1x16xf32> to vector<16xf32>
        %swap3A_930 = vector.shape_cast %add3A_926 : vector<16xf32> to vector<1x16xf32>
        tpu.vector_store %arg8[%swap3A, %swap3A_927], %swap3A_930 {strides = array<i32>} : memref<8x1024xf32, #tpu.memory_space<vmem>>, vector<1x16xf32>,
        %get3A_931 = arith.index_cast %shift_right_arithmetic3A_913 : i32 to index
        %get3A_932 = arith.index_cast %add3A_918 : i32 to index
        %get3A_933 = tpu.vector_load %arg9[%get3A_931, %get3A_932] {strides = array<i32>} : memref<8x1024xf32, #tpu.memory_space<vmem>>, vector<1x16xf32>,
        %get3A_934 = vector.shape_cast %get3A_933 : vector<1x16xf32> to vector<16xf32>
        %add3A_935 = arith.addf %get3A_934, %get3A_921 : vector<16xf32>
        %swap3A_936 = arith.index_cast %shift_right_arithmetic3A_913 : i32 to index
        %swap3A_937 = arith.index_cast %add3A_918 : i32 to index
        %swap3A_938 = tpu.vector_load %arg9[%swap3A_936, %swap3A_937] {strides = array<i32>} : memref<8x1024xf32, #tpu.memory_space<vmem>>, vector<1x16xf32>,
        %swap3A_939 = vector.shape_cast %swap3A_938 : vector<1x16xf32> to vector<16xf32>
        %swap3A_940 = vector.shape_cast %add3A_935 : vector<16xf32> to vector<1x16xf32>
        tpu.vector_store %arg9[%swap3A_936, %swap3A_937], %swap3A_940 {strides = array<i32>} : memref<8x1024xf32, #tpu.memory_space<vmem>>, vector<1x16xf32>,
        %get3A_941 = arith.index_cast %shift_right_arithmetic3A_913 : i32 to index
        %get3A_942 = arith.index_cast %add3A_918 : i32 to index
        %get3A_943 = tpu.vector_load %arg10[%get3A_941, %get3A_942] {strides = array<i32>} : memref<8x1024xf32, #tpu.memory_space<vmem>>, vector<1x16xf32>,
        %get3A_944 = vector.shape_cast %get3A_943 : vector<1x16xf32> to vector<16xf32>
        %add3A_945 = arith.addf %get3A_944, %get3A_921 : vector<16xf32>
        %swap3A_946 = arith.index_cast %shift_right_arithmetic3A_913 : i32 to index
        %swap3A_947 = arith.index_cast %add3A_918 : i32 to index
        %swap3A_948 = tpu.vector_load %arg10[%swap3A_946, %swap3A_947] {strides = array<i32>} : memref<8x1024xf32, #tpu.memory_space<vmem>>, vector<1x16xf32>,
        %swap3A_949 = vector.shape_cast %swap3A_948 : vector<1x16xf32> to vector<16xf32>
        %swap3A_950 = vector.shape_cast %add3A_945 : vector<16xf32> to vector<1x16xf32>
        tpu.vector_store %arg10[%swap3A_946, %swap3A_947], %swap3A_950 {strides = array<i32>} : memref<8x1024xf32, #tpu.memory_space<vmem>>, vector<1x16xf32>,
        %get3A_951 = arith.index_cast %shift_right_arithmetic3A_913 : i32 to index
        %get3A_952 = arith.index_cast %add3A_918 : i32 to index
        %get3A_953 = tpu.vector_load %arg11[%get3A_951, %get3A_952] {strides = array<i32>} : memref<8x1024xf32, #tpu.memory_space<vmem>>, vector<1x16xf32>,
        %get3A_954 = vector.shape_cast %get3A_953 : vector<1x16xf32> to vector<16xf32>
        %add3A_955 = arith.addf %get3A_954, %get3A_921 : vector<16xf32>
        %swap3A_956 = arith.index_cast %shift_right_arithmetic3A_913 : i32 to index
        %swap3A_957 = arith.index_cast %add3A_918 : i32 to index
        %swap3A_958 = tpu.vector_load %arg11[%swap3A_956, %swap3A_957] {strides = array<i32>} : memref<8x1024xf32, #tpu.memory_space<vmem>>, vector<1x16xf32>,
        %swap3A_959 = vector.shape_cast %swap3A_958 : vector<1x16xf32> to vector<16xf32>
        %swap3A_960 = vector.shape_cast %add3A_955 : vector<16xf32> to vector<1x16xf32>
        tpu.vector_store %arg11[%swap3A_956, %swap3A_957], %swap3A_960 {strides = array<i32>} : memref<8x1024xf32, #tpu.memory_space<vmem>>, vector<1x16xf32>,
        %add3A_961 = arith.constant 16 : i32
        %add3A_962 = arith.addi %mul3A_916, %add3A_961 : i32
        %get3A_963 = arith.index_cast %shift_right_arithmetic3A_913 : i32 to index
        %get3A_964 = arith.index_cast %add3A_962 : i32 to index
        %get3A_965 = tpu.vector_load %arg5[%get3A_963, %get3A_964] {strides = array<i32>} : memref<8x1024xf32, #tpu.memory_space<vmem>>, vector<1x16xf32>,
        %get3A_966 = vector.shape_cast %get3A_965 : vector<1x16xf32> to vector<16xf32>
        %get3A_967 = arith.index_cast %shift_right_arithmetic3A_913 : i32 to index
        %get3A_968 = arith.index_cast %add3A_962 : i32 to index
        %get3A_969 = tpu.vector_load %arg8[%get3A_967, %get3A_968] {strides = array<i32>} : memref<8x1024xf32, #tpu.memory_space<vmem>>, vector<1x16xf32>,
        %get3A_970 = vector.shape_cast %get3A_969 : vector<1x16xf32> to vector<16xf32>
        %add3A_971 = arith.addf %get3A_970, %get3A_966 : vector<16xf32>
        %swap3A_972 = arith.index_cast %shift_right_arithmetic3A_913 : i32 to index
        %swap3A_973 = arith.index_cast %add3A_962 : i32 to index
        %swap3A_974 = tpu.vector_load %arg8[%swap3A_972, %swap3A_973] {strides = array<i32>} : memref<8x1024xf32, #tpu.memory_space<vmem>>, vector<1x16xf32>,
        %swap3A_975 = vector.shape_cast %swap3A_974 : vector<1x16xf32> to vector<16xf32>
        %swap3A_976 = vector.shape_cast %add3A_971 : vector<16xf32> to vector<1x16xf32>
        tpu.vector_store %arg8[%swap3A_972, %swap3A_973], %swap3A_976 {strides = array<i32>} : memref<8x1024xf32, #tpu.memory_space<vmem>>, vector<1x16xf32>,
        %get3A_977 = arith.index_cast %shift_right_arithmetic3A_913 : i32 to index
        %get3A_978 = arith.index_cast %add3A_962 : i32 to index
        %get3A_979 = tpu.vector_load %arg9[%get3A_977, %get3A_978] {strides = array<i32>} : memref<8x1024xf32, #tpu.memory_space<vmem>>, vector<1x16xf32>,
        %get3A_980 = vector.shape_cast %get3A_979 : vector<1x16xf32> to vector<16xf32>
        %add3A_981 = arith.addf %get3A_980, %get3A_966 : vector<16xf32>
        %swap3A_982 = arith.index_cast %shift_right_arithmetic3A_913 : i32 to index
        %swap3A_983 = arith.index_cast %add3A_962 : i32 to index
        %swap3A_984 = tpu.vector_load %arg9[%swap3A_982, %swap3A_983] {strides = array<i32>} : memref<8x1024xf32, #tpu.memory_space<vmem>>, vector<1x16xf32>,
        %swap3A_985 = vector.shape_cast %swap3A_984 : vector<1x16xf32> to vector<16xf32>
        %swap3A_986 = vector.shape_cast %add3A_981 : vector<16xf32> to vector<1x16xf32>
        tpu.vector_store %arg9[%swap3A_982, %swap3A_983], %swap3A_986 {strides = array<i32>} : memref<8x1024xf32, #tpu.memory_space<vmem>>, vector<1x16xf32>,
        %get3A_987 = arith.index_cast %shift_right_arithmetic3A_913 : i32 to index
        %get3A_988 = arith.index_cast %add3A_962 : i32 to index
        %get3A_989 = tpu.vector_load %arg10[%get3A_987, %get3A_988] {strides = array<i32>} : memref<8x1024xf32, #tpu.memory_space<vmem>>, vector<1x16xf32>,
        %get3A_990 = vector.shape_cast %get3A_989 : vector<1x16xf32> to vector<16xf32>
        %add3A_991 = arith.addf %get3A_990, %get3A_966 : vector<16xf32>
        %swap3A_992 = arith.index_cast %shift_right_arithmetic3A_913 : i32 to index
        %swap3A_993 = arith.index_cast %add3A_962 : i32 to index
        %swap3A_994 = tpu.vector_load %arg10[%swap3A_992, %swap3A_993] {strides = array<i32>} : memref<8x1024xf32, #tpu.memory_space<vmem>>, vector<1x16xf32>,
        %swap3A_995 = vector.shape_cast %swap3A_994 : vector<1x16xf32> to vector<16xf32>
        %swap3A_996 = vector.shape_cast %add3A_991 : vector<16xf32> to vector<1x16xf32>
        tpu.vector_store %arg10[%swap3A_992, %swap3A_993], %swap3A_996 {strides = array<i32>} : memref<8x1024xf32, #tpu.memory_space<vmem>>, vector<1x16xf32>,
        %get3A_997 = arith.index_cast %shift_right_arithmetic3A_913 : i32 to index
        %get3A_998 = arith.index_cast %add3A_962 : i32 to index
        %get3A_999 = tpu.vector_load %arg11[%get3A_997, %get3A_998] {strides = array<i32>} : memref<8x1024xf32, #tpu.memory_space<vmem>>, vector<1x16xf32>,
        %get3A_1000 = vector.shape_cast %get3A_999 : vector<1x16xf32> to vector<16xf32>
        %add3A_1001 = arith.addf %get3A_1000, %get3A_966 : vector<16xf32>
        %swap3A_1002 = arith.index_cast %shift_right_arithmetic3A_913 : i32 to index
        %swap3A_1003 = arith.index_cast %add3A_962 : i32 to index
        %swap3A_1004 = tpu.vector_load %arg11[%swap3A_1002, %swap3A_1003] {strides = array<i32>} : memref<8x1024xf32, #tpu.memory_space<vmem>>, vector<1x16xf32>,
        %swap3A_1005 = vector.shape_cast %swap3A_1004 : vector<1x16xf32> to vector<16xf32>
        %swap3A_1006 = vector.shape_cast %add3A_1001 : vector<16xf32> to vector<1x16xf32>
        tpu.vector_store %arg11[%swap3A_1002, %swap3A_1003], %swap3A_1006 {strides = array<i32>} : memref<8x1024xf32, #tpu.memory_space<vmem>>, vector<1x16xf32>,
        %add3A_1007 = arith.constant 32 : i32
        %add3A_1008 = arith.addi %mul3A_916, %add3A_1007 : i32
        %get3A_1009 = arith.index_cast %shift_right_arithmetic3A_913 : i32 to index
        %get3A_1010 = arith.index_cast %add3A_1008 : i32 to index
        %get3A_1011 = tpu.vector_load %arg5[%get3A_1009, %get3A_1010] {strides = array<i32>} : memref<8x1024xf32, #tpu.memory_space<vmem>>, vector<1x16xf32>,
        %get3A_1012 = vector.shape_cast %get3A_1011 : vector<1x16xf32> to vector<16xf32>
        %get3A_1013 = arith.index_cast %shift_right_arithmetic3A_913 : i32 to index
        %get3A_1014 = arith.index_cast %add3A_1008 : i32 to index
        %get3A_1015 = tpu.vector_load %arg8[%get3A_1013, %get3A_1014] {strides = array<i32>} : memref<8x1024xf32, #tpu.memory_space<vmem>>, vector<1x16xf32>,
        %get3A_1016 = vector.shape_cast %get3A_1015 : vector<1x16xf32> to vector<16xf32>
        %add3A_1017 = arith.addf %get3A_1016, %get3A_1012 : vector<16xf32>
        %swap3A_1018 = arith.index_cast %shift_right_arithmetic3A_913 : i32 to index
        %swap3A_1019 = arith.index_cast %add3A_1008 : i32 to index
        %swap3A_1020 = tpu.vector_load %arg8[%swap3A_1018, %swap3A_1019] {strides = array<i32>} : memref<8x1024xf32, #tpu.memory_space<vmem>>, vector<1x16xf32>,
        %swap3A_1021 = vector.shape_cast %swap3A_1020 : vector<1x16xf32> to vector<16xf32>
        %swap3A_1022 = vector.shape_cast %add3A_1017 : vector<16xf32> to vector<1x16xf32>
        tpu.vector_store %arg8[%swap3A_1018, %swap3A_1019], %swap3A_1022 {strides = array<i32>} : memref<8x1024xf32, #tpu.memory_space<vmem>>, vector<1x16xf32>,
        %get3A_1023 = arith.index_cast %shift_right_arithmetic3A_913 : i32 to index
        %get3A_1024 = arith.index_cast %add3A_1008 : i32 to index
        %get3A_1025 = tpu.vector_load %arg9[%get3A_1023, %get3A_1024] {strides = array<i32>} : memref<8x1024xf32, #tpu.memory_space<vmem>>, vector<1x16xf32>,
        %get3A_1026 = vector.shape_cast %get3A_1025 : vector<1x16xf32> to vector<16xf32>
        %add3A_1027 = arith.addf %get3A_1026, %get3A_1012 : vector<16xf32>
        %swap3A_1028 = arith.index_cast %shift_right_arithmetic3A_913 : i32 to index
        %swap3A_1029 = arith.index_cast %add3A_1008 : i32 to index
        %swap3A_1030 = tpu.vector_load %arg9[%swap3A_1028, %swap3A_1029] {strides = array<i32>} : memref<8x1024xf32, #tpu.memory_space<vmem>>, vector<1x16xf32>,
        %swap3A_1031 = vector.shape_cast %swap3A_1030 : vector<1x16xf32> to vector<16xf32>
        %swap3A_1032 = vector.shape_cast %add3A_1027 : vector<16xf32> to vector<1x16xf32>
        tpu.vector_store %arg9[%swap3A_1028, %swap3A_1029], %swap3A_1032 {strides = array<i32>} : memref<8x1024xf32, #tpu.memory_space<vmem>>, vector<1x16xf32>,
        %get3A_1033 = arith.index_cast %shift_right_arithmetic3A_913 : i32 to index
        %get3A_1034 = arith.index_cast %add3A_1008 : i32 to index
        %get3A_1035 = tpu.vector_load %arg10[%get3A_1033, %get3A_1034] {strides = array<i32>} : memref<8x1024xf32, #tpu.memory_space<vmem>>, vector<1x16xf32>,
        %get3A_1036 = vector.shape_cast %get3A_1035 : vector<1x16xf32> to vector<16xf32>
        %add3A_1037 = arith.addf %get3A_1036, %get3A_1012 : vector<16xf32>
        %swap3A_1038 = arith.index_cast %shift_right_arithmetic3A_913 : i32 to index
        %swap3A_1039 = arith.index_cast %add3A_1008 : i32 to index
        %swap3A_1040 = tpu.vector_load %arg10[%swap3A_1038, %swap3A_1039] {strides = array<i32>} : memref<8x1024xf32, #tpu.memory_space<vmem>>, vector<1x16xf32>,
        %swap3A_1041 = vector.shape_cast %swap3A_1040 : vector<1x16xf32> to vector<16xf32>
        %swap3A_1042 = vector.shape_cast %add3A_1037 : vector<16xf32> to vector<1x16xf32>
        tpu.vector_store %arg10[%swap3A_1038, %swap3A_1039], %swap3A_1042 {strides = array<i32>} : memref<8x1024xf32, #tpu.memory_space<vmem>>, vector<1x16xf32>,
        %get3A_1043 = arith.index_cast %shift_right_arithmetic3A_913 : i32 to index
        %get3A_1044 = arith.index_cast %add3A_1008 : i32 to index
        %get3A_1045 = tpu.vector_load %arg11[%get3A_1043, %get3A_1044] {strides = array<i32>} : memref<8x1024xf32, #tpu.memory_space<vmem>>, vector<1x16xf32>,
        %get3A_1046 = vector.shape_cast %get3A_1045 : vector<1x16xf32> to vector<16xf32>
        %add3A_1047 = arith.addf %get3A_1046, %get3A_1012 : vector<16xf32>
        %swap3A_1048 = arith.index_cast %shift_right_arithmetic3A_913 : i32 to index
        %swap3A_1049 = arith.index_cast %add3A_1008 : i32 to index
        %swap3A_1050 = tpu.vector_load %arg11[%swap3A_1048, %swap3A_1049] {strides = array<i32>} : memref<8x1024xf32, #tpu.memory_space<vmem>>, vector<1x16xf32>,
        %swap3A_1051 = vector.shape_cast %swap3A_1050 : vector<1x16xf32> to vector<16xf32>
        %swap3A_1052 = vector.shape_cast %add3A_1047 : vector<16xf32> to vector<1x16xf32>
        tpu.vector_store %arg11[%swap3A_1048, %swap3A_1049], %swap3A_1052 {strides = array<i32>} : memref<8x1024xf32, #tpu.memory_space<vmem>>, vector<1x16xf32>,
        %add3A_1053 = arith.constant 48 : i32
        %add3A_1054 = arith.addi %mul3A_916, %add3A_1053 : i32
        %get3A_1055 = arith.index_cast %shift_right_arithmetic3A_913 : i32 to index
        %get3A_1056 = arith.index_cast %add3A_1054 : i32 to index
        %get3A_1057 = tpu.vector_load %arg5[%get3A_1055, %get3A_1056] {strides = array<i32>} : memref<8x1024xf32, #tpu.memory_space<vmem>>, vector<1x16xf32>,
        %get3A_1058 = vector.shape_cast %get3A_1057 : vector<1x16xf32> to vector<16xf32>
        %get3A_1059 = arith.index_cast %shift_right_arithmetic3A_913 : i32 to index
        %get3A_1060 = arith.index_cast %add3A_1054 : i32 to index
        %get3A_1061 = tpu.vector_load %arg8[%get3A_1059, %get3A_1060] {strides = array<i32>} : memref<8x1024xf32, #tpu.memory_space<vmem>>, vector<1x16xf32>,
        %get3A_1062 = vector.shape_cast %get3A_1061 : vector<1x16xf32> to vector<16xf32>
        %add3A_1063 = arith.addf %get3A_1062, %get3A_1058 : vector<16xf32>
        %swap3A_1064 = arith.index_cast %shift_right_arithmetic3A_913 : i32 to index
        %swap3A_1065 = arith.index_cast %add3A_1054 : i32 to index
        %swap3A_1066 = tpu.vector_load %arg8[%swap3A_1064, %swap3A_1065] {strides = array<i32>} : memref<8x1024xf32, #tpu.memory_space<vmem>>, vector<1x16xf32>,
        %swap3A_1067 = vector.shape_cast %swap3A_1066 : vector<1x16xf32> to vector<16xf32>
        %swap3A_1068 = vector.shape_cast %add3A_1063 : vector<16xf32> to vector<1x16xf32>
        tpu.vector_store %arg8[%swap3A_1064, %swap3A_1065], %swap3A_1068 {strides = array<i32>} : memref<8x1024xf32, #tpu.memory_space<vmem>>, vector<1x16xf32>,
        %get3A_1069 = arith.index_cast %shift_right_arithmetic3A_913 : i32 to index
        %get3A_1070 = arith.index_cast %add3A_1054 : i32 to index
        %get3A_1071 = tpu.vector_load %arg9[%get3A_1069, %get3A_1070] {strides = array<i32>} : memref<8x1024xf32, #tpu.memory_space<vmem>>, vector<1x16xf32>,
        %get3A_1072 = vector.shape_cast %get3A_1071 : vector<1x16xf32> to vector<16xf32>
        %add3A_1073 = arith.addf %get3A_1072, %get3A_1058 : vector<16xf32>
        %swap3A_1074 = arith.index_cast %shift_right_arithmetic3A_913 : i32 to index
        %swap3A_1075 = arith.index_cast %add3A_1054 : i32 to index
        %swap3A_1076 = tpu.vector_load %arg9[%swap3A_1074, %swap3A_1075] {strides = array<i32>} : memref<8x1024xf32, #tpu.memory_space<vmem>>, vector<1x16xf32>,
        %swap3A_1077 = vector.shape_cast %swap3A_1076 : vector<1x16xf32> to vector<16xf32>
        %swap3A_1078 = vector.shape_cast %add3A_1073 : vector<16xf32> to vector<1x16xf32>
        tpu.vector_store %arg9[%swap3A_1074, %swap3A_1075], %swap3A_1078 {strides = array<i32>} : memref<8x1024xf32, #tpu.memory_space<vmem>>, vector<1x16xf32>,
        %get3A_1079 = arith.index_cast %shift_right_arithmetic3A_913 : i32 to index
        %get3A_1080 = arith.index_cast %add3A_1054 : i32 to index
        %get3A_1081 = tpu.vector_load %arg10[%get3A_1079, %get3A_1080] {strides = array<i32>} : memref<8x1024xf32, #tpu.memory_space<vmem>>, vector<1x16xf32>,
        %get3A_1082 = vector.shape_cast %get3A_1081 : vector<1x16xf32> to vector<16xf32>
        %add3A_1083 = arith.addf %get3A_1082, %get3A_1058 : vector<16xf32>
        %swap3A_1084 = arith.index_cast %shift_right_arithmetic3A_913 : i32 to index
        %swap3A_1085 = arith.index_cast %add3A_1054 : i32 to index
        %swap3A_1086 = tpu.vector_load %arg10[%swap3A_1084, %swap3A_1085] {strides = array<i32>} : memref<8x1024xf32, #tpu.memory_space<vmem>>, vector<1x16xf32>,
        %swap3A_1087 = vector.shape_cast %swap3A_1086 : vector<1x16xf32> to vector<16xf32>
        %swap3A_1088 = vector.shape_cast %add3A_1083 : vector<16xf32> to vector<1x16xf32>
        tpu.vector_store %arg10[%swap3A_1084, %swap3A_1085], %swap3A_1088 {strides = array<i32>} : memref<8x1024xf32, #tpu.memory_space<vmem>>, vector<1x16xf32>,
        %get3A_1089 = arith.index_cast %shift_right_arithmetic3A_913 : i32 to index
        %get3A_1090 = arith.index_cast %add3A_1054 : i32 to index
        %get3A_1091 = tpu.vector_load %arg11[%get3A_1089, %get3A_1090] {strides = array<i32>} : memref<8x1024xf32, #tpu.memory_space<vmem>>, vector<1x16xf32>,
        %get3A_1092 = vector.shape_cast %get3A_1091 : vector<1x16xf32> to vector<16xf32>
        %add3A_1093 = arith.addf %get3A_1092, %get3A_1058 : vector<16xf32>
        %swap3A_1094 = arith.index_cast %shift_right_arithmetic3A_913 : i32 to index
        %swap3A_1095 = arith.index_cast %add3A_1054 : i32 to index
        %swap3A_1096 = tpu.vector_load %arg11[%swap3A_1094, %swap3A_1095] {strides = array<i32>} : memref<8x1024xf32, #tpu.memory_space<vmem>>, vector<1x16xf32>,
        %swap3A_1097 = vector.shape_cast %swap3A_1096 : vector<1x16xf32> to vector<16xf32>
        %swap3A_1098 = vector.shape_cast %add3A_1093 : vector<16xf32> to vector<1x16xf32>
        tpu.vector_store %arg11[%swap3A_1094, %swap3A_1095], %swap3A_1098 {strides = array<i32>} : memref<8x1024xf32, #tpu.memory_space<vmem>>, vector<1x16xf32>,
        %scan3A_1099 = arith.constant 0 : i32
        scf.yield %scan3A_1099 : i32
      }
      %scan3A_671 = arith.constant 128 : i32
      %mul3A_672 = arith.constant 8 : i32
      %mul3A_673 = arith.muli %add3A_615, %mul3A_672 : i32
      %add3A_674 = arith.addi %mul3A_2, %mul3A_673 : i32
      %dma_start3A_675 = arith.constant 0 : i32
      %dma_start3A_676 = arith.constant 0 : i32
      %dma_start3A_677 = tpu.memref_slice %arg4[%dma_start3A_675, %add3A_674, %dma_start3A_676] : memref<4x8192x1024xf32, #tpu.memory_space<hbm>> -> memref<1x8x1024xf32, #tpu.memory_space<hbm>>
      %dma_start3A_678 = tpu.memref_squeeze %dma_start3A_677 : memref<1x8x1024xf32, #tpu.memory_space<hbm>> -> memref<8x1024xf32, #tpu.memory_space<hbm>>
      %dma_start3A_679 = arith.constant 0 : i32
      %dma_start3A_680 = tpu.memref_slice %arg4[%dma_start3A_675, %add3A_674, %dma_start3A_679] : memref<4x8192x1024xf32, #tpu.memory_space<hbm>> -> memref<1x8x1024xf32, #tpu.memory_space<hbm>>
      %dma_start3A_681 = tpu.memref_squeeze %dma_start3A_680 : memref<1x8x1024xf32, #tpu.memory_space<hbm>> -> memref<8x1024xf32, #tpu.memory_space<hbm>>
      tpu.enqueue_dma source(%arg8 : memref<8x1024xf32, #tpu.memory_space<vmem>>) target(%dma_start3A_681 : memref<8x1024xf32, #tpu.memory_space<hbm>>) target_semaphore(%arg26 : memref<!tpu.dma_semaphore, #tpu.memory_space<semaphore_mem>>)
      %mul3A_682 = arith.constant 8 : i32
      %mul3A_683 = arith.muli %add3A_615, %mul3A_682 : i32
      %add3A_684 = arith.addi %mul3A_2, %mul3A_683 : i32
      %dma_start3A_685 = arith.constant 1 : i32
      %dma_start3A_686 = arith.constant 0 : i32
      %dma_start3A_687 = tpu.memref_slice %arg4[%dma_start3A_685, %add3A_684, %dma_start3A_686] : memref<4x8192x1024xf32, #tpu.memory_space<hbm>> -> memref<1x8x1024xf32, #tpu.memory_space<hbm>>
      %dma_start3A_688 = tpu.memref_squeeze %dma_start3A_687 : memref<1x8x1024xf32, #tpu.memory_space<hbm>> -> memref<8x1024xf32, #tpu.memory_space<hbm>>
      %dma_start3A_689 = arith.constant 0 : i32
      %dma_start3A_690 = tpu.memref_slice %arg4[%dma_start3A_685, %add3A_684, %dma_start3A_689] : memref<4x8192x1024xf32, #tpu.memory_space<hbm>> -> memref<1x8x1024xf32, #tpu.memory_space<hbm>>
      %dma_start3A_691 = tpu.memref_squeeze %dma_start3A_690 : memref<1x8x1024xf32, #tpu.memory_space<hbm>> -> memref<8x1024xf32, #tpu.memory_space<hbm>>
      tpu.enqueue_dma source(%arg9 : memref<8x1024xf32, #tpu.memory_space<vmem>>) target(%dma_start3A_691 : memref<8x1024xf32, #tpu.memory_space<hbm>>) target_semaphore(%arg26 : memref<!tpu.dma_semaphore, #tpu.memory_space<semaphore_mem>>)
      %mul3A_692 = arith.constant 8 : i32
      %mul3A_693 = arith.muli %add3A_615, %mul3A_692 : i32
      %add3A_694 = arith.addi %mul3A_2, %mul3A_693 : i32
      %dma_start3A_695 = arith.constant 2 : i32
      %dma_start3A_696 = arith.constant 0 : i32
      %dma_start3A_697 = tpu.memref_slice %arg4[%dma_start3A_695, %add3A_694, %dma_start3A_696] : memref<4x8192x1024xf32, #tpu.memory_space<hbm>> -> memref<1x8x1024xf32, #tpu.memory_space<hbm>>
      %dma_start3A_698 = tpu.memref_squeeze %dma_start3A_697 : memref<1x8x1024xf32, #tpu.memory_space<hbm>> -> memref<8x1024xf32, #tpu.memory_space<hbm>>
      %dma_start3A_699 = arith.constant 0 : i32
      %dma_start3A_700 = tpu.memref_slice %arg4[%dma_start3A_695, %add3A_694, %dma_start3A_699] : memref<4x8192x1024xf32, #tpu.memory_space<hbm>> -> memref<1x8x1024xf32, #tpu.memory_space<hbm>>
      %dma_start3A_701 = tpu.memref_squeeze %dma_start3A_700 : memref<1x8x1024xf32, #tpu.memory_space<hbm>> -> memref<8x1024xf32, #tpu.memory_space<hbm>>
      tpu.enqueue_dma source(%arg10 : memref<8x1024xf32, #tpu.memory_space<vmem>>) target(%dma_start3A_701 : memref<8x1024xf32, #tpu.memory_space<hbm>>) target_semaphore(%arg26 : memref<!tpu.dma_semaphore, #tpu.memory_space<semaphore_mem>>)
      %mul3A_702 = arith.constant 8 : i32
      %mul3A_703 = arith.muli %add3A_615, %mul3A_702 : i32
      %add3A_704 = arith.addi %mul3A_2, %mul3A_703 : i32
      %dma_start3A_705 = arith.constant 3 : i32
      %dma_start3A_706 = arith.constant 0 : i32
      %dma_start3A_707 = tpu.memref_slice %arg4[%dma_start3A_705, %add3A_704, %dma_start3A_706] : memref<4x8192x1024xf32, #tpu.memory_space<hbm>> -> memref<1x8x1024xf32, #tpu.memory_space<hbm>>
      %dma_start3A_708 = tpu.memref_squeeze %dma_start3A_707 : memref<1x8x1024xf32, #tpu.memory_space<hbm>> -> memref<8x1024xf32, #tpu.memory_space<hbm>>
      %dma_start3A_709 = arith.constant 0 : i32
      %dma_start3A_710 = tpu.memref_slice %arg4[%dma_start3A_705, %add3A_704, %dma_start3A_709] : memref<4x8192x1024xf32, #tpu.memory_space<hbm>> -> memref<1x8x1024xf32, #tpu.memory_space<hbm>>
      %dma_start3A_711 = tpu.memref_squeeze %dma_start3A_710 : memref<1x8x1024xf32, #tpu.memory_space<hbm>> -> memref<8x1024xf32, #tpu.memory_space<hbm>>
      tpu.enqueue_dma source(%arg11 : memref<8x1024xf32, #tpu.memory_space<vmem>>) target(%dma_start3A_711 : memref<8x1024xf32, #tpu.memory_space<hbm>>) target_semaphore(%arg26 : memref<!tpu.dma_semaphore, #tpu.memory_space<semaphore_mem>>)
      %sub3A_712 = arith.constant 1 : i32
      %sub3A_713 = arith.subi %add3A_615, %sub3A_712 : i32
      %mul3A_714 = arith.constant 8 : i32
      %mul3A_715 = arith.muli %sub3A_713, %mul3A_714 : i32
      %add3A_716 = arith.addi %mul3A_2, %mul3A_715 : i32
      %dma_wait3A_717 = arith.constant 0 : i32
      %dma_wait3A_718 = arith.constant 0 : i32
      %dma_wait3A_719 = tpu.memref_slice %arg4[%dma_wait3A_717, %add3A_716, %dma_wait3A_718] : memref<4x8192x1024xf32, #tpu.memory_space<hbm>> -> memref<1x8x1024xf32, #tpu.memory_space<hbm>>
      %dma_wait3A_720 = tpu.memref_squeeze %dma_wait3A_719 : memref<1x8x1024xf32, #tpu.memory_space<hbm>> -> memref<8x1024xf32, #tpu.memory_space<hbm>>
      %dma_wait3A_721 = arith.constant 0 : i32
      %dma_wait3A_722 = tpu.memref_slice %arg4[%dma_wait3A_717, %add3A_716, %dma_wait3A_721] : memref<4x8192x1024xf32, #tpu.memory_space<hbm>> -> memref<1x8x1024xf32, #tpu.memory_space<hbm>>
      %dma_wait3A_723 = tpu.memref_squeeze %dma_wait3A_722 : memref<1x8x1024xf32, #tpu.memory_space<hbm>> -> memref<8x1024xf32, #tpu.memory_space<hbm>>
      tpu.wait_dma2 semaphore(%arg28 : memref<!tpu.dma_semaphore, #tpu.memory_space<semaphore_mem>>) src(%dma_wait3A_723 : memref<8x1024xf32, #tpu.memory_space<hbm>>) dst(%arg16 : memref<8x1024xf32, #tpu.memory_space<vmem>>)
      %mul3A_724 = arith.constant 8 : i32
      %mul3A_725 = arith.muli %sub3A_713, %mul3A_724 : i32
      %add3A_726 = arith.addi %mul3A_2, %mul3A_725 : i32
      %dma_wait3A_727 = arith.constant 1 : i32
      %dma_wait3A_728 = arith.constant 0 : i32
      %dma_wait3A_729 = tpu.memref_slice %arg4[%dma_wait3A_727, %add3A_726, %dma_wait3A_728] : memref<4x8192x1024xf32, #tpu.memory_space<hbm>> -> memref<1x8x1024xf32, #tpu.memory_space<hbm>>
      %dma_wait3A_730 = tpu.memref_squeeze %dma_wait3A_729 : memref<1x8x1024xf32, #tpu.memory_space<hbm>> -> memref<8x1024xf32, #tpu.memory_space<hbm>>
      %dma_wait3A_731 = arith.constant 0 : i32
      %dma_wait3A_732 = tpu.memref_slice %arg4[%dma_wait3A_727, %add3A_726, %dma_wait3A_731] : memref<4x8192x1024xf32, #tpu.memory_space<hbm>> -> memref<1x8x1024xf32, #tpu.memory_space<hbm>>
      %dma_wait3A_733 = tpu.memref_squeeze %dma_wait3A_732 : memref<1x8x1024xf32, #tpu.memory_space<hbm>> -> memref<8x1024xf32, #tpu.memory_space<hbm>>
      tpu.wait_dma2 semaphore(%arg28 : memref<!tpu.dma_semaphore, #tpu.memory_space<semaphore_mem>>) src(%dma_wait3A_733 : memref<8x1024xf32, #tpu.memory_space<hbm>>) dst(%arg17 : memref<8x1024xf32, #tpu.memory_space<vmem>>)
      %mul3A_734 = arith.constant 8 : i32
      %mul3A_735 = arith.muli %sub3A_713, %mul3A_734 : i32
      %add3A_736 = arith.addi %mul3A_2, %mul3A_735 : i32
      %dma_wait3A_737 = arith.constant 2 : i32
      %dma_wait3A_738 = arith.constant 0 : i32
      %dma_wait3A_739 = tpu.memref_slice %arg4[%dma_wait3A_737, %add3A_736, %dma_wait3A_738] : memref<4x8192x1024xf32, #tpu.memory_space<hbm>> -> memref<1x8x1024xf32, #tpu.memory_space<hbm>>
      %dma_wait3A_740 = tpu.memref_squeeze %dma_wait3A_739 : memref<1x8x1024xf32, #tpu.memory_space<hbm>> -> memref<8x1024xf32, #tpu.memory_space<hbm>>
      %dma_wait3A_741 = arith.constant 0 : i32
      %dma_wait3A_742 = tpu.memref_slice %arg4[%dma_wait3A_737, %add3A_736, %dma_wait3A_741] : memref<4x8192x1024xf32, #tpu.memory_space<hbm>> -> memref<1x8x1024xf32, #tpu.memory_space<hbm>>
      %dma_wait3A_743 = tpu.memref_squeeze %dma_wait3A_742 : memref<1x8x1024xf32, #tpu.memory_space<hbm>> -> memref<8x1024xf32, #tpu.memory_space<hbm>>
      tpu.wait_dma2 semaphore(%arg28 : memref<!tpu.dma_semaphore, #tpu.memory_space<semaphore_mem>>) src(%dma_wait3A_743 : memref<8x1024xf32, #tpu.memory_space<hbm>>) dst(%arg18 : memref<8x1024xf32, #tpu.memory_space<vmem>>)
      %mul3A_744 = arith.constant 8 : i32
      %mul3A_745 = arith.muli %sub3A_713, %mul3A_744 : i32
      %add3A_746 = arith.addi %mul3A_2, %mul3A_745 : i32
      %dma_wait3A_747 = arith.constant 3 : i32
      %dma_wait3A_748 = arith.constant 0 : i32
      %dma_wait3A_749 = tpu.memref_slice %arg4[%dma_wait3A_747, %add3A_746, %dma_wait3A_748] : memref<4x8192x1024xf32, #tpu.memory_space<hbm>> -> memref<1x8x1024xf32, #tpu.memory_space<hbm>>
      %dma_wait3A_750 = tpu.memref_squeeze %dma_wait3A_749 : memref<1x8x1024xf32, #tpu.memory_space<hbm>> -> memref<8x1024xf32, #tpu.memory_space<hbm>>
      %dma_wait3A_751 = arith.constant 0 : i32
      %dma_wait3A_752 = tpu.memref_slice %arg4[%dma_wait3A_747, %add3A_746, %dma_wait3A_751] : memref<4x8192x1024xf32, #tpu.memory_space<hbm>> -> memref<1x8x1024xf32, #tpu.memory_space<hbm>>
      %dma_wait3A_753 = tpu.memref_squeeze %dma_wait3A_752 : memref<1x8x1024xf32, #tpu.memory_space<hbm>> -> memref<8x1024xf32, #tpu.memory_space<hbm>>
      tpu.wait_dma2 semaphore(%arg28 : memref<!tpu.dma_semaphore, #tpu.memory_space<semaphore_mem>>) src(%dma_wait3A_753 : memref<8x1024xf32, #tpu.memory_space<hbm>>) dst(%arg19 : memref<8x1024xf32, #tpu.memory_space<vmem>>)
      %convert_element_type3A_754 = arith.extui %lt3A_617 : i1 to i32
      %cond3A_755 = arith.constant 0 : i32
      %cond3A_756 = arith.cmpi ne, %convert_element_type3A_754, %cond3A_755 : i32
      scf.if %cond3A_756 {
        %add3A_911 = arith.constant 2 : i32
        %add3A_912 = arith.addi %add3A_615, %add3A_911 : i32
        %mul3A_913 = arith.constant 8 : i32
        %mul3A_914 = arith.muli %add3A_912, %mul3A_913 : i32
        %add3A_915 = arith.addi %mul3A_2, %mul3A_914 : i32
        %dma_start3A_916 = arith.constant 0 : i32
        %dma_start3A_917 = arith.constant 0 : i32
        %dma_start3A_918 = tpu.memref_slice %arg2[%dma_start3A_916, %add3A_915, %dma_start3A_917] : memref<4x8192x1024xf32, #tpu.memory_space<hbm>> -> memref<1x8x1024xf32, #tpu.memory_space<hbm>>
        %dma_start3A_919 = tpu.memref_squeeze %dma_start3A_918 : memref<1x8x1024xf32, #tpu.memory_space<hbm>> -> memref<8x1024xf32, #tpu.memory_space<hbm>>
        %dma_start3A_920 = arith.constant 0 : i32
        %dma_start3A_921 = tpu.memref_slice %arg2[%dma_start3A_916, %add3A_915, %dma_start3A_920] : memref<4x8192x1024xf32, #tpu.memory_space<hbm>> -> memref<1x8x1024xf32, #tpu.memory_space<hbm>>
        %dma_start3A_922 = tpu.memref_squeeze %dma_start3A_921 : memref<1x8x1024xf32, #tpu.memory_space<hbm>> -> memref<8x1024xf32, #tpu.memory_space<hbm>>
        tpu.enqueue_dma source(%dma_start3A_922 : memref<8x1024xf32, #tpu.memory_space<hbm>>) target(%arg16 : memref<8x1024xf32, #tpu.memory_space<vmem>>) target_semaphore(%arg25 : memref<!tpu.dma_semaphore, #tpu.memory_space<semaphore_mem>>)
        %mul3A_923 = arith.constant 8 : i32
        %mul3A_924 = arith.muli %add3A_912, %mul3A_923 : i32
        %add3A_925 = arith.addi %mul3A_2, %mul3A_924 : i32
        %dma_start3A_926 = arith.constant 1 : i32
        %dma_start3A_927 = arith.constant 0 : i32
        %dma_start3A_928 = tpu.memref_slice %arg2[%dma_start3A_926, %add3A_925, %dma_start3A_927] : memref<4x8192x1024xf32, #tpu.memory_space<hbm>> -> memref<1x8x1024xf32, #tpu.memory_space<hbm>>
        %dma_start3A_929 = tpu.memref_squeeze %dma_start3A_928 : memref<1x8x1024xf32, #tpu.memory_space<hbm>> -> memref<8x1024xf32, #tpu.memory_space<hbm>>
        %dma_start3A_930 = arith.constant 0 : i32
        %dma_start3A_931 = tpu.memref_slice %arg2[%dma_start3A_926, %add3A_925, %dma_start3A_930] : memref<4x8192x1024xf32, #tpu.memory_space<hbm>> -> memref<1x8x1024xf32, #tpu.memory_space<hbm>>
        %dma_start3A_932 = tpu.memref_squeeze %dma_start3A_931 : memref<1x8x1024xf32, #tpu.memory_space<hbm>> -> memref<8x1024xf32, #tpu.memory_space<hbm>>
        tpu.enqueue_dma source(%dma_start3A_932 : memref<8x1024xf32, #tpu.memory_space<hbm>>) target(%arg17 : memref<8x1024xf32, #tpu.memory_space<vmem>>) target_semaphore(%arg25 : memref<!tpu.dma_semaphore, #tpu.memory_space<semaphore_mem>>)
        %mul3A_933 = arith.constant 8 : i32
        %mul3A_934 = arith.muli %add3A_912, %mul3A_933 : i32
        %add3A_935 = arith.addi %mul3A_2, %mul3A_934 : i32
        %dma_start3A_936 = arith.constant 2 : i32
        %dma_start3A_937 = arith.constant 0 : i32
        %dma_start3A_938 = tpu.memref_slice %arg2[%dma_start3A_936, %add3A_935, %dma_start3A_937] : memref<4x8192x1024xf32, #tpu.memory_space<hbm>> -> memref<1x8x1024xf32, #tpu.memory_space<hbm>>
        %dma_start3A_939 = tpu.memref_squeeze %dma_start3A_938 : memref<1x8x1024xf32, #tpu.memory_space<hbm>> -> memref<8x1024xf32, #tpu.memory_space<hbm>>
        %dma_start3A_940 = arith.constant 0 : i32
        %dma_start3A_941 = tpu.memref_slice %arg2[%dma_start3A_936, %add3A_935, %dma_start3A_940] : memref<4x8192x1024xf32, #tpu.memory_space<hbm>> -> memref<1x8x1024xf32, #tpu.memory_space<hbm>>
        %dma_start3A_942 = tpu.memref_squeeze %dma_start3A_941 : memref<1x8x1024xf32, #tpu.memory_space<hbm>> -> memref<8x1024xf32, #tpu.memory_space<hbm>>
        tpu.enqueue_dma source(%dma_start3A_942 : memref<8x1024xf32, #tpu.memory_space<hbm>>) target(%arg18 : memref<8x1024xf32, #tpu.memory_space<vmem>>) target_semaphore(%arg25 : memref<!tpu.dma_semaphore, #tpu.memory_space<semaphore_mem>>)
        %mul3A_943 = arith.constant 8 : i32
        %mul3A_944 = arith.muli %add3A_912, %mul3A_943 : i32
        %add3A_945 = arith.addi %mul3A_2, %mul3A_944 : i32
        %dma_start3A_946 = arith.constant 3 : i32
        %dma_start3A_947 = arith.constant 0 : i32
        %dma_start3A_948 = tpu.memref_slice %arg2[%dma_start3A_946, %add3A_945, %dma_start3A_947] : memref<4x8192x1024xf32, #tpu.memory_space<hbm>> -> memref<1x8x1024xf32, #tpu.memory_space<hbm>>
        %dma_start3A_949 = tpu.memref_squeeze %dma_start3A_948 : memref<1x8x1024xf32, #tpu.memory_space<hbm>> -> memref<8x1024xf32, #tpu.memory_space<hbm>>
        %dma_start3A_950 = arith.constant 0 : i32
        %dma_start3A_951 = tpu.memref_slice %arg2[%dma_start3A_946, %add3A_945, %dma_start3A_950] : memref<4x8192x1024xf32, #tpu.memory_space<hbm>> -> memref<1x8x1024xf32, #tpu.memory_space<hbm>>
        %dma_start3A_952 = tpu.memref_squeeze %dma_start3A_951 : memref<1x8x1024xf32, #tpu.memory_space<hbm>> -> memref<8x1024xf32, #tpu.memory_space<hbm>>
        tpu.enqueue_dma source(%dma_start3A_952 : memref<8x1024xf32, #tpu.memory_space<hbm>>) target(%arg19 : memref<8x1024xf32, #tpu.memory_space<vmem>>) target_semaphore(%arg25 : memref<!tpu.dma_semaphore, #tpu.memory_space<semaphore_mem>>)
      } else {
      }
      %convert_element_type3A_757 = arith.extui %lt3A_617 : i1 to i32
      %cond3A_758 = arith.constant 0 : i32
      %cond3A_759 = arith.cmpi ne, %convert_element_type3A_757, %cond3A_758 : i32
      scf.if %cond3A_759 {
        %add3A_911 = arith.constant 3 : i32
        %add3A_912 = arith.addi %add3A_615, %add3A_911 : i32
        %mul3A_913 = arith.constant 8 : i32
        %mul3A_914 = arith.muli %add3A_912, %mul3A_913 : i32
        %add3A_915 = arith.addi %mul3A_2, %mul3A_914 : i32
        %dma_start3A_916 = arith.constant 0 : i32
        %dma_start3A_917 = tpu.memref_slice %arg3[%add3A_915, %dma_start3A_916] : memref<8192x1024xf32, #tpu.memory_space<hbm>> -> memref<8x1024xf32, #tpu.memory_space<hbm>>
        %dma_start3A_918 = arith.constant 0 : i32
        %dma_start3A_919 = tpu.memref_slice %arg3[%add3A_915, %dma_start3A_918] : memref<8192x1024xf32, #tpu.memory_space<hbm>> -> memref<8x1024xf32, #tpu.memory_space<hbm>>
        tpu.enqueue_dma source(%dma_start3A_919 : memref<8x1024xf32, #tpu.memory_space<hbm>>) target(%arg5 : memref<8x1024xf32, #tpu.memory_space<vmem>>) target_semaphore(%arg20 : memref<!tpu.dma_semaphore, #tpu.memory_space<semaphore_mem>>)
      } else {
      }
      %mul3A_760 = arith.constant 3 : i32
      %mul3A_761 = arith.muli %scan3A_423, %mul3A_760 : i32
      %add3A_762 = arith.constant 2 : i32
      %add3A_763 = arith.addi %mul3A_761, %add3A_762 : i32
      %add3A_764 = arith.constant 2 : i32
      %add3A_765 = arith.addi %add3A_763, %add3A_764 : i32
      %lt3A_766 = arith.constant 9 : i32
      %lt3A_767 = arith.cmpi slt, %scan3A_423, %lt3A_766 : i32
      %mul3A_768 = arith.constant 8 : i32
      %mul3A_769 = arith.muli %add3A_765, %mul3A_768 : i32
      %add3A_770 = arith.addi %mul3A_2, %mul3A_769 : i32
      %dma_wait3A_771 = arith.constant 0 : i32
      %dma_wait3A_772 = tpu.memref_slice %arg3[%add3A_770, %dma_wait3A_771] : memref<8192x1024xf32, #tpu.memory_space<hbm>> -> memref<8x1024xf32, #tpu.memory_space<hbm>>
      %dma_wait3A_773 = arith.constant 0 : i32
      %dma_wait3A_774 = tpu.memref_slice %arg3[%add3A_770, %dma_wait3A_773] : memref<8192x1024xf32, #tpu.memory_space<hbm>> -> memref<8x1024xf32, #tpu.memory_space<hbm>>
      tpu.wait_dma2 semaphore(%arg21 : memref<!tpu.dma_semaphore, #tpu.memory_space<semaphore_mem>>) src(%dma_wait3A_774 : memref<8x1024xf32, #tpu.memory_space<hbm>>) dst(%arg6 : memref<8x1024xf32, #tpu.memory_space<vmem>>)
      %mul3A_775 = arith.constant 8 : i32
      %mul3A_776 = arith.muli %add3A_765, %mul3A_775 : i32
      %add3A_777 = arith.addi %mul3A_2, %mul3A_776 : i32
      %dma_wait3A_778 = arith.constant 0 : i32
      %dma_wait3A_779 = arith.constant 0 : i32
      %dma_wait3A_780 = tpu.memref_slice %arg2[%dma_wait3A_778, %add3A_777, %dma_wait3A_779] : memref<4x8192x1024xf32, #tpu.memory_space<hbm>> -> memref<1x8x1024xf32, #tpu.memory_space<hbm>>
      %dma_wait3A_781 = tpu.memref_squeeze %dma_wait3A_780 : memref<1x8x1024xf32, #tpu.memory_space<hbm>> -> memref<8x1024xf32, #tpu.memory_space<hbm>>
      %dma_wait3A_782 = arith.constant 0 : i32
      %dma_wait3A_783 = tpu.memref_slice %arg2[%dma_wait3A_778, %add3A_777, %dma_wait3A_782] : memref<4x8192x1024xf32, #tpu.memory_space<hbm>> -> memref<1x8x1024xf32, #tpu.memory_space<hbm>>
      %dma_wait3A_784 = tpu.memref_squeeze %dma_wait3A_783 : memref<1x8x1024xf32, #tpu.memory_space<hbm>> -> memref<8x1024xf32, #tpu.memory_space<hbm>>
      tpu.wait_dma2 semaphore(%arg24 : memref<!tpu.dma_semaphore, #tpu.memory_space<semaphore_mem>>) src(%dma_wait3A_784 : memref<8x1024xf32, #tpu.memory_space<hbm>>) dst(%arg12 : memref<8x1024xf32, #tpu.memory_space<vmem>>)
      %mul3A_785 = arith.constant 8 : i32
      %mul3A_786 = arith.muli %add3A_765, %mul3A_785 : i32
      %add3A_787 = arith.addi %mul3A_2, %mul3A_786 : i32
      %dma_wait3A_788 = arith.constant 1 : i32
      %dma_wait3A_789 = arith.constant 0 : i32
      %dma_wait3A_790 = tpu.memref_slice %arg2[%dma_wait3A_788, %add3A_787, %dma_wait3A_789] : memref<4x8192x1024xf32, #tpu.memory_space<hbm>> -> memref<1x8x1024xf32, #tpu.memory_space<hbm>>
      %dma_wait3A_791 = tpu.memref_squeeze %dma_wait3A_790 : memref<1x8x1024xf32, #tpu.memory_space<hbm>> -> memref<8x1024xf32, #tpu.memory_space<hbm>>
      %dma_wait3A_792 = arith.constant 0 : i32
      %dma_wait3A_793 = tpu.memref_slice %arg2[%dma_wait3A_788, %add3A_787, %dma_wait3A_792] : memref<4x8192x1024xf32, #tpu.memory_space<hbm>> -> memref<1x8x1024xf32, #tpu.memory_space<hbm>>
      %dma_wait3A_794 = tpu.memref_squeeze %dma_wait3A_793 : memref<1x8x1024xf32, #tpu.memory_space<hbm>> -> memref<8x1024xf32, #tpu.memory_space<hbm>>
      tpu.wait_dma2 semaphore(%arg24 : memref<!tpu.dma_semaphore, #tpu.memory_space<semaphore_mem>>) src(%dma_wait3A_794 : memref<8x1024xf32, #tpu.memory_space<hbm>>) dst(%arg13 : memref<8x1024xf32, #tpu.memory_space<vmem>>)
      %mul3A_795 = arith.constant 8 : i32
      %mul3A_796 = arith.muli %add3A_765, %mul3A_795 : i32
      %add3A_797 = arith.addi %mul3A_2, %mul3A_796 : i32
      %dma_wait3A_798 = arith.constant 2 : i32
      %dma_wait3A_799 = arith.constant 0 : i32
      %dma_wait3A_800 = tpu.memref_slice %arg2[%dma_wait3A_798, %add3A_797, %dma_wait3A_799] : memref<4x8192x1024xf32, #tpu.memory_space<hbm>> -> memref<1x8x1024xf32, #tpu.memory_space<hbm>>
      %dma_wait3A_801 = tpu.memref_squeeze %dma_wait3A_800 : memref<1x8x1024xf32, #tpu.memory_space<hbm>> -> memref<8x1024xf32, #tpu.memory_space<hbm>>
      %dma_wait3A_802 = arith.constant 0 : i32
      %dma_wait3A_803 = tpu.memref_slice %arg2[%dma_wait3A_798, %add3A_797, %dma_wait3A_802] : memref<4x8192x1024xf32, #tpu.memory_space<hbm>> -> memref<1x8x1024xf32, #tpu.memory_space<hbm>>
      %dma_wait3A_804 = tpu.memref_squeeze %dma_wait3A_803 : memref<1x8x1024xf32, #tpu.memory_space<hbm>> -> memref<8x1024xf32, #tpu.memory_space<hbm>>
      tpu.wait_dma2 semaphore(%arg24 : memref<!tpu.dma_semaphore, #tpu.memory_space<semaphore_mem>>) src(%dma_wait3A_804 : memref<8x1024xf32, #tpu.memory_space<hbm>>) dst(%arg14 : memref<8x1024xf32, #tpu.memory_space<vmem>>)
      %mul3A_805 = arith.constant 8 : i32
      %mul3A_806 = arith.muli %add3A_765, %mul3A_805 : i32
      %add3A_807 = arith.addi %mul3A_2, %mul3A_806 : i32
      %dma_wait3A_808 = arith.constant 3 : i32
      %dma_wait3A_809 = arith.constant 0 : i32
      %dma_wait3A_810 = tpu.memref_slice %arg2[%dma_wait3A_808, %add3A_807, %dma_wait3A_809] : memref<4x8192x1024xf32, #tpu.memory_space<hbm>> -> memref<1x8x1024xf32, #tpu.memory_space<hbm>>
      %dma_wait3A_811 = tpu.memref_squeeze %dma_wait3A_810 : memref<1x8x1024xf32, #tpu.memory_space<hbm>> -> memref<8x1024xf32, #tpu.memory_space<hbm>>
      %dma_wait3A_812 = arith.constant 0 : i32
      %dma_wait3A_813 = tpu.memref_slice %arg2[%dma_wait3A_808, %add3A_807, %dma_wait3A_812] : memref<4x8192x1024xf32, #tpu.memory_space<hbm>> -> memref<1x8x1024xf32, #tpu.memory_space<hbm>>
      %dma_wait3A_814 = tpu.memref_squeeze %dma_wait3A_813 : memref<1x8x1024xf32, #tpu.memory_space<hbm>> -> memref<8x1024xf32, #tpu.memory_space<hbm>>
      tpu.wait_dma2 semaphore(%arg24 : memref<!tpu.dma_semaphore, #tpu.memory_space<semaphore_mem>>) src(%dma_wait3A_814 : memref<8x1024xf32, #tpu.memory_space<hbm>>) dst(%arg15 : memref<8x1024xf32, #tpu.memory_space<vmem>>)
      %scan3A_815 = arith.constant 0 : i32
      %scan3A_816 = arith.constant 0 : i32
      %scan3A_817 = arith.constant 128 : i32
      %scan3A_818 = arith.addi %scan3A_816, %scan3A_817 : i32
      %scan3A_819 = arith.constant 1 : i32
      %scan3A_820 = scf.for %scan3A_911 = %scan3A_816 to %scan3A_818 step %scan3A_819 iter_args(%scan3A_912 = %scan3A_815) -> (i32)  : i32 {
        %shift_right_arithmetic3A = arith.constant 4 : i32
        %shift_right_arithmetic3A_913 = arith.shrsi %scan3A_911, %shift_right_arithmetic3A : i32
        %and3A = arith.constant 15 : i32
        %and3A_914 = arith.andi %scan3A_911, %and3A : i32
        %mul3A_915 = arith.constant 64 : i32
        %mul3A_916 = arith.muli %and3A_914, %mul3A_915 : i32
        %add3A_917 = arith.constant 0 : i32
        %add3A_918 = arith.addi %mul3A_916, %add3A_917 : i32
        %get3A = arith.index_cast %shift_right_arithmetic3A_913 : i32 to index
        %get3A_919 = arith.index_cast %add3A_918 : i32 to index
        %get3A_920 = tpu.vector_load %arg6[%get3A, %get3A_919] {strides = array<i32>} : memref<8x1024xf32, #tpu.memory_space<vmem>>, vector<1x16xf32>,
        %get3A_921 = vector.shape_cast %get3A_920 : vector<1x16xf32> to vector<16xf32>
        %get3A_922 = arith.index_cast %shift_right_arithmetic3A_913 : i32 to index
        %get3A_923 = arith.index_cast %add3A_918 : i32 to index
        %get3A_924 = tpu.vector_load %arg12[%get3A_922, %get3A_923] {strides = array<i32>} : memref<8x1024xf32, #tpu.memory_space<vmem>>, vector<1x16xf32>,
        %get3A_925 = vector.shape_cast %get3A_924 : vector<1x16xf32> to vector<16xf32>
        %add3A_926 = arith.addf %get3A_925, %get3A_921 : vector<16xf32>
        %swap3A = arith.index_cast %shift_right_arithmetic3A_913 : i32 to index
        %swap3A_927 = arith.index_cast %add3A_918 : i32 to index
        %swap3A_928 = tpu.vector_load %arg12[%swap3A, %swap3A_927] {strides = array<i32>} : memref<8x1024xf32, #tpu.memory_space<vmem>>, vector<1x16xf32>,
        %swap3A_929 = vector.shape_cast %swap3A_928 : vector<1x16xf32> to vector<16xf32>
        %swap3A_930 = vector.shape_cast %add3A_926 : vector<16xf32> to vector<1x16xf32>
        tpu.vector_store %arg12[%swap3A, %swap3A_927], %swap3A_930 {strides = array<i32>} : memref<8x1024xf32, #tpu.memory_space<vmem>>, vector<1x16xf32>,
        %get3A_931 = arith.index_cast %shift_right_arithmetic3A_913 : i32 to index
        %get3A_932 = arith.index_cast %add3A_918 : i32 to index
        %get3A_933 = tpu.vector_load %arg13[%get3A_931, %get3A_932] {strides = array<i32>} : memref<8x1024xf32, #tpu.memory_space<vmem>>, vector<1x16xf32>,
        %get3A_934 = vector.shape_cast %get3A_933 : vector<1x16xf32> to vector<16xf32>
        %add3A_935 = arith.addf %get3A_934, %get3A_921 : vector<16xf32>
        %swap3A_936 = arith.index_cast %shift_right_arithmetic3A_913 : i32 to index
        %swap3A_937 = arith.index_cast %add3A_918 : i32 to index
        %swap3A_938 = tpu.vector_load %arg13[%swap3A_936, %swap3A_937] {strides = array<i32>} : memref<8x1024xf32, #tpu.memory_space<vmem>>, vector<1x16xf32>,
        %swap3A_939 = vector.shape_cast %swap3A_938 : vector<1x16xf32> to vector<16xf32>
        %swap3A_940 = vector.shape_cast %add3A_935 : vector<16xf32> to vector<1x16xf32>
        tpu.vector_store %arg13[%swap3A_936, %swap3A_937], %swap3A_940 {strides = array<i32>} : memref<8x1024xf32, #tpu.memory_space<vmem>>, vector<1x16xf32>,
        %get3A_941 = arith.index_cast %shift_right_arithmetic3A_913 : i32 to index
        %get3A_942 = arith.index_cast %add3A_918 : i32 to index
        %get3A_943 = tpu.vector_load %arg14[%get3A_941, %get3A_942] {strides = array<i32>} : memref<8x1024xf32, #tpu.memory_space<vmem>>, vector<1x16xf32>,
        %get3A_944 = vector.shape_cast %get3A_943 : vector<1x16xf32> to vector<16xf32>
        %add3A_945 = arith.addf %get3A_944, %get3A_921 : vector<16xf32>
        %swap3A_946 = arith.index_cast %shift_right_arithmetic3A_913 : i32 to index
        %swap3A_947 = arith.index_cast %add3A_918 : i32 to index
        %swap3A_948 = tpu.vector_load %arg14[%swap3A_946, %swap3A_947] {strides = array<i32>} : memref<8x1024xf32, #tpu.memory_space<vmem>>, vector<1x16xf32>,
        %swap3A_949 = vector.shape_cast %swap3A_948 : vector<1x16xf32> to vector<16xf32>
        %swap3A_950 = vector.shape_cast %add3A_945 : vector<16xf32> to vector<1x16xf32>
        tpu.vector_store %arg14[%swap3A_946, %swap3A_947], %swap3A_950 {strides = array<i32>} : memref<8x1024xf32, #tpu.memory_space<vmem>>, vector<1x16xf32>,
        %get3A_951 = arith.index_cast %shift_right_arithmetic3A_913 : i32 to index
        %get3A_952 = arith.index_cast %add3A_918 : i32 to index
        %get3A_953 = tpu.vector_load %arg15[%get3A_951, %get3A_952] {strides = array<i32>} : memref<8x1024xf32, #tpu.memory_space<vmem>>, vector<1x16xf32>,
        %get3A_954 = vector.shape_cast %get3A_953 : vector<1x16xf32> to vector<16xf32>
        %add3A_955 = arith.addf %get3A_954, %get3A_921 : vector<16xf32>
        %swap3A_956 = arith.index_cast %shift_right_arithmetic3A_913 : i32 to index
        %swap3A_957 = arith.index_cast %add3A_918 : i32 to index
        %swap3A_958 = tpu.vector_load %arg15[%swap3A_956, %swap3A_957] {strides = array<i32>} : memref<8x1024xf32, #tpu.memory_space<vmem>>, vector<1x16xf32>,
        %swap3A_959 = vector.shape_cast %swap3A_958 : vector<1x16xf32> to vector<16xf32>
        %swap3A_960 = vector.shape_cast %add3A_955 : vector<16xf32> to vector<1x16xf32>
        tpu.vector_store %arg15[%swap3A_956, %swap3A_957], %swap3A_960 {strides = array<i32>} : memref<8x1024xf32, #tpu.memory_space<vmem>>, vector<1x16xf32>,
        %add3A_961 = arith.constant 16 : i32
        %add3A_962 = arith.addi %mul3A_916, %add3A_961 : i32
        %get3A_963 = arith.index_cast %shift_right_arithmetic3A_913 : i32 to index
        %get3A_964 = arith.index_cast %add3A_962 : i32 to index
        %get3A_965 = tpu.vector_load %arg6[%get3A_963, %get3A_964] {strides = array<i32>} : memref<8x1024xf32, #tpu.memory_space<vmem>>, vector<1x16xf32>,
        %get3A_966 = vector.shape_cast %get3A_965 : vector<1x16xf32> to vector<16xf32>
        %get3A_967 = arith.index_cast %shift_right_arithmetic3A_913 : i32 to index
        %get3A_968 = arith.index_cast %add3A_962 : i32 to index
        %get3A_969 = tpu.vector_load %arg12[%get3A_967, %get3A_968] {strides = array<i32>} : memref<8x1024xf32, #tpu.memory_space<vmem>>, vector<1x16xf32>,
        %get3A_970 = vector.shape_cast %get3A_969 : vector<1x16xf32> to vector<16xf32>
        %add3A_971 = arith.addf %get3A_970, %get3A_966 : vector<16xf32>
        %swap3A_972 = arith.index_cast %shift_right_arithmetic3A_913 : i32 to index
        %swap3A_973 = arith.index_cast %add3A_962 : i32 to index
        %swap3A_974 = tpu.vector_load %arg12[%swap3A_972, %swap3A_973] {strides = array<i32>} : memref<8x1024xf32, #tpu.memory_space<vmem>>, vector<1x16xf32>,
        %swap3A_975 = vector.shape_cast %swap3A_974 : vector<1x16xf32> to vector<16xf32>
        %swap3A_976 = vector.shape_cast %add3A_971 : vector<16xf32> to vector<1x16xf32>
        tpu.vector_store %arg12[%swap3A_972, %swap3A_973], %swap3A_976 {strides = array<i32>} : memref<8x1024xf32, #tpu.memory_space<vmem>>, vector<1x16xf32>,
        %get3A_977 = arith.index_cast %shift_right_arithmetic3A_913 : i32 to index
        %get3A_978 = arith.index_cast %add3A_962 : i32 to index
        %get3A_979 = tpu.vector_load %arg13[%get3A_977, %get3A_978] {strides = array<i32>} : memref<8x1024xf32, #tpu.memory_space<vmem>>, vector<1x16xf32>,
        %get3A_980 = vector.shape_cast %get3A_979 : vector<1x16xf32> to vector<16xf32>
        %add3A_981 = arith.addf %get3A_980, %get3A_966 : vector<16xf32>
        %swap3A_982 = arith.index_cast %shift_right_arithmetic3A_913 : i32 to index
        %swap3A_983 = arith.index_cast %add3A_962 : i32 to index
        %swap3A_984 = tpu.vector_load %arg13[%swap3A_982, %swap3A_983] {strides = array<i32>} : memref<8x1024xf32, #tpu.memory_space<vmem>>, vector<1x16xf32>,
        %swap3A_985 = vector.shape_cast %swap3A_984 : vector<1x16xf32> to vector<16xf32>
        %swap3A_986 = vector.shape_cast %add3A_981 : vector<16xf32> to vector<1x16xf32>
        tpu.vector_store %arg13[%swap3A_982, %swap3A_983], %swap3A_986 {strides = array<i32>} : memref<8x1024xf32, #tpu.memory_space<vmem>>, vector<1x16xf32>,
        %get3A_987 = arith.index_cast %shift_right_arithmetic3A_913 : i32 to index
        %get3A_988 = arith.index_cast %add3A_962 : i32 to index
        %get3A_989 = tpu.vector_load %arg14[%get3A_987, %get3A_988] {strides = array<i32>} : memref<8x1024xf32, #tpu.memory_space<vmem>>, vector<1x16xf32>,
        %get3A_990 = vector.shape_cast %get3A_989 : vector<1x16xf32> to vector<16xf32>
        %add3A_991 = arith.addf %get3A_990, %get3A_966 : vector<16xf32>
        %swap3A_992 = arith.index_cast %shift_right_arithmetic3A_913 : i32 to index
        %swap3A_993 = arith.index_cast %add3A_962 : i32 to index
        %swap3A_994 = tpu.vector_load %arg14[%swap3A_992, %swap3A_993] {strides = array<i32>} : memref<8x1024xf32, #tpu.memory_space<vmem>>, vector<1x16xf32>,
        %swap3A_995 = vector.shape_cast %swap3A_994 : vector<1x16xf32> to vector<16xf32>
        %swap3A_996 = vector.shape_cast %add3A_991 : vector<16xf32> to vector<1x16xf32>
        tpu.vector_store %arg14[%swap3A_992, %swap3A_993], %swap3A_996 {strides = array<i32>} : memref<8x1024xf32, #tpu.memory_space<vmem>>, vector<1x16xf32>,
        %get3A_997 = arith.index_cast %shift_right_arithmetic3A_913 : i32 to index
        %get3A_998 = arith.index_cast %add3A_962 : i32 to index
        %get3A_999 = tpu.vector_load %arg15[%get3A_997, %get3A_998] {strides = array<i32>} : memref<8x1024xf32, #tpu.memory_space<vmem>>, vector<1x16xf32>,
        %get3A_1000 = vector.shape_cast %get3A_999 : vector<1x16xf32> to vector<16xf32>
        %add3A_1001 = arith.addf %get3A_1000, %get3A_966 : vector<16xf32>
        %swap3A_1002 = arith.index_cast %shift_right_arithmetic3A_913 : i32 to index
        %swap3A_1003 = arith.index_cast %add3A_962 : i32 to index
        %swap3A_1004 = tpu.vector_load %arg15[%swap3A_1002, %swap3A_1003] {strides = array<i32>} : memref<8x1024xf32, #tpu.memory_space<vmem>>, vector<1x16xf32>,
        %swap3A_1005 = vector.shape_cast %swap3A_1004 : vector<1x16xf32> to vector<16xf32>
        %swap3A_1006 = vector.shape_cast %add3A_1001 : vector<16xf32> to vector<1x16xf32>
        tpu.vector_store %arg15[%swap3A_1002, %swap3A_1003], %swap3A_1006 {strides = array<i32>} : memref<8x1024xf32, #tpu.memory_space<vmem>>, vector<1x16xf32>,
        %add3A_1007 = arith.constant 32 : i32
        %add3A_1008 = arith.addi %mul3A_916, %add3A_1007 : i32
        %get3A_1009 = arith.index_cast %shift_right_arithmetic3A_913 : i32 to index
        %get3A_1010 = arith.index_cast %add3A_1008 : i32 to index
        %get3A_1011 = tpu.vector_load %arg6[%get3A_1009, %get3A_1010] {strides = array<i32>} : memref<8x1024xf32, #tpu.memory_space<vmem>>, vector<1x16xf32>,
        %get3A_1012 = vector.shape_cast %get3A_1011 : vector<1x16xf32> to vector<16xf32>
        %get3A_1013 = arith.index_cast %shift_right_arithmetic3A_913 : i32 to index
        %get3A_1014 = arith.index_cast %add3A_1008 : i32 to index
        %get3A_1015 = tpu.vector_load %arg12[%get3A_1013, %get3A_1014] {strides = array<i32>} : memref<8x1024xf32, #tpu.memory_space<vmem>>, vector<1x16xf32>,
        %get3A_1016 = vector.shape_cast %get3A_1015 : vector<1x16xf32> to vector<16xf32>
        %add3A_1017 = arith.addf %get3A_1016, %get3A_1012 : vector<16xf32>
        %swap3A_1018 = arith.index_cast %shift_right_arithmetic3A_913 : i32 to index
        %swap3A_1019 = arith.index_cast %add3A_1008 : i32 to index
        %swap3A_1020 = tpu.vector_load %arg12[%swap3A_1018, %swap3A_1019] {strides = array<i32>} : memref<8x1024xf32, #tpu.memory_space<vmem>>, vector<1x16xf32>,
        %swap3A_1021 = vector.shape_cast %swap3A_1020 : vector<1x16xf32> to vector<16xf32>
        %swap3A_1022 = vector.shape_cast %add3A_1017 : vector<16xf32> to vector<1x16xf32>
        tpu.vector_store %arg12[%swap3A_1018, %swap3A_1019], %swap3A_1022 {strides = array<i32>} : memref<8x1024xf32, #tpu.memory_space<vmem>>, vector<1x16xf32>,
        %get3A_1023 = arith.index_cast %shift_right_arithmetic3A_913 : i32 to index
        %get3A_1024 = arith.index_cast %add3A_1008 : i32 to index
        %get3A_1025 = tpu.vector_load %arg13[%get3A_1023, %get3A_1024] {strides = array<i32>} : memref<8x1024xf32, #tpu.memory_space<vmem>>, vector<1x16xf32>,
        %get3A_1026 = vector.shape_cast %get3A_1025 : vector<1x16xf32> to vector<16xf32>
        %add3A_1027 = arith.addf %get3A_1026, %get3A_1012 : vector<16xf32>
        %swap3A_1028 = arith.index_cast %shift_right_arithmetic3A_913 : i32 to index
        %swap3A_1029 = arith.index_cast %add3A_1008 : i32 to index
        %swap3A_1030 = tpu.vector_load %arg13[%swap3A_1028, %swap3A_1029] {strides = array<i32>} : memref<8x1024xf32, #tpu.memory_space<vmem>>, vector<1x16xf32>,
        %swap3A_1031 = vector.shape_cast %swap3A_1030 : vector<1x16xf32> to vector<16xf32>
        %swap3A_1032 = vector.shape_cast %add3A_1027 : vector<16xf32> to vector<1x16xf32>
        tpu.vector_store %arg13[%swap3A_1028, %swap3A_1029], %swap3A_1032 {strides = array<i32>} : memref<8x1024xf32, #tpu.memory_space<vmem>>, vector<1x16xf32>,
        %get3A_1033 = arith.index_cast %shift_right_arithmetic3A_913 : i32 to index
        %get3A_1034 = arith.index_cast %add3A_1008 : i32 to index
        %get3A_1035 = tpu.vector_load %arg14[%get3A_1033, %get3A_1034] {strides = array<i32>} : memref<8x1024xf32, #tpu.memory_space<vmem>>, vector<1x16xf32>,
        %get3A_1036 = vector.shape_cast %get3A_1035 : vector<1x16xf32> to vector<16xf32>
        %add3A_1037 = arith.addf %get3A_1036, %get3A_1012 : vector<16xf32>
        %swap3A_1038 = arith.index_cast %shift_right_arithmetic3A_913 : i32 to index
        %swap3A_1039 = arith.index_cast %add3A_1008 : i32 to index
        %swap3A_1040 = tpu.vector_load %arg14[%swap3A_1038, %swap3A_1039] {strides = array<i32>} : memref<8x1024xf32, #tpu.memory_space<vmem>>, vector<1x16xf32>,
        %swap3A_1041 = vector.shape_cast %swap3A_1040 : vector<1x16xf32> to vector<16xf32>
        %swap3A_1042 = vector.shape_cast %add3A_1037 : vector<16xf32> to vector<1x16xf32>
        tpu.vector_store %arg14[%swap3A_1038, %swap3A_1039], %swap3A_1042 {strides = array<i32>} : memref<8x1024xf32, #tpu.memory_space<vmem>>, vector<1x16xf32>,
        %get3A_1043 = arith.index_cast %shift_right_arithmetic3A_913 : i32 to index
        %get3A_1044 = arith.index_cast %add3A_1008 : i32 to index
        %get3A_1045 = tpu.vector_load %arg15[%get3A_1043, %get3A_1044] {strides = array<i32>} : memref<8x1024xf32, #tpu.memory_space<vmem>>, vector<1x16xf32>,
        %get3A_1046 = vector.shape_cast %get3A_1045 : vector<1x16xf32> to vector<16xf32>
        %add3A_1047 = arith.addf %get3A_1046, %get3A_1012 : vector<16xf32>
        %swap3A_1048 = arith.index_cast %shift_right_arithmetic3A_913 : i32 to index
        %swap3A_1049 = arith.index_cast %add3A_1008 : i32 to index
        %swap3A_1050 = tpu.vector_load %arg15[%swap3A_1048, %swap3A_1049] {strides = array<i32>} : memref<8x1024xf32, #tpu.memory_space<vmem>>, vector<1x16xf32>,
        %swap3A_1051 = vector.shape_cast %swap3A_1050 : vector<1x16xf32> to vector<16xf32>
        %swap3A_1052 = vector.shape_cast %add3A_1047 : vector<16xf32> to vector<1x16xf32>
        tpu.vector_store %arg15[%swap3A_1048, %swap3A_1049], %swap3A_1052 {strides = array<i32>} : memref<8x1024xf32, #tpu.memory_space<vmem>>, vector<1x16xf32>,
        %add3A_1053 = arith.constant 48 : i32
        %add3A_1054 = arith.addi %mul3A_916, %add3A_1053 : i32
        %get3A_1055 = arith.index_cast %shift_right_arithmetic3A_913 : i32 to index
        %get3A_1056 = arith.index_cast %add3A_1054 : i32 to index
        %get3A_1057 = tpu.vector_load %arg6[%get3A_1055, %get3A_1056] {strides = array<i32>} : memref<8x1024xf32, #tpu.memory_space<vmem>>, vector<1x16xf32>,
        %get3A_1058 = vector.shape_cast %get3A_1057 : vector<1x16xf32> to vector<16xf32>
        %get3A_1059 = arith.index_cast %shift_right_arithmetic3A_913 : i32 to index
        %get3A_1060 = arith.index_cast %add3A_1054 : i32 to index
        %get3A_1061 = tpu.vector_load %arg12[%get3A_1059, %get3A_1060] {strides = array<i32>} : memref<8x1024xf32, #tpu.memory_space<vmem>>, vector<1x16xf32>,
        %get3A_1062 = vector.shape_cast %get3A_1061 : vector<1x16xf32> to vector<16xf32>
        %add3A_1063 = arith.addf %get3A_1062, %get3A_1058 : vector<16xf32>
        %swap3A_1064 = arith.index_cast %shift_right_arithmetic3A_913 : i32 to index
        %swap3A_1065 = arith.index_cast %add3A_1054 : i32 to index
        %swap3A_1066 = tpu.vector_load %arg12[%swap3A_1064, %swap3A_1065] {strides = array<i32>} : memref<8x1024xf32, #tpu.memory_space<vmem>>, vector<1x16xf32>,
        %swap3A_1067 = vector.shape_cast %swap3A_1066 : vector<1x16xf32> to vector<16xf32>
        %swap3A_1068 = vector.shape_cast %add3A_1063 : vector<16xf32> to vector<1x16xf32>
        tpu.vector_store %arg12[%swap3A_1064, %swap3A_1065], %swap3A_1068 {strides = array<i32>} : memref<8x1024xf32, #tpu.memory_space<vmem>>, vector<1x16xf32>,
        %get3A_1069 = arith.index_cast %shift_right_arithmetic3A_913 : i32 to index
        %get3A_1070 = arith.index_cast %add3A_1054 : i32 to index
        %get3A_1071 = tpu.vector_load %arg13[%get3A_1069, %get3A_1070] {strides = array<i32>} : memref<8x1024xf32, #tpu.memory_space<vmem>>, vector<1x16xf32>,
        %get3A_1072 = vector.shape_cast %get3A_1071 : vector<1x16xf32> to vector<16xf32>
        %add3A_1073 = arith.addf %get3A_1072, %get3A_1058 : vector<16xf32>
        %swap3A_1074 = arith.index_cast %shift_right_arithmetic3A_913 : i32 to index
        %swap3A_1075 = arith.index_cast %add3A_1054 : i32 to index
        %swap3A_1076 = tpu.vector_load %arg13[%swap3A_1074, %swap3A_1075] {strides = array<i32>} : memref<8x1024xf32, #tpu.memory_space<vmem>>, vector<1x16xf32>,
        %swap3A_1077 = vector.shape_cast %swap3A_1076 : vector<1x16xf32> to vector<16xf32>
        %swap3A_1078 = vector.shape_cast %add3A_1073 : vector<16xf32> to vector<1x16xf32>
        tpu.vector_store %arg13[%swap3A_1074, %swap3A_1075], %swap3A_1078 {strides = array<i32>} : memref<8x1024xf32, #tpu.memory_space<vmem>>, vector<1x16xf32>,
        %get3A_1079 = arith.index_cast %shift_right_arithmetic3A_913 : i32 to index
        %get3A_1080 = arith.index_cast %add3A_1054 : i32 to index
        %get3A_1081 = tpu.vector_load %arg14[%get3A_1079, %get3A_1080] {strides = array<i32>} : memref<8x1024xf32, #tpu.memory_space<vmem>>, vector<1x16xf32>,
        %get3A_1082 = vector.shape_cast %get3A_1081 : vector<1x16xf32> to vector<16xf32>
        %add3A_1083 = arith.addf %get3A_1082, %get3A_1058 : vector<16xf32>
        %swap3A_1084 = arith.index_cast %shift_right_arithmetic3A_913 : i32 to index
        %swap3A_1085 = arith.index_cast %add3A_1054 : i32 to index
        %swap3A_1086 = tpu.vector_load %arg14[%swap3A_1084, %swap3A_1085] {strides = array<i32>} : memref<8x1024xf32, #tpu.memory_space<vmem>>, vector<1x16xf32>,
        %swap3A_1087 = vector.shape_cast %swap3A_1086 : vector<1x16xf32> to vector<16xf32>
        %swap3A_1088 = vector.shape_cast %add3A_1083 : vector<16xf32> to vector<1x16xf32>
        tpu.vector_store %arg14[%swap3A_1084, %swap3A_1085], %swap3A_1088 {strides = array<i32>} : memref<8x1024xf32, #tpu.memory_space<vmem>>, vector<1x16xf32>,
        %get3A_1089 = arith.index_cast %shift_right_arithmetic3A_913 : i32 to index
        %get3A_1090 = arith.index_cast %add3A_1054 : i32 to index
        %get3A_1091 = tpu.vector_load %arg15[%get3A_1089, %get3A_1090] {strides = array<i32>} : memref<8x1024xf32, #tpu.memory_space<vmem>>, vector<1x16xf32>,
        %get3A_1092 = vector.shape_cast %get3A_1091 : vector<1x16xf32> to vector<16xf32>
        %add3A_1093 = arith.addf %get3A_1092, %get3A_1058 : vector<16xf32>
        %swap3A_1094 = arith.index_cast %shift_right_arithmetic3A_913 : i32 to index
        %swap3A_1095 = arith.index_cast %add3A_1054 : i32 to index
        %swap3A_1096 = tpu.vector_load %arg15[%swap3A_1094, %swap3A_1095] {strides = array<i32>} : memref<8x1024xf32, #tpu.memory_space<vmem>>, vector<1x16xf32>,
        %swap3A_1097 = vector.shape_cast %swap3A_1096 : vector<1x16xf32> to vector<16xf32>
        %swap3A_1098 = vector.shape_cast %add3A_1093 : vector<16xf32> to vector<1x16xf32>
        tpu.vector_store %arg15[%swap3A_1094, %swap3A_1095], %swap3A_1098 {strides = array<i32>} : memref<8x1024xf32, #tpu.memory_space<vmem>>, vector<1x16xf32>,
        %scan3A_1099 = arith.constant 0 : i32
        scf.yield %scan3A_1099 : i32
      }
      %scan3A_821 = arith.constant 128 : i32
      %mul3A_822 = arith.constant 8 : i32
      %mul3A_823 = arith.muli %add3A_765, %mul3A_822 : i32
      %add3A_824 = arith.addi %mul3A_2, %mul3A_823 : i32
      %dma_start3A_825 = arith.constant 0 : i32
      %dma_start3A_826 = arith.constant 0 : i32
      %dma_start3A_827 = tpu.memref_slice %arg4[%dma_start3A_825, %add3A_824, %dma_start3A_826] : memref<4x8192x1024xf32, #tpu.memory_space<hbm>> -> memref<1x8x1024xf32, #tpu.memory_space<hbm>>
      %dma_start3A_828 = tpu.memref_squeeze %dma_start3A_827 : memref<1x8x1024xf32, #tpu.memory_space<hbm>> -> memref<8x1024xf32, #tpu.memory_space<hbm>>
      %dma_start3A_829 = arith.constant 0 : i32
      %dma_start3A_830 = tpu.memref_slice %arg4[%dma_start3A_825, %add3A_824, %dma_start3A_829] : memref<4x8192x1024xf32, #tpu.memory_space<hbm>> -> memref<1x8x1024xf32, #tpu.memory_space<hbm>>
      %dma_start3A_831 = tpu.memref_squeeze %dma_start3A_830 : memref<1x8x1024xf32, #tpu.memory_space<hbm>> -> memref<8x1024xf32, #tpu.memory_space<hbm>>
      tpu.enqueue_dma source(%arg12 : memref<8x1024xf32, #tpu.memory_space<vmem>>) target(%dma_start3A_831 : memref<8x1024xf32, #tpu.memory_space<hbm>>) target_semaphore(%arg27 : memref<!tpu.dma_semaphore, #tpu.memory_space<semaphore_mem>>)
      %mul3A_832 = arith.constant 8 : i32
      %mul3A_833 = arith.muli %add3A_765, %mul3A_832 : i32
      %add3A_834 = arith.addi %mul3A_2, %mul3A_833 : i32
      %dma_start3A_835 = arith.constant 1 : i32
      %dma_start3A_836 = arith.constant 0 : i32
      %dma_start3A_837 = tpu.memref_slice %arg4[%dma_start3A_835, %add3A_834, %dma_start3A_836] : memref<4x8192x1024xf32, #tpu.memory_space<hbm>> -> memref<1x8x1024xf32, #tpu.memory_space<hbm>>
      %dma_start3A_838 = tpu.memref_squeeze %dma_start3A_837 : memref<1x8x1024xf32, #tpu.memory_space<hbm>> -> memref<8x1024xf32, #tpu.memory_space<hbm>>
      %dma_start3A_839 = arith.constant 0 : i32
      %dma_start3A_840 = tpu.memref_slice %arg4[%dma_start3A_835, %add3A_834, %dma_start3A_839] : memref<4x8192x1024xf32, #tpu.memory_space<hbm>> -> memref<1x8x1024xf32, #tpu.memory_space<hbm>>
      %dma_start3A_841 = tpu.memref_squeeze %dma_start3A_840 : memref<1x8x1024xf32, #tpu.memory_space<hbm>> -> memref<8x1024xf32, #tpu.memory_space<hbm>>
      tpu.enqueue_dma source(%arg13 : memref<8x1024xf32, #tpu.memory_space<vmem>>) target(%dma_start3A_841 : memref<8x1024xf32, #tpu.memory_space<hbm>>) target_semaphore(%arg27 : memref<!tpu.dma_semaphore, #tpu.memory_space<semaphore_mem>>)
      %mul3A_842 = arith.constant 8 : i32
      %mul3A_843 = arith.muli %add3A_765, %mul3A_842 : i32
      %add3A_844 = arith.addi %mul3A_2, %mul3A_843 : i32
      %dma_start3A_845 = arith.constant 2 : i32
      %dma_start3A_846 = arith.constant 0 : i32
      %dma_start3A_847 = tpu.memref_slice %arg4[%dma_start3A_845, %add3A_844, %dma_start3A_846] : memref<4x8192x1024xf32, #tpu.memory_space<hbm>> -> memref<1x8x1024xf32, #tpu.memory_space<hbm>>
      %dma_start3A_848 = tpu.memref_squeeze %dma_start3A_847 : memref<1x8x1024xf32, #tpu.memory_space<hbm>> -> memref<8x1024xf32, #tpu.memory_space<hbm>>
      %dma_start3A_849 = arith.constant 0 : i32
      %dma_start3A_850 = tpu.memref_slice %arg4[%dma_start3A_845, %add3A_844, %dma_start3A_849] : memref<4x8192x1024xf32, #tpu.memory_space<hbm>> -> memref<1x8x1024xf32, #tpu.memory_space<hbm>>
      %dma_start3A_851 = tpu.memref_squeeze %dma_start3A_850 : memref<1x8x1024xf32, #tpu.memory_space<hbm>> -> memref<8x1024xf32, #tpu.memory_space<hbm>>
      tpu.enqueue_dma source(%arg14 : memref<8x1024xf32, #tpu.memory_space<vmem>>) target(%dma_start3A_851 : memref<8x1024xf32, #tpu.memory_space<hbm>>) target_semaphore(%arg27 : memref<!tpu.dma_semaphore, #tpu.memory_space<semaphore_mem>>)
      %mul3A_852 = arith.constant 8 : i32
      %mul3A_853 = arith.muli %add3A_765, %mul3A_852 : i32
      %add3A_854 = arith.addi %mul3A_2, %mul3A_853 : i32
      %dma_start3A_855 = arith.constant 3 : i32
      %dma_start3A_856 = arith.constant 0 : i32
      %dma_start3A_857 = tpu.memref_slice %arg4[%dma_start3A_855, %add3A_854, %dma_start3A_856] : memref<4x8192x1024xf32, #tpu.memory_space<hbm>> -> memref<1x8x1024xf32, #tpu.memory_space<hbm>>
      %dma_start3A_858 = tpu.memref_squeeze %dma_start3A_857 : memref<1x8x1024xf32, #tpu.memory_space<hbm>> -> memref<8x1024xf32, #tpu.memory_space<hbm>>
      %dma_start3A_859 = arith.constant 0 : i32
      %dma_start3A_860 = tpu.memref_slice %arg4[%dma_start3A_855, %add3A_854, %dma_start3A_859] : memref<4x8192x1024xf32, #tpu.memory_space<hbm>> -> memref<1x8x1024xf32, #tpu.memory_space<hbm>>
      %dma_start3A_861 = tpu.memref_squeeze %dma_start3A_860 : memref<1x8x1024xf32, #tpu.memory_space<hbm>> -> memref<8x1024xf32, #tpu.memory_space<hbm>>
      tpu.enqueue_dma source(%arg15 : memref<8x1024xf32, #tpu.memory_space<vmem>>) target(%dma_start3A_861 : memref<8x1024xf32, #tpu.memory_space<hbm>>) target_semaphore(%arg27 : memref<!tpu.dma_semaphore, #tpu.memory_space<semaphore_mem>>)
      %sub3A_862 = arith.constant 1 : i32
      %sub3A_863 = arith.subi %add3A_765, %sub3A_862 : i32
      %mul3A_864 = arith.constant 8 : i32
      %mul3A_865 = arith.muli %sub3A_863, %mul3A_864 : i32
      %add3A_866 = arith.addi %mul3A_2, %mul3A_865 : i32
      %dma_wait3A_867 = arith.constant 0 : i32
      %dma_wait3A_868 = arith.constant 0 : i32
      %dma_wait3A_869 = tpu.memref_slice %arg4[%dma_wait3A_867, %add3A_866, %dma_wait3A_868] : memref<4x8192x1024xf32, #tpu.memory_space<hbm>> -> memref<1x8x1024xf32, #tpu.memory_space<hbm>>
      %dma_wait3A_870 = tpu.memref_squeeze %dma_wait3A_869 : memref<1x8x1024xf32, #tpu.memory_space<hbm>> -> memref<8x1024xf32, #tpu.memory_space<hbm>>
      %dma_wait3A_871 = arith.constant 0 : i32
      %dma_wait3A_872 = tpu.memref_slice %arg4[%dma_wait3A_867, %add3A_866, %dma_wait3A_871] : memref<4x8192x1024xf32, #tpu.memory_space<hbm>> -> memref<1x8x1024xf32, #tpu.memory_space<hbm>>
      %dma_wait3A_873 = tpu.memref_squeeze %dma_wait3A_872 : memref<1x8x1024xf32, #tpu.memory_space<hbm>> -> memref<8x1024xf32, #tpu.memory_space<hbm>>
      tpu.wait_dma2 semaphore(%arg26 : memref<!tpu.dma_semaphore, #tpu.memory_space<semaphore_mem>>) src(%dma_wait3A_873 : memref<8x1024xf32, #tpu.memory_space<hbm>>) dst(%arg8 : memref<8x1024xf32, #tpu.memory_space<vmem>>)
      %mul3A_874 = arith.constant 8 : i32
      %mul3A_875 = arith.muli %sub3A_863, %mul3A_874 : i32
      %add3A_876 = arith.addi %mul3A_2, %mul3A_875 : i32
      %dma_wait3A_877 = arith.constant 1 : i32
      %dma_wait3A_878 = arith.constant 0 : i32
      %dma_wait3A_879 = tpu.memref_slice %arg4[%dma_wait3A_877, %add3A_876, %dma_wait3A_878] : memref<4x8192x1024xf32, #tpu.memory_space<hbm>> -> memref<1x8x1024xf32, #tpu.memory_space<hbm>>
      %dma_wait3A_880 = tpu.memref_squeeze %dma_wait3A_879 : memref<1x8x1024xf32, #tpu.memory_space<hbm>> -> memref<8x1024xf32, #tpu.memory_space<hbm>>
      %dma_wait3A_881 = arith.constant 0 : i32
      %dma_wait3A_882 = tpu.memref_slice %arg4[%dma_wait3A_877, %add3A_876, %dma_wait3A_881] : memref<4x8192x1024xf32, #tpu.memory_space<hbm>> -> memref<1x8x1024xf32, #tpu.memory_space<hbm>>
      %dma_wait3A_883 = tpu.memref_squeeze %dma_wait3A_882 : memref<1x8x1024xf32, #tpu.memory_space<hbm>> -> memref<8x1024xf32, #tpu.memory_space<hbm>>
      tpu.wait_dma2 semaphore(%arg26 : memref<!tpu.dma_semaphore, #tpu.memory_space<semaphore_mem>>) src(%dma_wait3A_883 : memref<8x1024xf32, #tpu.memory_space<hbm>>) dst(%arg9 : memref<8x1024xf32, #tpu.memory_space<vmem>>)
      %mul3A_884 = arith.constant 8 : i32
      %mul3A_885 = arith.muli %sub3A_863, %mul3A_884 : i32
      %add3A_886 = arith.addi %mul3A_2, %mul3A_885 : i32
      %dma_wait3A_887 = arith.constant 2 : i32
      %dma_wait3A_888 = arith.constant 0 : i32
      %dma_wait3A_889 = tpu.memref_slice %arg4[%dma_wait3A_887, %add3A_886, %dma_wait3A_888] : memref<4x8192x1024xf32, #tpu.memory_space<hbm>> -> memref<1x8x1024xf32, #tpu.memory_space<hbm>>
      %dma_wait3A_890 = tpu.memref_squeeze %dma_wait3A_889 : memref<1x8x1024xf32, #tpu.memory_space<hbm>> -> memref<8x1024xf32, #tpu.memory_space<hbm>>
      %dma_wait3A_891 = arith.constant 0 : i32
      %dma_wait3A_892 = tpu.memref_slice %arg4[%dma_wait3A_887, %add3A_886, %dma_wait3A_891] : memref<4x8192x1024xf32, #tpu.memory_space<hbm>> -> memref<1x8x1024xf32, #tpu.memory_space<hbm>>
      %dma_wait3A_893 = tpu.memref_squeeze %dma_wait3A_892 : memref<1x8x1024xf32, #tpu.memory_space<hbm>> -> memref<8x1024xf32, #tpu.memory_space<hbm>>
      tpu.wait_dma2 semaphore(%arg26 : memref<!tpu.dma_semaphore, #tpu.memory_space<semaphore_mem>>) src(%dma_wait3A_893 : memref<8x1024xf32, #tpu.memory_space<hbm>>) dst(%arg10 : memref<8x1024xf32, #tpu.memory_space<vmem>>)
      %mul3A_894 = arith.constant 8 : i32
      %mul3A_895 = arith.muli %sub3A_863, %mul3A_894 : i32
      %add3A_896 = arith.addi %mul3A_2, %mul3A_895 : i32
      %dma_wait3A_897 = arith.constant 3 : i32
      %dma_wait3A_898 = arith.constant 0 : i32
      %dma_wait3A_899 = tpu.memref_slice %arg4[%dma_wait3A_897, %add3A_896, %dma_wait3A_898] : memref<4x8192x1024xf32, #tpu.memory_space<hbm>> -> memref<1x8x1024xf32, #tpu.memory_space<hbm>>
      %dma_wait3A_900 = tpu.memref_squeeze %dma_wait3A_899 : memref<1x8x1024xf32, #tpu.memory_space<hbm>> -> memref<8x1024xf32, #tpu.memory_space<hbm>>
      %dma_wait3A_901 = arith.constant 0 : i32
      %dma_wait3A_902 = tpu.memref_slice %arg4[%dma_wait3A_897, %add3A_896, %dma_wait3A_901] : memref<4x8192x1024xf32, #tpu.memory_space<hbm>> -> memref<1x8x1024xf32, #tpu.memory_space<hbm>>
      %dma_wait3A_903 = tpu.memref_squeeze %dma_wait3A_902 : memref<1x8x1024xf32, #tpu.memory_space<hbm>> -> memref<8x1024xf32, #tpu.memory_space<hbm>>
      tpu.wait_dma2 semaphore(%arg26 : memref<!tpu.dma_semaphore, #tpu.memory_space<semaphore_mem>>) src(%dma_wait3A_903 : memref<8x1024xf32, #tpu.memory_space<hbm>>) dst(%arg11 : memref<8x1024xf32, #tpu.memory_space<vmem>>)
      %convert_element_type3A_904 = arith.extui %lt3A_767 : i1 to i32
      %cond3A_905 = arith.constant 0 : i32
      %cond3A_906 = arith.cmpi ne, %convert_element_type3A_904, %cond3A_905 : i32
      scf.if %cond3A_906 {
        %add3A_911 = arith.constant 2 : i32
        %add3A_912 = arith.addi %add3A_765, %add3A_911 : i32
        %mul3A_913 = arith.constant 8 : i32
        %mul3A_914 = arith.muli %add3A_912, %mul3A_913 : i32
        %add3A_915 = arith.addi %mul3A_2, %mul3A_914 : i32
        %dma_start3A_916 = arith.constant 0 : i32
        %dma_start3A_917 = arith.constant 0 : i32
        %dma_start3A_918 = tpu.memref_slice %arg2[%dma_start3A_916, %add3A_915, %dma_start3A_917] : memref<4x8192x1024xf32, #tpu.memory_space<hbm>> -> memref<1x8x1024xf32, #tpu.memory_space<hbm>>
        %dma_start3A_919 = tpu.memref_squeeze %dma_start3A_918 : memref<1x8x1024xf32, #tpu.memory_space<hbm>> -> memref<8x1024xf32, #tpu.memory_space<hbm>>
        %dma_start3A_920 = arith.constant 0 : i32
        %dma_start3A_921 = tpu.memref_slice %arg2[%dma_start3A_916, %add3A_915, %dma_start3A_920] : memref<4x8192x1024xf32, #tpu.memory_space<hbm>> -> memref<1x8x1024xf32, #tpu.memory_space<hbm>>
        %dma_start3A_922 = tpu.memref_squeeze %dma_start3A_921 : memref<1x8x1024xf32, #tpu.memory_space<hbm>> -> memref<8x1024xf32, #tpu.memory_space<hbm>>
        tpu.enqueue_dma source(%dma_start3A_922 : memref<8x1024xf32, #tpu.memory_space<hbm>>) target(%arg8 : memref<8x1024xf32, #tpu.memory_space<vmem>>) target_semaphore(%arg23 : memref<!tpu.dma_semaphore, #tpu.memory_space<semaphore_mem>>)
        %mul3A_923 = arith.constant 8 : i32
        %mul3A_924 = arith.muli %add3A_912, %mul3A_923 : i32
        %add3A_925 = arith.addi %mul3A_2, %mul3A_924 : i32
        %dma_start3A_926 = arith.constant 1 : i32
        %dma_start3A_927 = arith.constant 0 : i32
        %dma_start3A_928 = tpu.memref_slice %arg2[%dma_start3A_926, %add3A_925, %dma_start3A_927] : memref<4x8192x1024xf32, #tpu.memory_space<hbm>> -> memref<1x8x1024xf32, #tpu.memory_space<hbm>>
        %dma_start3A_929 = tpu.memref_squeeze %dma_start3A_928 : memref<1x8x1024xf32, #tpu.memory_space<hbm>> -> memref<8x1024xf32, #tpu.memory_space<hbm>>
        %dma_start3A_930 = arith.constant 0 : i32
        %dma_start3A_931 = tpu.memref_slice %arg2[%dma_start3A_926, %add3A_925, %dma_start3A_930] : memref<4x8192x1024xf32, #tpu.memory_space<hbm>> -> memref<1x8x1024xf32, #tpu.memory_space<hbm>>
        %dma_start3A_932 = tpu.memref_squeeze %dma_start3A_931 : memref<1x8x1024xf32, #tpu.memory_space<hbm>> -> memref<8x1024xf32, #tpu.memory_space<hbm>>
        tpu.enqueue_dma source(%dma_start3A_932 : memref<8x1024xf32, #tpu.memory_space<hbm>>) target(%arg9 : memref<8x1024xf32, #tpu.memory_space<vmem>>) target_semaphore(%arg23 : memref<!tpu.dma_semaphore, #tpu.memory_space<semaphore_mem>>)
        %mul3A_933 = arith.constant 8 : i32
        %mul3A_934 = arith.muli %add3A_912, %mul3A_933 : i32
        %add3A_935 = arith.addi %mul3A_2, %mul3A_934 : i32
        %dma_start3A_936 = arith.constant 2 : i32
        %dma_start3A_937 = arith.constant 0 : i32
        %dma_start3A_938 = tpu.memref_slice %arg2[%dma_start3A_936, %add3A_935, %dma_start3A_937] : memref<4x8192x1024xf32, #tpu.memory_space<hbm>> -> memref<1x8x1024xf32, #tpu.memory_space<hbm>>
        %dma_start3A_939 = tpu.memref_squeeze %dma_start3A_938 : memref<1x8x1024xf32, #tpu.memory_space<hbm>> -> memref<8x1024xf32, #tpu.memory_space<hbm>>
        %dma_start3A_940 = arith.constant 0 : i32
        %dma_start3A_941 = tpu.memref_slice %arg2[%dma_start3A_936, %add3A_935, %dma_start3A_940] : memref<4x8192x1024xf32, #tpu.memory_space<hbm>> -> memref<1x8x1024xf32, #tpu.memory_space<hbm>>
        %dma_start3A_942 = tpu.memref_squeeze %dma_start3A_941 : memref<1x8x1024xf32, #tpu.memory_space<hbm>> -> memref<8x1024xf32, #tpu.memory_space<hbm>>
        tpu.enqueue_dma source(%dma_start3A_942 : memref<8x1024xf32, #tpu.memory_space<hbm>>) target(%arg10 : memref<8x1024xf32, #tpu.memory_space<vmem>>) target_semaphore(%arg23 : memref<!tpu.dma_semaphore, #tpu.memory_space<semaphore_mem>>)
        %mul3A_943 = arith.constant 8 : i32
        %mul3A_944 = arith.muli %add3A_912, %mul3A_943 : i32
        %add3A_945 = arith.addi %mul3A_2, %mul3A_944 : i32
        %dma_start3A_946 = arith.constant 3 : i32
        %dma_start3A_947 = arith.constant 0 : i32
        %dma_start3A_948 = tpu.memref_slice %arg2[%dma_start3A_946, %add3A_945, %dma_start3A_947] : memref<4x8192x1024xf32, #tpu.memory_space<hbm>> -> memref<1x8x1024xf32, #tpu.memory_space<hbm>>
        %dma_start3A_949 = tpu.memref_squeeze %dma_start3A_948 : memref<1x8x1024xf32, #tpu.memory_space<hbm>> -> memref<8x1024xf32, #tpu.memory_space<hbm>>
        %dma_start3A_950 = arith.constant 0 : i32
        %dma_start3A_951 = tpu.memref_slice %arg2[%dma_start3A_946, %add3A_945, %dma_start3A_950] : memref<4x8192x1024xf32, #tpu.memory_space<hbm>> -> memref<1x8x1024xf32, #tpu.memory_space<hbm>>
        %dma_start3A_952 = tpu.memref_squeeze %dma_start3A_951 : memref<1x8x1024xf32, #tpu.memory_space<hbm>> -> memref<8x1024xf32, #tpu.memory_space<hbm>>
        tpu.enqueue_dma source(%dma_start3A_952 : memref<8x1024xf32, #tpu.memory_space<hbm>>) target(%arg11 : memref<8x1024xf32, #tpu.memory_space<vmem>>) target_semaphore(%arg23 : memref<!tpu.dma_semaphore, #tpu.memory_space<semaphore_mem>>)
      } else {
      }
      %convert_element_type3A_907 = arith.extui %lt3A_767 : i1 to i32
      %cond3A_908 = arith.constant 0 : i32
      %cond3A_909 = arith.cmpi ne, %convert_element_type3A_907, %cond3A_908 : i32
      scf.if %cond3A_909 {
        %add3A_911 = arith.constant 3 : i32
        %add3A_912 = arith.addi %add3A_765, %add3A_911 : i32
        %mul3A_913 = arith.constant 8 : i32
        %mul3A_914 = arith.muli %add3A_912, %mul3A_913 : i32
        %add3A_915 = arith.addi %mul3A_2, %mul3A_914 : i32
        %dma_start3A_916 = arith.constant 0 : i32
        %dma_start3A_917 = tpu.memref_slice %arg3[%add3A_915, %dma_start3A_916] : memref<8192x1024xf32, #tpu.memory_space<hbm>> -> memref<8x1024xf32, #tpu.memory_space<hbm>>
        %dma_start3A_918 = arith.constant 0 : i32
        %dma_start3A_919 = tpu.memref_slice %arg3[%add3A_915, %dma_start3A_918] : memref<8192x1024xf32, #tpu.memory_space<hbm>> -> memref<8x1024xf32, #tpu.memory_space<hbm>>
        tpu.enqueue_dma source(%dma_start3A_919 : memref<8x1024xf32, #tpu.memory_space<hbm>>) target(%arg6 : memref<8x1024xf32, #tpu.memory_space<vmem>>) target_semaphore(%arg21 : memref<!tpu.dma_semaphore, #tpu.memory_space<semaphore_mem>>)
      } else {
      }
      %scan3A_910 = arith.constant 0 : i32
      scf.yield %scan3A_910 : i32
    }
    %scan3A_386 = arith.constant 10 : i32
    %add3A_387 = arith.constant 248 : i32
    %add3A_388 = arith.addi %mul3A_2, %add3A_387 : i32
    %dma_wait3A_389 = arith.constant 0 : i32
    %dma_wait3A_390 = arith.constant 0 : i32
    %dma_wait3A_391 = tpu.memref_slice %arg4[%dma_wait3A_389, %add3A_388, %dma_wait3A_390] : memref<4x8192x1024xf32, #tpu.memory_space<hbm>> -> memref<1x8x1024xf32, #tpu.memory_space<hbm>>
    %dma_wait3A_392 = tpu.memref_squeeze %dma_wait3A_391 : memref<1x8x1024xf32, #tpu.memory_space<hbm>> -> memref<8x1024xf32, #tpu.memory_space<hbm>>
    %dma_wait3A_393 = arith.constant 0 : i32
    %dma_wait3A_394 = tpu.memref_slice %arg4[%dma_wait3A_389, %add3A_388, %dma_wait3A_393] : memref<4x8192x1024xf32, #tpu.memory_space<hbm>> -> memref<1x8x1024xf32, #tpu.memory_space<hbm>>
    %dma_wait3A_395 = tpu.memref_squeeze %dma_wait3A_394 : memref<1x8x1024xf32, #tpu.memory_space<hbm>> -> memref<8x1024xf32, #tpu.memory_space<hbm>>
    tpu.wait_dma2 semaphore(%arg27 : memref<!tpu.dma_semaphore, #tpu.memory_space<semaphore_mem>>) src(%dma_wait3A_395 : memref<8x1024xf32, #tpu.memory_space<hbm>>) dst(%arg12 : memref<8x1024xf32, #tpu.memory_space<vmem>>)
    %add3A_396 = arith.constant 248 : i32
    %add3A_397 = arith.addi %mul3A_2, %add3A_396 : i32
    %dma_wait3A_398 = arith.constant 1 : i32
    %dma_wait3A_399 = arith.constant 0 : i32
    %dma_wait3A_400 = tpu.memref_slice %arg4[%dma_wait3A_398, %add3A_397, %dma_wait3A_399] : memref<4x8192x1024xf32, #tpu.memory_space<hbm>> -> memref<1x8x1024xf32, #tpu.memory_space<hbm>>
    %dma_wait3A_401 = tpu.memref_squeeze %dma_wait3A_400 : memref<1x8x1024xf32, #tpu.memory_space<hbm>> -> memref<8x1024xf32, #tpu.memory_space<hbm>>
    %dma_wait3A_402 = arith.constant 0 : i32
    %dma_wait3A_403 = tpu.memref_slice %arg4[%dma_wait3A_398, %add3A_397, %dma_wait3A_402] : memref<4x8192x1024xf32, #tpu.memory_space<hbm>> -> memref<1x8x1024xf32, #tpu.memory_space<hbm>>
    %dma_wait3A_404 = tpu.memref_squeeze %dma_wait3A_403 : memref<1x8x1024xf32, #tpu.memory_space<hbm>> -> memref<8x1024xf32, #tpu.memory_space<hbm>>
    tpu.wait_dma2 semaphore(%arg27 : memref<!tpu.dma_semaphore, #tpu.memory_space<semaphore_mem>>) src(%dma_wait3A_404 : memref<8x1024xf32, #tpu.memory_space<hbm>>) dst(%arg13 : memref<8x1024xf32, #tpu.memory_space<vmem>>)
    %add3A_405 = arith.constant 248 : i32
    %add3A_406 = arith.addi %mul3A_2, %add3A_405 : i32
    %dma_wait3A_407 = arith.constant 2 : i32
    %dma_wait3A_408 = arith.constant 0 : i32
    %dma_wait3A_409 = tpu.memref_slice %arg4[%dma_wait3A_407, %add3A_406, %dma_wait3A_408] : memref<4x8192x1024xf32, #tpu.memory_space<hbm>> -> memref<1x8x1024xf32, #tpu.memory_space<hbm>>
    %dma_wait3A_410 = tpu.memref_squeeze %dma_wait3A_409 : memref<1x8x1024xf32, #tpu.memory_space<hbm>> -> memref<8x1024xf32, #tpu.memory_space<hbm>>
    %dma_wait3A_411 = arith.constant 0 : i32
    %dma_wait3A_412 = tpu.memref_slice %arg4[%dma_wait3A_407, %add3A_406, %dma_wait3A_411] : memref<4x8192x1024xf32, #tpu.memory_space<hbm>> -> memref<1x8x1024xf32, #tpu.memory_space<hbm>>
    %dma_wait3A_413 = tpu.memref_squeeze %dma_wait3A_412 : memref<1x8x1024xf32, #tpu.memory_space<hbm>> -> memref<8x1024xf32, #tpu.memory_space<hbm>>
    tpu.wait_dma2 semaphore(%arg27 : memref<!tpu.dma_semaphore, #tpu.memory_space<semaphore_mem>>) src(%dma_wait3A_413 : memref<8x1024xf32, #tpu.memory_space<hbm>>) dst(%arg14 : memref<8x1024xf32, #tpu.memory_space<vmem>>)
    %add3A_414 = arith.constant 248 : i32
    %add3A_415 = arith.addi %mul3A_2, %add3A_414 : i32
    %dma_wait3A_416 = arith.constant 3 : i32
    %dma_wait3A_417 = arith.constant 0 : i32
    %dma_wait3A_418 = tpu.memref_slice %arg4[%dma_wait3A_416, %add3A_415, %dma_wait3A_417] : memref<4x8192x1024xf32, #tpu.memory_space<hbm>> -> memref<1x8x1024xf32, #tpu.memory_space<hbm>>
    %dma_wait3A_419 = tpu.memref_squeeze %dma_wait3A_418 : memref<1x8x1024xf32, #tpu.memory_space<hbm>> -> memref<8x1024xf32, #tpu.memory_space<hbm>>
    %dma_wait3A_420 = arith.constant 0 : i32
    %dma_wait3A_421 = tpu.memref_slice %arg4[%dma_wait3A_416, %add3A_415, %dma_wait3A_420] : memref<4x8192x1024xf32, #tpu.memory_space<hbm>> -> memref<1x8x1024xf32, #tpu.memory_space<hbm>>
    %dma_wait3A_422 = tpu.memref_squeeze %dma_wait3A_421 : memref<1x8x1024xf32, #tpu.memory_space<hbm>> -> memref<8x1024xf32, #tpu.memory_space<hbm>>
    tpu.wait_dma2 semaphore(%arg27 : memref<!tpu.dma_semaphore, #tpu.memory_space<semaphore_mem>>) src(%dma_wait3A_422 : memref<8x1024xf32, #tpu.memory_space<hbm>>) dst(%arg15 : memref<8x1024xf32, #tpu.memory_space<vmem>>)
    return
  }
}

</mosaic_0001>

<sc_bundles>
// kernel: kernel.3.cloned.1.call-start
scs
__scs_entry_jumppad:
0x0: {  	(pc) =	sbr.rel $0x88, $3  }
0x1: {  	(tag) =	ssettag $0x0;
	lr =	simm.s32 $0x1  }
0x2: {  	[smem:$0x3F9F] =	sst lr;
	_ =	strace $0xD0000000  }
0x3: {  	_ = 	snop  }
0x4: {  	_ = 	snop  }
0x5: {  	_ = 	snop  }
0x6: {  	_ = 	snop  }
0x7: {  	_ = 	snop  }
__scs_overlays_trampoline_lowered:
0x8: {  	[smem:$0x3FAE] =	sst s0  }
0x9: {  	[smem:$0x3FAF] =	sst s1  }
0xa: {  	[smem:$0x3FB0] =	sst s2  }
0xb: {  	[smem:$0x3FB1] =	sst s3  }
0xc: {  	[smem:$0x3FB2] =	sst s4  }
0xd: {  	[smem:$0x3FB3] =	sst s5  }
0xe: {  	[smem:$0x3FB4] =	sst s6  }
0xf: {  	[smem:$0x3FB5] =	sst s7  }
0x10: {  	[smem:$0x3FB6] =	sst s8  }
0x11: {  	[smem:$0x3FB7] =	sst s9;
	s0 =	simm.s32 @!p0 $0x0  }
0x12: {  	s1 =	sld [smem:$0x3F9D];
	s0 =	simm.s32 @p0 $0x1  }
0x13: {  	[smem:$0x3FB8] =	sst s0;
	s0 =	simm.s32 @!p1 $0x0  }
0x14: {  	s2 =	sld [smem:$0x3F9C];
	s0 =	simm.s32 @p1 $0x1  }
0x15: {  	[smem:$0x3FB9] =	sst s0;
	s0 =	simm.s32 @!p2 $0x0  }
0x16: {  	s3 =	sld [smem:$0x3FDB];
	s0 =	simm.s32 @p2 $0x1  }
0x17: {  	s4 =	simm.s32 $0x1BF5;
	[smem:$0x3FBB] =	sst s0  }
0x18: {  	s0 =	sld [smem:$0x3F9E];
	_ =	swait.ge [sflag:s4], $0x0  }
0x19: {  	s7 =	sld [smem:$0x3F9F]  }
0x1a: {  	s8 =	sadd.s32 $0xFFFFE003, lr  }
0x1b: {  	s9 =	sadd.s32 $0xFFFFFEF7, lr;
	s5 =	simm.s32 $0xFFFFFFFF;
	p2 =	slt.u32 s8, $0xFFFFF086  }
0x1c: {  	p1 =	slt.u32 s9, $0xF7A;
	s5 =	simm.s32 @!p2 $0x0  }
0x1d: {  	s5 =	simm.s32 @p1 $0x1;
	p0 =	seq.s32 s7, s2  }
0x1e: {  	s7 =	smul.u32 @!p0 $0xF7A, s2;
	p2 =	seq.s32 @!p0 s5, $0x0  }
0x1f: {  	s9 =	smul.u32 $0xF7A, s1;
	s8 =	simm.s32 @!p0 $0x1BF5;
	p2 =	por !p2, p0  }
0x20: {  	[sflag:s8] =	ssyncset.s32 @!p0 $0xFFFFF086;
	s6 =	sadd.s32 @!p0 s3, s7;
	s7 =	simm.s32 @!p0 $0x108  }
0x21: {  	s3 =	sadd.s32 s3, s9;
	s6 =	sadd.s32 @!p0 $0x88, s6;
	s7 =	simm.s32 @p2 $0x1082  }
0x22: {  	[simem:s7], [sflag:s8] =	dma.local @!p0 [hbm:s6], $0xF7A  }
0x23: {  	s9 =	sor.u32 $0xD0000000, s2;
	s6 =	simm.s32 $0x108;
	_ =	swait.ge @!p0 [sflag:s8], $0x0  }
0x24: {  	s3 =	sadd.s32 $0x88, s3;
	s6 =	simm.s32 @!p1 $0x1082;
	[sflag:s4] =	ssyncset.s32 $0xFFFFF086  }
0x25: {  	[simem:s6], [sflag:s4] =	dma.local [hbm:s3], $0xF7A  }
0x26: {  	[smem:$0x3F9F] =	sst s1;
	(tag) =	ssettag s2;
	_ =	strace s9  }
0x27: {  	s1 =	sld [smem:$0x3FAF]  }
0x28: {  	s2 =	sld [smem:$0x3FB0]  }
0x29: {  	s4 =	sld [smem:$0x3FB2]  }
0x2a: {  	p0 =	seq.s32 s5, $0x0;
	s5 =	sld [smem:$0x3FB3]  }
0x2b: {  	s6 =	sld [smem:$0x3FB4]  }
0x2c: {  	s7 =	sld [smem:$0x3FB5]  }
0x2d: {  	s3 =	simm.s32 $0x108;
	s8 =	sld [smem:$0x3FB6]  }
0x2e: {  	s3 =	simm.s32 @!p0 $0x1082;
	s9 =	sld [smem:$0x3FB7]  }
0x2f: {  	lr =	sadd.s32 s0, s3;
	s0 =	sld [smem:$0x3FAE]  }
0x30: {  	s3 =	sld [smem:$0x3FB1]  }
0x31: {  	[smem:$0x3FBA] =	sst s10  }
0x32: {  	s10 =	sld [smem:$0x3FB8];
	_ =	sdelay $0x3  }
0x33: {  	p0 =	seq.s32 s10, $0x1;
	s10 =	sld [smem:$0x3FBA];
	_ =	sdelay $0x3  }
0x34: {  	[smem:$0x3FBA] =	sst s10  }
0x35: {  	s10 =	sld [smem:$0x3FB9];
	_ =	sdelay $0x3  }
0x36: {  	p1 =	seq.s32 s10, $0x1;
	s10 =	sld [smem:$0x3FBA];
	_ =	sdelay $0x3  }
0x37: {  	[smem:$0x3FBA] =	sst s10  }
0x38: {  	s10 =	sld [smem:$0x3FBB]  }
0x39: {  	_ = 	snop;
	(pc) =	sbr.ind lr, $3  }
0x3a: {  	_ = 	snop  }
0x3b: {  	_ = 	snop  }
0x3c: {  	p2 =	seq.s32 s10, $0x1;
	s10 =	sld [smem:$0x3FBA]  }
0x3d: {  	_ =	shalt  }
0x3e: {  	_ =	shalt  }
0x3f: {  	_ =	shalt  }
0x40: {  	_ =	shalt  }
0x41: {  	_ =	shalt  }
0x42: {  	_ =	shalt  }
0x43: {  	_ =	shalt  }
0x44: {  	_ =	shalt  }
0x45: {  	_ =	shalt  }
0x46: {  	_ =	shalt  }
0x47: {  	_ =	shalt  }
0x48: {  	_ =	shalt  }
0x49: {  	_ =	shalt  }
0x4a: {  	_ =	shalt  }
0x4b: {  	_ =	shalt  }
0x4c: {  	_ =	shalt  }
0x4d: {  	_ =	shalt  }
0x4e: {  	_ =	shalt  }
0x4f: {  	_ =	shalt  }
0x50: {  	_ =	shalt  }
0x51: {  	_ =	shalt  }
0x52: {  	_ =	shalt  }
0x53: {  	_ =	shalt  }
0x54: {  	_ =	shalt  }
0x55: {  	_ =	shalt  }
0x56: {  	_ =	shalt  }
0x57: {  	_ =	shalt  }
0x58: {  	_ =	shalt  }
0x59: {  	_ =	shalt  }
0x5a: {  	_ =	shalt  }
0x5b: {  	_ =	shalt  }
0x5c: {  	_ =	shalt  }
0x5d: {  	_ =	shalt  }
0x5e: {  	_ =	shalt  }
0x5f: {  	_ =	shalt  }
0x60: {  	_ =	shalt  }
0x61: {  	_ =	shalt  }
0x62: {  	_ =	shalt  }
0x63: {  	_ =	shalt  }
0x64: {  	_ =	shalt  }
0x65: {  	_ =	shalt  }
0x66: {  	_ =	shalt  }
0x67: {  	_ =	shalt  }
0x68: {  	_ =	shalt  }
0x69: {  	_ =	shalt  }
0x6a: {  	_ =	shalt  }
0x6b: {  	_ =	shalt  }
0x6c: {  	_ =	shalt  }
0x6d: {  	_ =	shalt  }
0x6e: {  	_ =	shalt  }
0x6f: {  	_ =	shalt  }
0x70: {  	_ =	shalt  }
0x71: {  	_ =	shalt  }
0x72: {  	_ =	shalt  }
0x73: {  	_ =	shalt  }
0x74: {  	_ =	shalt  }
0x75: {  	_ =	shalt  }
0x76: {  	_ =	shalt  }
0x77: {  	_ =	shalt  }
0x78: {  	_ =	shalt  }
0x79: {  	_ =	shalt  }
0x7a: {  	_ =	shalt  }
0x7b: {  	_ =	shalt  }
0x7c: {  	_ =	shalt  }
0x7d: {  	_ =	shalt  }
0x7e: {  	_ =	shalt  }
0x7f: {  	_ =	shalt  }
0x80: {  	_ =	shalt  }
0x81: {  	_ =	shalt  }
0x82: {  	_ =	shalt  }
0x83: {  	_ =	shalt  }
0x84: {  	_ =	shalt  }
0x85: {  	_ =	shalt  }
0x86: {  	_ =	shalt  }
0x87: {  	_ =	shalt  }
.Lfunc_end0:
.L_simem_size_0:
called_computation_lowered:
.L_overlay_start_0:
0x88: {  	s2 =	sld [smem:$0x3FD9]  }
0x89: {  	s3 =	sld [smem:$0x3FFE];
	_ =	sdelay $0x1  }
0x8a: {  	s1 =	srdreg.scid  }
0x8b: {  	s0 =	sand.u32 $0x1, s1  }
0x8c: {  	s18 =	sshll.u32 s0, $0xA;
	s2 =	sadd.s32 s3, s2  }
0x8d: {  	s2 =	sadd.s32 s2, s18  }
0x8e: {  	[smem:$0x3FC6] =	sst s2  }
0x8f: {  	_ = 	snop  }
0x90: {  	s2 =	sld [smem:$0x3FC9]  }
0x91: {  	s19 =	sld [smem:$0x3FC8]  }
0x92: {  	s4 =	sld [smem:$0x3FD0];
	(tm) =	ssettm $0x1  }
0x93: {  	s5 =	sld [smem:$0x3FFB];
	_ =	sdelay $0x3  }
0x94: {  	_ =	strace s5  }
0x95: {  	s5 =	sld [smem:$0x3FFC];
	_ =	sdelay $0x3  }
0x96: {  	_ =	strace s5  }
0x97: {  	s5 =	sld [smem:$0x3FFD];
	_ =	sdelay $0x3  }
0x98: {  	_ =	strace s5  }
0x99: {  	_ =	strace $0x8FFFFFFF  }
0x9a: {  	s20 =	sld [smem:$0x3FDB];
	_ =	sdelay $0x1  }
0x9b: {  	s6 =	simm.s32 $_scs_section_size  }
0x9c: {  	s7 =	simm.s32 $_size__tile_overlayer_lowered;
	s8 =	simm.s32 $_tile_overlayer_lowered  }
0x9d: {  	s23 =	simm.s32 $0x1BFF;
	s22 =	sshll.u32 s8, $0x1;
	s5 =	sadd.s32 s6, s20  }
0x9e: {  	s9 =	simm.s32 $0x0;
	s21 =	sshll.u32 s7, $0x1;
	s7 =	sadd.s32 s22, s5  }
0x9f: {  	[timem:s9], [sflag:s23] =	dma.local [hbm:s7], s21  }
0xa0: {  	_ =	swait.ge [sflag:s23], s21  }
0xa1: {  	s6 =	ssub.s32 $0x0, s21;
	[sflag:s23] =	ssyncset.done $0x0  }
0xa2: {  	[sflag:s23] =	ssyncadd.s32 s6;
	_ =	sdelay $0x1  }
0xa3: {  	s24 =	simm.s32 $0x1B8B  }
0xa4: {  	_ =	swait.ge [sflag:s24], $0x1  }
0xa5: {  	[sflag:s24] =	ssyncset.done $0x0  }
0xa6: {  	s25 =	simm.s32 $0x1B8E;
	[sflag:s24] =	ssyncadd.s32 $0xFFFFFFFF  }
0xa7: {  	s26 =	simm.s32 $execute0_lowered;
	[smem:$0x3FD2] =	sst s25  }
0xa8: {  	s6 =	sshll.u32 s26, $0x1;
	_ =	strace $0x80000046;
	[dreg:$0x1] =	wrdreg $0xFFFFFFFF  }
0xa9: {  	s28 =	simm.s32 $_size_execute0_lowered;
	s5 =	sadd.s32 s5, s6;
	[dreg:$0x0] =	wrdreg $0x0  }
0xaa: {  	s6 =	sshll.u32 s28, $0x1;
	[dreg:$0x2] =	wrdreg s5  }
0xab: {  	[dreg:$0x3] =	wrdreg s6  }
0xac: {  	[dreg:$0x4] =	wrdreg $0xC0  }
0xad: {  	_ =	task [dreg:s9], $0x5FFFF  }
0xae: {  	[dreg:$0x1] =	wrdreg $0xFFFFFFFF  }
0xaf: {  	[dreg:$0x0] =	wrdreg $0x60  }
0xb0: {  	[dreg:$0x2] =	wrdreg s2  }
0xb1: {  	[dreg:$0x3] =	wrdreg s19  }
0xb2: {  	[dreg:$0x4] =	wrdreg s4  }
0xb3: {  	[dreg:$0x5] =	wrdreg $0x9  }
0xb4: {  	_ =	task.clear_ibuf [dreg:s9], $0x6FFFF;
	_ =	strace $0x90000046  }
0xb5: {  	s29 =	simm.s32 $0x9;
	_ =	strace $0x80000048  }
0xb6: {  	_ =	swait.ge [sflag:s29], $0x1  }
0xb7: {  	[sflag:s29] =	ssyncadd.s32 $0xFFFFFFFF  }
0xb8: {  	_ =	strace $0x90000048  }
0xb9: {  	_ =	sfence  }
0xba: {  	s30 =	sld [smem:$0x0];
	_ =	sdelay $0x2  }
0xbb: {  	s31 =	sshll.u32 s1, $0xD;
	s1 =	sshrl.u32 s1, $0x2  }
0xbc: {  	s3 =	sand.u32 $0x4000, s31;
	s1 =	sadd.s32 s1, s30  }
0xbd: {  	s0 =	sor.u32 s3, s0;
	s1 =	sshll.u32 s1, $0x11  }
0xbe: {  	s0 =	sor.u32 s1, s0  }
0xbf: {  	s0 =	sadd.s32 $0x8F2B, s0  }
0xc0: {  	[sflag:s0] =	ssyncadd.remote.s32 $0x1  }
0xc1: {  	_ =	sfence.sel $0xFFFF  }
0xc2: {  	[dreg:$0x0] =	wrdreg $0xFFFFFFFF;
	(pc) =	sbr.abs _section_cstart, $3  }
0xc3: {  	[dreg:$0x1] =	wrdreg $0xFFFFFFFF  }
0xc4: {  	_ =	task.clear_ibuf [dreg:s9], $0x2FFFF;
	_ =	strace $0x9FFFFFFF  }
0xc5: {  	(tm) =	ssettm $0x7FFFFFFF  }
tec
execute0_lowered:
.L_overlay_start_1:
0x0: {  	(tag) =	ssettag $0x1  }
0x1: {  	s0 =	srdreg.scid  }
0x2: {  	s1 =	rddreg [dreg:$0x0];
	s2 =	stileid.u32;
	s0 =	sand.u32 $0x1, s0  }
0x3: {  	s3 =	rddreg [dreg:$0x1];
	s2 =	sshll.u32 s2, $0x9;
	s6 =	sshll.u32 s0, $0x8  }
0x4: {  	s4 =	rddreg [dreg:$0x2];
	s0 =	ssub.s32 $0x2, s0;
	s2 =	sor.u32 s6, s2  }
0x5: {  	s5 =	simm.s32 $0x0;
	s26 =	sshrl.u32 s0, $0x1;
	s7 =	sshll.u32 s2, $0x7  }
0x6: {  	[smem:$0x7FF] =	sst s5;
	s0 =	ssub.s32 s0, s26;
	s17 =	sadd.s32 s4, s7  }
0x7: {  	_ =	strace $0x80000047;
	s0 =	smax.u32 s0, $0x1;
	[dreg:$0xc] =	wrdreg s17  }
0x8: {  	s16 =	sadd.s32 s1, s7;
	[smem:$0x7FA] =	sst s0  }
0x9: {  	s31 =	sor.u32 $0x400, s7;
	s15 =	sadd.s32 s3, s7;
	[dreg:$0x7] =	wrdreg s16  }
0xa: {  	s8 =	sor.u32 $0x800, s7;
	s9 =	sadd.s32 s3, s31;
	[dreg:$0x4] =	wrdreg s15  }
0xb: {  	s19 =	sor.u32 $0x100000, s7;
	s18 =	sadd.s32 s3, s8;
	[dreg:$0x5] =	wrdreg s9  }
0xc: {  	s10 =	sor.u32 $0x200000, s7;
	s11 =	sadd.s32 s1, s19;
	[dreg:$0x6] =	wrdreg s18  }
0xd: {  	s21 =	sor.u32 $0x300000, s7;
	s20 =	sadd.s32 s1, s10;
	[dreg:$0x8] =	wrdreg s11  }
0xe: {  	s12 =	sadd.s32 s1, s21;
	[dreg:$0x9] =	wrdreg s20  }
0xf: {  	s22 =	sadd.s32 s1, s31;
	[dreg:$0xa] =	wrdreg s12  }
0x10: {  	s24 =	sadd.s32 s4, s10;
	[dreg:$0xb] =	wrdreg s22  }
0x11: {  	s25 =	sadd.s32 s4, s21;
	[dreg:$0xe] =	wrdreg s24  }
0x12: {  	s8 =	sadd.s32 s1, s8;
	[dreg:$0xf] =	wrdreg s25  }
0x13: {  	s23 =	sor.u32 $0x100400, s7;
	s6 =	sadd.s32 s4, s31;
	[dreg:$0x10] =	wrdreg s8  }
0x14: {  	s26 =	sadd.s32 s1, s23;
	[dreg:$0x11] =	wrdreg s6  }
0x15: {  	s14 =	sor.u32 $0x300400, s7;
	s31 =	sadd.s32 s4, s23;
	[dreg:$0x12] =	wrdreg s26  }
0x16: {  	s10 =	sadd.s32 s1, s14;
	[dreg:$0x13] =	wrdreg s31  }
0x17: {  	s17 =	sadd.s32 $0x200800, s16;
	[dreg:$0x16] =	wrdreg s10  }
0x18: {  	s21 =	sor.u32 $0x18, s2;
	[dreg:$0x1b] =	wrdreg s17  }
0x19: {  	s28 =	simm.s32 $0x6000;
	s23 =	sadd.s32 $0x300800, s16;
	[dreg:$0x1f] =	wrdreg s21  }
0x1a: {  	s13 =	sor.u32 $0x200400, s7;
	s9 =	sadd.s32 s4, s19;
	[smem:$0x7F8] =	sst s23  }
0x1b: {  	s29 =	simm.s32 $0x1;
	s8 =	sadd.s32 s1, s13;
	[dreg:$0xd] =	wrdreg s9  }
0x1c: {  	s7 =	sor.u32 $0xC00, s7;
	s11 =	sadd.s32 s4, s14;
	[dreg:$0x14] =	wrdreg s8  }
0x1d: {  	s30 =	simm.s32 $0x4;
	s12 =	sadd.s32 s3, s7;
	[dreg:$0x17] =	wrdreg s11  }
0x1e: {  	s14 =	sadd.s32 $0x100800, s16;
	s18 =	sor.u32 $0x10, s2;
	[dreg:$0x18] =	wrdreg s12  }
0x1f: {  	s19 =	sor.u32 $0x20, s2;
	s20 =	sor.u32 $0x28, s2;
	[dreg:$0x1a] =	wrdreg s14  }
0x20: {  	s22 =	sor.u32 $0x38, s2;
	s10 =	sor.u32 $0x30, s2;
	[dreg:$0x1c] =	wrdreg s18  }
0x21: {  	s24 =	sadd.s32 $0x100C00, s16;
	s25 =	sadd.s32 $0x200C00, s16;
	[dreg:$0x1d] =	wrdreg s19  }
0x22: {  	s26 =	sadd.s32 $0x300C00, s16;
	s31 =	sadd.s32 $0x1000, s15;
	[dreg:$0x1e] =	wrdreg s20  }
0x23: {  	s17 =	sadd.s32 $0x200000, s4;
	s23 =	simm.s32 $0xE000;
	[smem:$0x7F7] =	sst s22  }
0x24: {  	s15 =	simm.s32 $0x5;
	s16 =	simm.s32 $0x7;
	[smem:$0x7F9] =	sst s24  }
0x25: {  	s6 =	simm.s32 $0x8;
	s2 =	simm.s32 $0x0;
	[smem:$0x7FB] =	sst s25  }
.Ltmp0:
0x26: {  	s9 =	sadd.s32 s4, s13;
	[smem:$0x7FC] =	sst s26;
	(pc) =	sbr.rel .LBB2_1-.Ltmp0, $4  }
0x27: {  	s13 =	sadd.s32 s1, s7;
	[smem:$0x7FD] =	sst s31;
	s18 =	sadd.s32 $0x200000, s1  }
0x28: {  	s24 =	simm.s32 $0x10000;
	s25 =	simm.s32 $0x12000;
	s26 =	simm.s32 $0x14000  }
0x29: {  	s14 =	simm.s32 $0x2;
	s19 =	simm.s32 $0x6;
	[dreg:$0x15] =	wrdreg s9  }
0x2a: {  	s11 =	simm.s32 $0x9;
	[dreg:$0x19] =	wrdreg s13;
	s9 =	simm.s32 $0x3  }
.LBB2_14:
0x2b: {  	_ =	swait.ge [sflag:s6], $0x2000  }
0x2c: {  	[sflag:s6] =	ssyncset.done $0x0  }
0x2d: {  	[sflag:s6] =	ssyncadd.s32 $0xFFFFE000  }
0x2e: {  	_ =	swait.ge [sflag:s6], $0x2000  }
0x2f: {  	[sflag:s6] =	ssyncset.done $0x0  }
0x30: {  	[sflag:s6] =	ssyncadd.s32 $0xFFFFE000  }
0x31: {  	_ =	swait.ge [sflag:s6], $0x2000  }
0x32: {  	[sflag:s6] =	ssyncset.done $0x0  }
0x33: {  	[sflag:s6] =	ssyncadd.s32 $0xFFFFE000  }
0x34: {  	_ =	swait.ge [sflag:s6], $0x2000  }
0x35: {  	s2 =	sld [smem:$0x7F6]  }
0x36: {  	s0 =	sld [smem:$0x7FA];
	_ =	sdelay $0x1  }
0x37: {  	s2 =	sadd.s32 $0x1, s2  }
0x38: {  	p0 =	sne.s32 s2, s0  }
.Ltmp1:
0x39: {  	_ = 	snop;
	(pc) =	sbr.rel @!p0 .LBB2_15-.Ltmp1, $3  }
0x3a: {  	_ =	sdelay $0x1  }
0x3b: {  	[sflag:s6] =	ssyncset.done $0x0  }
0x3c: {  	[sflag:s6] =	ssyncadd.s32 $0xFFFFE000  }
.LBB2_1:
0x3d: {  	[smem:$0x7F6] =	sst s2  }
0x3e: {  	s0 =	rddreg [dreg:$0x4]  }
0x3f: {  	[tilespmem:s5], [sflag:$0x1] =	stream.linear.gather [hbm4b:s0+s5], $0x2000, $0x38;
	[tilespmem:$0x1E000] =	vst v63  }
0x40: {  	s2 =	rddreg [dreg:$0x5];
	s7 =	simm.s32 $0x2000  }
0x41: {  	[tilespmem:s7], [sflag:$0x2] =	stream.linear.gather [hbm4b:s2+s5], $0x2000, $0x38;
	[tilespmem:$0x1E000] =	vst v63  }
0x42: {  	s8 =	rddreg [dreg:$0x6];
	s12 =	simm.s32 $0x4000  }
0x43: {  	[tilespmem:s12], [sflag:$0x3] =	stream.linear.gather [hbm4b:s8+s5], $0x2000, $0x38;
	[tilespmem:$0x1E000] =	vst v63  }
0x44: {  	s13 =	rddreg [dreg:$0x7]  }
0x45: {  	[tilespmem:s28], [sflag:$0x4] =	stream.linear.gather [hbm4b:s13+s5], $0x2000, $0x38;
	[tilespmem:$0x1E000] =	vst v63  }
0x46: {  	s20 =	rddreg [dreg:$0x8];
	s21 =	simm.s32 $0x8000  }
0x47: {  	[tilespmem:s21], [sflag:$0x4] =	stream.linear.gather [hbm4b:s20+s5], $0x2000, $0x38;
	[tilespmem:$0x1E000] =	vst v63  }
0x48: {  	s22 =	rddreg [dreg:$0x9];
	s31 =	simm.s32 $0xA000  }
0x49: {  	[tilespmem:s31], [sflag:$0x4] =	stream.linear.gather [hbm4b:s22+s5], $0x2000, $0x38;
	[tilespmem:$0x1E000] =	vst v63  }
0x4a: {  	s7 =	rddreg [dreg:$0xa];
	s8 =	simm.s32 $0xC000  }
0x4b: {  	[tilespmem:s8], [sflag:$0x4] =	stream.linear.gather [hbm4b:s7+s5], $0x2000, $0x38;
	[tilespmem:$0x1E000] =	vst v63  }
0x4c: {  	s12 =	rddreg [dreg:$0xb]  }
0x4d: {  	[tilespmem:s23], [sflag:$0x5] =	stream.linear.gather [hbm4b:s12+s5], $0x2000, $0x38;
	[tilespmem:$0x1E000] =	vst v63  }
0x4e: {  	s13 =	rddreg [dreg:$0x12]  }
0x4f: {  	[tilespmem:s24], [sflag:$0x5] =	stream.linear.gather [hbm4b:s13+s5], $0x2000, $0x38;
	[tilespmem:$0x1E000] =	vst v63  }
0x50: {  	s20 =	rddreg [dreg:$0x14]  }
0x51: {  	[tilespmem:s25], [sflag:$0x5] =	stream.linear.gather [hbm4b:s20+s5], $0x2000, $0x38;
	[tilespmem:$0x1E000] =	vst v63  }
0x52: {  	s21 =	rddreg [dreg:$0x16]  }
0x53: {  	[tilespmem:s26], [sflag:$0x5] =	stream.linear.gather [hbm4b:s21+s5], $0x2000, $0x38;
	[tilespmem:$0x1E000] =	vst v63  }
0x54: {  	_ =	swait.ge [sflag:s29], $0x2000  }
0x55: {  	[sflag:s29] =	ssyncset.done $0x0  }
0x56: {  	[sflag:s29] =	ssyncadd.s32 $0xFFFFE000  }
0x57: {  	_ =	swait.ge [sflag:s30], $0x2000  }
0x58: {  	[sflag:s30] =	ssyncset.done $0x0  }
0x59: {  	[sflag:s30] =	ssyncadd.s32 $0xFFFFE000  }
0x5a: {  	_ =	swait.ge [sflag:s30], $0x2000  }
0x5b: {  	[sflag:s30] =	ssyncset.done $0x0  }
0x5c: {  	[sflag:s30] =	ssyncadd.s32 $0xFFFFE000  }
0x5d: {  	_ =	swait.ge [sflag:s30], $0x2000  }
0x5e: {  	[sflag:s30] =	ssyncset.done $0x0  }
0x5f: {  	[sflag:s30] =	ssyncadd.s32 $0xFFFFE000  }
0x60: {  	s22 =	sand.u32 $0x40, s5;
	s31 =	sand.u32 $0x1C00, s5;
	_ =	swait.ge [sflag:s30], $0x2000  }
0x61: {  	s0 =	sor.u32 s22, s31;
	s7 =	sand.u32 $0x380, s5;
	[sflag:s30] =	ssyncset.done $0x0  }
0x62: {  	s0 =	sor.u32 s7, s0;
	[sflag:s30] =	ssyncadd.s32 $0xFFFFE000  }
0x63: {  	v2 =	vld [tilespmem:s0+$0x0]  }
0x64: {  	v5 =	vld [tilespmem:s0+$0x10]  }
0x65: {  	v1 =	vld [tilespmem:s0+$0x20]  }
0x66: {  	v3 =	vld [tilespmem:s0+$0x6000]  }
0x67: {  	v4 =	vld [tilespmem:s0+$0x8000]  }
0x68: {  	v6 =	vld [tilespmem:s0+$0xA000]  }
0x69: {  	v7 =	vld [tilespmem:s0+$0xC000]  }
0x6a: {  	v8 =	vld [tilespmem:s0+$0x6010]  }
0x6b: {  	v9 =	vld [tilespmem:s0+$0x8010]  }
0x6c: {  	v0 =	vld [tilespmem:s0+$0x30];
	v3 =	vadd.f32 v3, v2  }
0x6d: {  	v10 =	vld [tilespmem:s0+$0xA010];
	v4 =	vadd.f32 v4, v2  }
0x6e: {  	v11 =	vld [tilespmem:s0+$0xC010];
	[tilespmem:s0+$0x6000] =	vst v3;
	v3 =	vadd.f32 v6, v2  }
0x6f: {  	[tilespmem:s0+$0x8000] =	vst v4;
	v6 =	vld [tilespmem:s0+$0x6020];
	v2 =	vadd.f32 v7, v2  }
0x70: {  	v7 =	vadd.f32 v8, v5;
	v8 =	vadd.f32 v9, v5;
	[tilespmem:s0+$0xA000] =	vst v3;
	v3 =	vld [tilespmem:s0+$0x8020]  }
0x71: {  	v4 =	vld [tilespmem:s0+$0xA020];
	[tilespmem:s0+$0xC000] =	vst v2  }
0x72: {  	v2 =	vld [tilespmem:s0+$0xC020];
	[tilespmem:s0+$0x8010] =	vst v8;
	v8 =	vadd.f32 v10, v5  }
0x73: {  	s2 =	simm.s32 $0x40;
	s8 =	simm.s32 $0x8;
	s7 =	simm.s32 $0x200;
	[tilespmem:s0+$0x6010] =	vst v7;
	v7 =	vadd.f32 v11, v5;
	v5 =	vld [tilespmem:s0+$0x6030]  }
.LBB2_2:
0x74: {  	s12 =	sand.u32 $0x40, s2;
	s13 =	sand.u32 $0x1C00, s7;
	p0 =	sne.s32 s8, $0x3F8;
	[tilespmem:s0+$0xA010] =	vst v8;
	v6 =	vadd.f32 v6, v1;
	v8 =	vld [tilespmem:s0+$0x8030]  }
0x75: {  	s20 =	sand.u32 $0x380, s8;
	s12 =	sor.u32 s12, s13;
	[tilespmem:s0+$0xC010] =	vst v7;
	v3 =	vadd.f32 v3, v1;
	v7 =	vld [tilespmem:s0+$0xA030]  }
0x76: {  	s12 =	sor.u32 s20, s12;
	[tilespmem:s0+$0x6020] =	vst v6;
	v4 =	vadd.f32 v4, v1;
	v6 =	vld [tilespmem:s0+$0xC030]  }
0x77: {  	v9 =	vld [tilespmem:s12+$0x0];
	[tilespmem:s0+$0x8020] =	vst v3;
	v2 =	vadd.f32 v2, v1  }
0x78: {  	v10 =	vld [tilespmem:s12+$0x10];
	[tilespmem:s0+$0xA020] =	vst v4;
	v3 =	vadd.f32 v5, v0  }
0x79: {  	v1 =	vld [tilespmem:s12+$0x20];
	[tilespmem:s0+$0xC020] =	vst v2;
	v2 =	vadd.f32 v8, v0  }
0x7a: {  	v4 =	vld [tilespmem:s12+$0x30];
	[tilespmem:s0+$0x6030] =	vst v3;
	v3 =	vadd.f32 v7, v0  }
0x7b: {  	v5 =	vld [tilespmem:s12+$0x6000];
	[tilespmem:s0+$0x8030] =	vst v2;
	v0 =	vadd.f32 v6, v0  }
0x7c: {  	v2 =	vld [tilespmem:s12+$0x8000];
	[tilespmem:s0+$0xA030] =	vst v3  }
0x7d: {  	v3 =	vld [tilespmem:s12+$0xA000];
	[tilespmem:s0+$0xC030] =	vst v0;
	s0 =	smov.u32 s12  }
0x7e: {  	v6 =	vld [tilespmem:s0+$0xC000]  }
0x7f: {  	v7 =	vld [tilespmem:s0+$0x6010];
	v0 =	vmov v4  }
0x80: {  	v4 =	vadd.f32 v5, v9;
	v5 =	vld [tilespmem:s0+$0x8010]  }
0x81: {  	v2 =	vadd.f32 v2, v9;
	v8 =	vld [tilespmem:s0+$0xA010]  }
0x82: {  	[tilespmem:s0+$0x6000] =	vst v4;
	v3 =	vadd.f32 v3, v9;
	v11 =	vld [tilespmem:s0+$0xC010]  }
.Ltmp2:
0x83: {  	[tilespmem:s0+$0x8000] =	vst v2;
	v2 =	vadd.f32 v6, v9;
	v6 =	vld [tilespmem:s0+$0x6020];
	(pc) =	sbr.rel @p0 .LBB2_2-.Ltmp2, $4  }
0x84: {  	[tilespmem:s0+$0xA000] =	vst v3;
	v7 =	vadd.f32 v7, v10;
	v3 =	vld [tilespmem:s0+$0x8020]  }
0x85: {  	[tilespmem:s0+$0xC000] =	vst v2;
	v5 =	vadd.f32 v5, v10;
	v4 =	vld [tilespmem:s0+$0xA020]  }
0x86: {  	[tilespmem:s0+$0x6010] =	vst v7;
	v8 =	vadd.f32 v8, v10;
	v2 =	vld [tilespmem:s0+$0xC020]  }
0x87: {  	s2 =	sadd.s32 $0x40, s2;
	s7 =	sadd.s32 $0x200, s7;
	s8 =	sadd.s32 $0x8, s8;
	[tilespmem:s0+$0x8010] =	vst v5;
	v7 =	vadd.f32 v11, v10;
	v5 =	vld [tilespmem:s0+$0x6030]  }
0x88: {  	[tilespmem:s0+$0xA010] =	vst v8;
	v8 =	vld [tilespmem:s0+$0x8030];
	v6 =	vadd.f32 v6, v1  }
0x89: {  	[tilespmem:s0+$0xC010] =	vst v7;
	v7 =	vld [tilespmem:s0+$0xA030];
	v3 =	vadd.f32 v3, v1  }
0x8a: {  	[tilespmem:s0+$0x6020] =	vst v6;
	v4 =	vadd.f32 v4, v1;
	v6 =	vld [tilespmem:s0+$0xC030]  }
0x8b: {  	[tilespmem:s0+$0x8020] =	vst v3;
	v1 =	vadd.f32 v2, v1  }
0x8c: {  	[tilespmem:s0+$0xA020] =	vst v4;
	v2 =	vadd.f32 v5, v0  }
0x8d: {  	[tilespmem:s0+$0xC020] =	vst v1;
	v1 =	vadd.f32 v8, v0  }
0x8e: {  	[tilespmem:s0+$0x6030] =	vst v2;
	v2 =	vadd.f32 v7, v0  }
0x8f: {  	[tilespmem:s0+$0x8030] =	vst v1;
	v0 =	vadd.f32 v6, v0  }
0x90: {  	s2 =	rddreg [dreg:$0xc];
	[tilespmem:s0+$0xA030] =	vst v2  }
0x91: {  	s31 =	rddreg [dreg:$0xd];
	[tilespmem:s0+$0xC030] =	vst v0;
	s0 =	simm.s32 $0x0  }
0x92: {  	[hbm4b:s2+s0] =	stream.linear.scatter [tilespmem:s28], [sflag:$0x7], $0x2000, $0x38;
	[tilespmem:$0x1E000] =	vst v63  }
0x93: {  	s7 =	simm.s32 $0x8000;
	s12 =	rddreg [dreg:$0xf]  }
0x94: {  	[hbm4b:s31+s0] =	stream.linear.scatter [tilespmem:s7], [sflag:$0x7], $0x2000, $0x38;
	[tilespmem:$0x1E000] =	vst v63  }
0x95: {  	s8 =	simm.s32 $0xA000;
	s7 =	rddreg [dreg:$0xe]  }
0x96: {  	[hbm4b:s7+s0] =	stream.linear.scatter [tilespmem:s8], [sflag:$0x7], $0x2000, $0x38;
	[tilespmem:$0x1E000] =	vst v63  }
0x97: {  	s13 =	simm.s32 $0xC000;
	s20 =	rddreg [dreg:$0x10]  }
0x98: {  	[hbm4b:s12+s0] =	stream.linear.scatter [tilespmem:s13], [sflag:$0x7], $0x2000, $0x38;
	[tilespmem:$0x1E000] =	vst v63  }
0x99: {  	s21 =	simm.s32 $0x16000;
	s22 =	rddreg [dreg:$0x1a]  }
0x9a: {  	[tilespmem:s21], [sflag:$0x6] =	stream.linear.gather [hbm4b:s20+s0], $0x2000, $0x38;
	[tilespmem:$0x1E000] =	vst v63  }
0x9b: {  	s31 =	simm.s32 $0x18000;
	s8 =	rddreg [dreg:$0x1b]  }
0x9c: {  	[tilespmem:s31], [sflag:$0x6] =	stream.linear.gather [hbm4b:s22+s0], $0x2000, $0x38;
	[tilespmem:$0x1E000] =	vst v63  }
0x9d: {  	s12 =	simm.s32 $0x1A000;
	s13 =	sld [smem:$0x7F8]  }
0x9e: {  	[tilespmem:s12], [sflag:$0x6] =	stream.linear.gather [hbm4b:s8+s0], $0x2000, $0x38;
	[tilespmem:$0x1E000] =	vst v63  }
0x9f: {  	s20 =	simm.s32 $0x1C000  }
0xa0: {  	[tilespmem:s20], [sflag:$0x6] =	stream.linear.gather [hbm4b:s13+s0], $0x2000, $0x38;
	[tilespmem:$0x1E000] =	vst v63  }
0xa1: {  	s21 =	rddreg [dreg:$0x18]  }
0xa2: {  	[tilespmem:s0], [sflag:$0x1] =	stream.linear.gather [hbm4b:s21+s0], $0x2000, $0x38;
	[tilespmem:$0x1E000] =	vst v63  }
0xa3: {  	_ =	swait.ge [sflag:s14], $0x2000  }
0xa4: {  	[sflag:s14] =	ssyncset.done $0x0  }
0xa5: {  	[sflag:s14] =	ssyncadd.s32 $0xFFFFE000  }
0xa6: {  	_ =	swait.ge [sflag:s15], $0x2000  }
0xa7: {  	[sflag:s15] =	ssyncset.done $0x0  }
0xa8: {  	[sflag:s15] =	ssyncadd.s32 $0xFFFFE000  }
0xa9: {  	_ =	swait.ge [sflag:s15], $0x2000  }
0xaa: {  	[sflag:s15] =	ssyncset.done $0x0  }
0xab: {  	[sflag:s15] =	ssyncadd.s32 $0xFFFFE000  }
0xac: {  	_ =	swait.ge [sflag:s15], $0x2000  }
0xad: {  	[sflag:s15] =	ssyncset.done $0x0  }
0xae: {  	[sflag:s15] =	ssyncadd.s32 $0xFFFFE000  }
0xaf: {  	s22 =	sand.u32 $0x40, s0;
	s31 =	sand.u32 $0x1C00, s0;
	_ =	swait.ge [sflag:s15], $0x2000  }
0xb0: {  	s2 =	sor.u32 s22, s31;
	s0 =	sand.u32 $0x380, s0;
	[sflag:s15] =	ssyncset.done $0x0  }
0xb1: {  	s0 =	sor.u32 s0, s2;
	[sflag:s15] =	ssyncadd.s32 $0xFFFFE000  }
0xb2: {  	v2 =	vld [tilespmem:s0+$0x2000]  }
0xb3: {  	v5 =	vld [tilespmem:s0+$0x2010]  }
0xb4: {  	v1 =	vld [tilespmem:s0+$0x2020]  }
0xb5: {  	v3 =	vld [tilespmem:s0+$0xE000]  }
0xb6: {  	v4 =	vld [tilespmem:s0+$0x10000]  }
0xb7: {  	v6 =	vld [tilespmem:s0+$0x12000]  }
0xb8: {  	v7 =	vld [tilespmem:s0+$0x14000]  }
0xb9: {  	v8 =	vld [tilespmem:s0+$0xE010]  }
0xba: {  	v9 =	vld [tilespmem:s0+$0x10010]  }
0xbb: {  	v0 =	vld [tilespmem:s0+$0x2030];
	v3 =	vadd.f32 v3, v2  }
0xbc: {  	v10 =	vld [tilespmem:s0+$0x12010];
	v4 =	vadd.f32 v4, v2  }
0xbd: {  	v11 =	vld [tilespmem:s0+$0x14010];
	[tilespmem:s0+$0xE000] =	vst v3;
	v3 =	vadd.f32 v6, v2  }
0xbe: {  	[tilespmem:s0+$0x10000] =	vst v4;
	v6 =	vld [tilespmem:s0+$0xE020];
	v2 =	vadd.f32 v7, v2  }
0xbf: {  	v7 =	vadd.f32 v8, v5;
	v8 =	vadd.f32 v9, v5;
	[tilespmem:s0+$0x12000] =	vst v3;
	v3 =	vld [tilespmem:s0+$0x10020]  }
0xc0: {  	v4 =	vld [tilespmem:s0+$0x12020];
	[tilespmem:s0+$0x14000] =	vst v2  }
0xc1: {  	v2 =	vld [tilespmem:s0+$0x14020];
	[tilespmem:s0+$0x10010] =	vst v8;
	v8 =	vadd.f32 v10, v5  }
0xc2: {  	s7 =	simm.s32 $0x200;
	s8 =	simm.s32 $0x8;
	s2 =	simm.s32 $0x40;
	[tilespmem:s0+$0xE010] =	vst v7;
	v7 =	vadd.f32 v11, v5;
	v5 =	vld [tilespmem:s0+$0xE030]  }
.LBB2_4:
0xc3: {  	s12 =	sand.u32 $0x40, s2;
	s13 =	sand.u32 $0x1C00, s7;
	p0 =	sne.s32 s8, $0x3F8;
	[tilespmem:s0+$0x12010] =	vst v8;
	v6 =	vadd.f32 v6, v1;
	v8 =	vld [tilespmem:s0+$0x10030]  }
0xc4: {  	s20 =	sand.u32 $0x380, s8;
	s12 =	sor.u32 s12, s13;
	[tilespmem:s0+$0x14010] =	vst v7;
	v3 =	vadd.f32 v3, v1;
	v7 =	vld [tilespmem:s0+$0x12030]  }
0xc5: {  	s12 =	sor.u32 s20, s12;
	[tilespmem:s0+$0xE020] =	vst v6;
	v4 =	vadd.f32 v4, v1;
	v6 =	vld [tilespmem:s0+$0x14030]  }
0xc6: {  	v9 =	vld [tilespmem:s12+$0x2000];
	[tilespmem:s0+$0x10020] =	vst v3;
	v2 =	vadd.f32 v2, v1  }
0xc7: {  	v10 =	vld [tilespmem:s12+$0x2010];
	[tilespmem:s0+$0x12020] =	vst v4;
	v3 =	vadd.f32 v5, v0  }
0xc8: {  	v1 =	vld [tilespmem:s12+$0x2020];
	[tilespmem:s0+$0x14020] =	vst v2;
	v2 =	vadd.f32 v8, v0  }
0xc9: {  	v4 =	vld [tilespmem:s12+$0x2030];
	[tilespmem:s0+$0xE030] =	vst v3;
	v3 =	vadd.f32 v7, v0  }
0xca: {  	v5 =	vld [tilespmem:s12+$0xE000];
	[tilespmem:s0+$0x10030] =	vst v2;
	v0 =	vadd.f32 v6, v0  }
0xcb: {  	v2 =	vld [tilespmem:s12+$0x10000];
	[tilespmem:s0+$0x12030] =	vst v3  }
0xcc: {  	v3 =	vld [tilespmem:s12+$0x12000];
	[tilespmem:s0+$0x14030] =	vst v0;
	s0 =	smov.u32 s12  }
0xcd: {  	v6 =	vld [tilespmem:s0+$0x14000]  }
0xce: {  	v7 =	vld [tilespmem:s0+$0xE010];
	v0 =	vmov v4  }
0xcf: {  	v4 =	vadd.f32 v5, v9;
	v5 =	vld [tilespmem:s0+$0x10010]  }
0xd0: {  	v2 =	vadd.f32 v2, v9;
	v8 =	vld [tilespmem:s0+$0x12010]  }
0xd1: {  	[tilespmem:s0+$0xE000] =	vst v4;
	v3 =	vadd.f32 v3, v9;
	v11 =	vld [tilespmem:s0+$0x14010]  }
.Ltmp3:
0xd2: {  	[tilespmem:s0+$0x10000] =	vst v2;
	v2 =	vadd.f32 v6, v9;
	v6 =	vld [tilespmem:s0+$0xE020];
	(pc) =	sbr.rel @p0 .LBB2_4-.Ltmp3, $4  }
0xd3: {  	[tilespmem:s0+$0x12000] =	vst v3;
	v7 =	vadd.f32 v7, v10;
	v3 =	vld [tilespmem:s0+$0x10020]  }
0xd4: {  	[tilespmem:s0+$0x14000] =	vst v2;
	v5 =	vadd.f32 v5, v10;
	v4 =	vld [tilespmem:s0+$0x12020]  }
0xd5: {  	[tilespmem:s0+$0xE010] =	vst v7;
	v8 =	vadd.f32 v8, v10;
	v2 =	vld [tilespmem:s0+$0x14020]  }
0xd6: {  	s2 =	sadd.s32 $0x40, s2;
	s7 =	sadd.s32 $0x200, s7;
	s8 =	sadd.s32 $0x8, s8;
	[tilespmem:s0+$0x10010] =	vst v5;
	v7 =	vadd.f32 v11, v10;
	v5 =	vld [tilespmem:s0+$0xE030]  }
0xd7: {  	[tilespmem:s0+$0x12010] =	vst v8;
	v56 =	vld [tilespmem:s0+$0x10030];
	v6 =	vadd.f32 v6, v1  }
0xd8: {  	v57 =	vld [tilespmem:s0+$0x12030];
	[tilespmem:s0+$0x14010] =	vst v7;
	v3 =	vadd.f32 v3, v1  }
0xd9: {  	v58 =	vld [tilespmem:s0+$0x14030];
	[tilespmem:s0+$0xE020] =	vst v6;
	v4 =	vadd.f32 v4, v1  }
0xda: {  	[tilespmem:s0+$0x10020] =	vst v3;
	v59 =	vadd.f32 v2, v1  }
0xdb: {  	[tilespmem:s0+$0x12020] =	vst v4;
	v60 =	vadd.f32 v5, v0  }
0xdc: {  	[tilespmem:s0+$0x14020] =	vst v59;
	v61 =	vadd.f32 v56, v0  }
0xdd: {  	v62 =	vadd.f32 v57, v0;
	[tilespmem:s0+$0xE030] =	vst v60  }
0xde: {  	v63 =	vadd.f32 v58, v0;
	[tilespmem:s0+$0x10030] =	vst v61  }
0xdf: {  	[tilespmem:s0+$0x12030] =	vst v62  }
0xe0: {  	s12 =	simm.s32 $0x0;
	s21 =	rddreg [dreg:$0x11];
	[tilespmem:s0+$0x14030] =	vst v63  }
0xe1: {  	[hbm4b:s21+s12] =	stream.linear.scatter [tilespmem:s23], [sflag:$0x8], $0x2000, $0x38;
	[tilespmem:$0x1E000] =	vst v63  }
0xe2: {  	s22 =	rddreg [dreg:$0x13]  }
0xe3: {  	[hbm4b:s22+s12] =	stream.linear.scatter [tilespmem:s24], [sflag:$0x8], $0x2000, $0x38;
	[tilespmem:$0x1E000] =	vst v63  }
0xe4: {  	s31 =	rddreg [dreg:$0x15]  }
0xe5: {  	[hbm4b:s31+s12] =	stream.linear.scatter [tilespmem:s25], [sflag:$0x8], $0x2000, $0x38;
	[tilespmem:$0x1E000] =	vst v63  }
0xe6: {  	s2 =	rddreg [dreg:$0x17]  }
0xe7: {  	[hbm4b:s2+s12] =	stream.linear.scatter [tilespmem:s26], [sflag:$0x8], $0x2000, $0x38;
	[tilespmem:$0x1E000] =	vst v63  }
0xe8: {  	_ =	swait.ge [sflag:s16], $0x2000  }
0xe9: {  	[sflag:s16] =	ssyncset.done $0x0  }
0xea: {  	[sflag:s16] =	ssyncadd.s32 $0xFFFFE000  }
0xeb: {  	_ =	swait.ge [sflag:s16], $0x2000  }
0xec: {  	[sflag:s16] =	ssyncset.done $0x0  }
0xed: {  	[sflag:s16] =	ssyncadd.s32 $0xFFFFE000  }
0xee: {  	_ =	swait.ge [sflag:s16], $0x2000  }
0xef: {  	[sflag:s16] =	ssyncset.done $0x0  }
0xf0: {  	[sflag:s16] =	ssyncadd.s32 $0xFFFFE000  }
0xf1: {  	_ =	swait.ge [sflag:s16], $0x2000  }
0xf2: {  	[sflag:s16] =	ssyncset.done $0x0;
	s7 =	rddreg [dreg:$0x19]  }
0xf3: {  	s8 =	sld [smem:$0x7F9];
	[sflag:s16] =	ssyncadd.s32 $0xFFFFE000  }
0xf4: {  	[tilespmem:s28], [sflag:$0x4] =	stream.linear.gather [hbm4b:s7+s12], $0x2000, $0x38;
	[tilespmem:$0x1E000] =	vst v63  }
0xf5: {  	s2 =	simm.s32 $0x8000;
	s13 =	sld [smem:$0x7FB]  }
0xf6: {  	[tilespmem:s2], [sflag:$0x4] =	stream.linear.gather [hbm4b:s8+s12], $0x2000, $0x38;
	[tilespmem:$0x1E000] =	vst v63  }
0xf7: {  	s20 =	simm.s32 $0xA000;
	s21 =	sld [smem:$0x7FC]  }
0xf8: {  	[tilespmem:s20], [sflag:$0x4] =	stream.linear.gather [hbm4b:s13+s12], $0x2000, $0x38;
	[tilespmem:$0x1E000] =	vst v63  }
0xf9: {  	s22 =	simm.s32 $0xC000;
	s28 =	sld [smem:$0x7FD]  }
0xfa: {  	[tilespmem:s22], [sflag:$0x4] =	stream.linear.gather [hbm4b:s21+s12], $0x2000, $0x38;
	[tilespmem:$0x1E000] =	vst v63  }
0xfb: {  	s31 =	simm.s32 $0x2000;
	s13 =	simm.s32 $0x0  }
0xfc: {  	[tilespmem:s31], [sflag:$0x2] =	stream.linear.gather [hbm4b:s28+s12], $0x2000, $0x38;
	[tilespmem:$0x1E000] =	vst v63  }
.LBB2_6:
0xfd: {  	_ =	swait.ge [sflag:s9], $0x2000  }
0xfe: {  	[sflag:s9] =	ssyncset.done $0x0  }
0xff: {  	[sflag:s9] =	ssyncadd.s32 $0xFFFFE000  }
0x100: {  	_ =	swait.ge [sflag:s19], $0x2000  }
0x101: {  	[sflag:s19] =	ssyncset.done $0x0  }
0x102: {  	[sflag:s19] =	ssyncadd.s32 $0xFFFFE000  }
0x103: {  	_ =	swait.ge [sflag:s19], $0x2000  }
0x104: {  	[sflag:s19] =	ssyncset.done $0x0  }
0x105: {  	[sflag:s19] =	ssyncadd.s32 $0xFFFFE000  }
0x106: {  	_ =	swait.ge [sflag:s19], $0x2000  }
0x107: {  	[sflag:s19] =	ssyncset.done $0x0  }
0x108: {  	[sflag:s19] =	ssyncadd.s32 $0xFFFFE000  }
0x109: {  	s0 =	sand.u32 $0x40, s12;
	s2 =	sand.u32 $0x1C00, s12;
	_ =	swait.ge [sflag:s19], $0x2000  }
0x10a: {  	s7 =	sand.u32 $0x380, s12;
	s0 =	sor.u32 s0, s2;
	[sflag:s19] =	ssyncset.done $0x0  }
0x10b: {  	s0 =	sor.u32 s7, s0;
	[sflag:s19] =	ssyncadd.s32 $0xFFFFE000  }
0x10c: {  	v2 =	vld [tilespmem:s0+$0x4000]  }
0x10d: {  	v5 =	vld [tilespmem:s0+$0x4010]  }
0x10e: {  	v1 =	vld [tilespmem:s0+$0x4020]  }
0x10f: {  	v3 =	vld [tilespmem:s0+$0x16000]  }
0x110: {  	v4 =	vld [tilespmem:s0+$0x18000]  }
0x111: {  	v6 =	vld [tilespmem:s0+$0x1A000]  }
0x112: {  	v7 =	vld [tilespmem:s0+$0x1C000]  }
0x113: {  	v8 =	vld [tilespmem:s0+$0x16010]  }
0x114: {  	v9 =	vld [tilespmem:s0+$0x18010]  }
0x115: {  	v0 =	vld [tilespmem:s0+$0x4030];
	v3 =	vadd.f32 v3, v2  }
0x116: {  	v10 =	vld [tilespmem:s0+$0x1A010];
	v4 =	vadd.f32 v4, v2  }
0x117: {  	v11 =	vld [tilespmem:s0+$0x1C010];
	[tilespmem:s0+$0x16000] =	vst v3;
	v3 =	vadd.f32 v6, v2  }
0x118: {  	[tilespmem:s0+$0x18000] =	vst v4;
	v6 =	vld [tilespmem:s0+$0x16020];
	v2 =	vadd.f32 v7, v2  }
0x119: {  	v7 =	vadd.f32 v8, v5;
	v8 =	vadd.f32 v9, v5;
	[tilespmem:s0+$0x1A000] =	vst v3;
	v3 =	vld [tilespmem:s0+$0x18020]  }
0x11a: {  	v4 =	vld [tilespmem:s0+$0x1A020];
	[tilespmem:s0+$0x1C000] =	vst v2  }
0x11b: {  	v2 =	vld [tilespmem:s0+$0x1C020];
	[tilespmem:s0+$0x18010] =	vst v8;
	v8 =	vadd.f32 v10, v5  }
0x11c: {  	s8 =	simm.s32 $0x8;
	s2 =	simm.s32 $0x40;
	s7 =	simm.s32 $0x200;
	[tilespmem:s0+$0x16010] =	vst v7;
	v7 =	vadd.f32 v11, v5;
	v5 =	vld [tilespmem:s0+$0x16030]  }
.LBB2_7:
0x11d: {  	s20 =	sand.u32 $0x40, s2;
	s21 =	sand.u32 $0x1C00, s7;
	p0 =	sne.s32 s8, $0x3F8;
	[tilespmem:s0+$0x1A010] =	vst v8;
	v6 =	vadd.f32 v6, v1;
	v8 =	vld [tilespmem:s0+$0x18030]  }
0x11e: {  	s22 =	sand.u32 $0x380, s8;
	s20 =	sor.u32 s20, s21;
	[tilespmem:s0+$0x1C010] =	vst v7;
	v3 =	vadd.f32 v3, v1;
	v7 =	vld [tilespmem:s0+$0x1A030]  }
0x11f: {  	s20 =	sor.u32 s22, s20;
	[tilespmem:s0+$0x16020] =	vst v6;
	v4 =	vadd.f32 v4, v1;
	v6 =	vld [tilespmem:s0+$0x1C030]  }
0x120: {  	v9 =	vld [tilespmem:s20+$0x4000];
	[tilespmem:s0+$0x18020] =	vst v3;
	v2 =	vadd.f32 v2, v1  }
0x121: {  	v10 =	vld [tilespmem:s20+$0x4010];
	[tilespmem:s0+$0x1A020] =	vst v4;
	v3 =	vadd.f32 v5, v0  }
0x122: {  	v1 =	vld [tilespmem:s20+$0x4020];
	[tilespmem:s0+$0x1C020] =	vst v2;
	v2 =	vadd.f32 v8, v0  }
0x123: {  	v4 =	vld [tilespmem:s20+$0x4030];
	[tilespmem:s0+$0x16030] =	vst v3;
	v3 =	vadd.f32 v7, v0  }
0x124: {  	v5 =	vld [tilespmem:s20+$0x16000];
	[tilespmem:s0+$0x18030] =	vst v2;
	v0 =	vadd.f32 v6, v0  }
0x125: {  	v2 =	vld [tilespmem:s20+$0x18000];
	[tilespmem:s0+$0x1A030] =	vst v3  }
0x126: {  	v3 =	vld [tilespmem:s20+$0x1A000];
	[tilespmem:s0+$0x1C030] =	vst v0;
	s0 =	smov.u32 s20  }
0x127: {  	v6 =	vld [tilespmem:s0+$0x1C000]  }
0x128: {  	v7 =	vld [tilespmem:s0+$0x16010];
	v0 =	vmov v4  }
0x129: {  	v4 =	vadd.f32 v5, v9;
	v5 =	vld [tilespmem:s0+$0x18010]  }
0x12a: {  	v2 =	vadd.f32 v2, v9;
	v8 =	vld [tilespmem:s0+$0x1A010]  }
0x12b: {  	[tilespmem:s0+$0x16000] =	vst v4;
	v3 =	vadd.f32 v3, v9;
	v11 =	vld [tilespmem:s0+$0x1C010]  }
.Ltmp4:
0x12c: {  	[tilespmem:s0+$0x18000] =	vst v2;
	v2 =	vadd.f32 v6, v9;
	v6 =	vld [tilespmem:s0+$0x16020];
	(pc) =	sbr.rel @p0 .LBB2_7-.Ltmp4, $4  }
0x12d: {  	[tilespmem:s0+$0x1A000] =	vst v3;
	v7 =	vadd.f32 v7, v10;
	v3 =	vld [tilespmem:s0+$0x18020]  }
0x12e: {  	[tilespmem:s0+$0x1C000] =	vst v2;
	v5 =	vadd.f32 v5, v10;
	v4 =	vld [tilespmem:s0+$0x1A020]  }
0x12f: {  	[tilespmem:s0+$0x16010] =	vst v7;
	v8 =	vadd.f32 v8, v10;
	v2 =	vld [tilespmem:s0+$0x1C020]  }
0x130: {  	s2 =	sadd.s32 $0x40, s2;
	s7 =	sadd.s32 $0x200, s7;
	s8 =	sadd.s32 $0x8, s8;
	[tilespmem:s0+$0x18010] =	vst v5;
	v7 =	vadd.f32 v11, v10;
	v5 =	vld [tilespmem:s0+$0x16030]  }
0x131: {  	[tilespmem:s0+$0x1A010] =	vst v8;
	v8 =	vld [tilespmem:s0+$0x18030];
	v6 =	vadd.f32 v6, v1  }
0x132: {  	[tilespmem:s0+$0x1C010] =	vst v7;
	v7 =	vld [tilespmem:s0+$0x1A030];
	v3 =	vadd.f32 v3, v1  }
0x133: {  	[tilespmem:s0+$0x16020] =	vst v6;
	v4 =	vadd.f32 v4, v1;
	v6 =	vld [tilespmem:s0+$0x1C030]  }
0x134: {  	[tilespmem:s0+$0x18020] =	vst v3;
	v1 =	vadd.f32 v2, v1  }
0x135: {  	s8 =	smul.u32 $0x18, s13;
	[tilespmem:s0+$0x1A020] =	vst v4;
	v2 =	vadd.f32 v5, v0  }
0x136: {  	s2 =	rddreg [dreg:$0x1c];
	[tilespmem:s0+$0x1C020] =	vst v1;
	v1 =	vadd.f32 v8, v0  }
0x137: {  	s2 =	sadd.s32 s8, s2;
	[tilespmem:s0+$0x16030] =	vst v2;
	v2 =	vadd.f32 v7, v0  }
0x138: {  	s2 =	sshll.u32 s2, $0x7;
	[tilespmem:s0+$0x18030] =	vst v1;
	v0 =	vadd.f32 v6, v0  }
0x139: {  	s21 =	sand.u32 $0x1FFFFF80, s2;
	[tilespmem:s0+$0x1A030] =	vst v2  }
0x13a: {  	s7 =	simm.s32 $0x16000;
	s20 =	sadd.s32 s4, s2;
	[tilespmem:s0+$0x1C030] =	vst v0;
	s0 =	sadd.s32 s4, s21  }
0x13b: {  	[hbm4b:s20+s5] =	stream.linear.scatter [tilespmem:s7], [sflag:$0x9], $0x2000, $0x38;
	[tilespmem:$0x1E000] =	vst v63  }
0x13c: {  	s22 =	sadd.s32 $0x100000, s0;
	s20 =	simm.s32 $0x18000  }
0x13d: {  	[hbm4b:s22+s5] =	stream.linear.scatter [tilespmem:s20], [sflag:$0x9], $0x2000, $0x38;
	[tilespmem:$0x1E000] =	vst v63  }
0x13e: {  	s28 =	simm.s32 $0x1A000;
	s2 =	sadd.s32 s2, s17  }
0x13f: {  	[hbm4b:s2+s5] =	stream.linear.scatter [tilespmem:s28], [sflag:$0x9], $0x2000, $0x38;
	[tilespmem:$0x1E000] =	vst v63  }
0x140: {  	s0 =	sadd.s32 $0x300000, s0;
	s7 =	simm.s32 $0x1C000  }
0x141: {  	[hbm4b:s0+s5] =	stream.linear.scatter [tilespmem:s7], [sflag:$0x9], $0x2000, $0x38;
	[tilespmem:$0x1E000] =	vst v63  }
0x142: {  	_ =	swait.ge [sflag:s6], $0x2000  }
0x143: {  	[sflag:s6] =	ssyncset.done $0x0  }
0x144: {  	[sflag:s6] =	ssyncadd.s32 $0xFFFFE000  }
0x145: {  	_ =	swait.ge [sflag:s6], $0x2000  }
0x146: {  	[sflag:s6] =	ssyncset.done $0x0  }
0x147: {  	[sflag:s6] =	ssyncadd.s32 $0xFFFFE000  }
0x148: {  	_ =	swait.ge [sflag:s6], $0x2000  }
0x149: {  	[sflag:s6] =	ssyncset.done $0x0  }
0x14a: {  	[sflag:s6] =	ssyncadd.s32 $0xFFFFE000  }
0x14b: {  	_ =	swait.ge [sflag:s6], $0x2000  }
0x14c: {  	s20 =	rddreg [dreg:$0x1d]  }
0x14d: {  	s0 =	sadd.s32 s8, s20  }
0x14e: {  	[sflag:s6] =	ssyncset.done $0x0;
	s31 =	sshll.u32 s0, $0x7  }
0x14f: {  	[sflag:s6] =	ssyncadd.s32 $0xFFFFE000;
	s0 =	sadd.s32 s1, s31;
	s21 =	sand.u32 $0x1FFFFF80, s31  }
0x150: {  	[tilespmem:s23], [sflag:$0x5] =	stream.linear.gather [hbm4b:s0+s5], $0x2000, $0x38;
	[tilespmem:$0x1E000] =	vst v63  }
0x151: {  	p0 =	seq.s32 s13, $0x9;
	s0 =	sadd.s32 $0x100000, s21  }
0x152: {  	s20 =	rddreg [dreg:$0x1e];
	s2 =	sor.u32 $0x200000, s31;
	s22 =	sadd.s32 s1, s0  }
0x153: {  	[tilespmem:s24], [sflag:$0x5] =	stream.linear.gather [hbm4b:s22+s5], $0x2000, $0x38;
	[tilespmem:$0x1E000] =	vst v63  }
0x154: {  	s20 =	sadd.s32 @!p0 s8, s20;
	s23 =	sadd.s32 s1, s2;
	s7 =	sadd.s32 $0x300000, s21  }
0x155: {  	[tilespmem:s25], [sflag:$0x5] =	stream.linear.gather [hbm4b:s23+s5], $0x2000, $0x38;
	[tilespmem:$0x1E000] =	vst v63  }
0x156: {  	s20 =	sshll.u32 @!p0 s20, $0x7;
	s24 =	sadd.s32 s1, s7  }
0x157: {  	[tilespmem:s26], [sflag:$0x5] =	stream.linear.gather [hbm4b:s24+s5], $0x2000, $0x38;
	[tilespmem:$0x1E000] =	vst v63  }
0x158: {  	s21 =	sadd.s32 @!p0 s3, s20;
	s22 =	simm.s32 @!p0 $0x0;
	s23 =	simm.s32 @!p0 $0x4000  }
0x159: {  	[tilespmem:s23], [sflag:$0x3] =	stream.linear.gather @!p0 [hbm4b:s21+s22], $0x2000, $0x38;
	[tilespmem:$0x1E000] =	vst v63  }
0x15a: {  	_ =	swait.ge [sflag:s29], $0x2000  }
0x15b: {  	[sflag:s29] =	ssyncset.done $0x0  }
0x15c: {  	[sflag:s29] =	ssyncadd.s32 $0xFFFFE000  }
0x15d: {  	_ =	swait.ge [sflag:s30], $0x2000  }
0x15e: {  	[sflag:s30] =	ssyncset.done $0x0  }
0x15f: {  	[sflag:s30] =	ssyncadd.s32 $0xFFFFE000  }
0x160: {  	_ =	swait.ge [sflag:s30], $0x2000  }
0x161: {  	[sflag:s30] =	ssyncset.done $0x0  }
0x162: {  	[sflag:s30] =	ssyncadd.s32 $0xFFFFE000  }
0x163: {  	_ =	swait.ge [sflag:s30], $0x2000  }
0x164: {  	[sflag:s30] =	ssyncset.done $0x0  }
0x165: {  	s25 =	simm.s32 $0x0;
	[sflag:s30] =	ssyncadd.s32 $0xFFFFE000  }
0x166: {  	s28 =	sand.u32 $0x1C00, s25;
	s26 =	sand.u32 $0x40, s25;
	_ =	swait.ge [sflag:s30], $0x2000  }
0x167: {  	s21 =	sand.u32 $0x380, s25;
	s22 =	sor.u32 s26, s28;
	[sflag:s30] =	ssyncset.done $0x0  }
0x168: {  	s21 =	sor.u32 s21, s22;
	[sflag:s30] =	ssyncadd.s32 $0xFFFFE000  }
0x169: {  	v2 =	vld [tilespmem:s21+$0x0]  }
0x16a: {  	v5 =	vld [tilespmem:s21+$0x10]  }
0x16b: {  	v1 =	vld [tilespmem:s21+$0x20]  }
0x16c: {  	v3 =	vld [tilespmem:s21+$0x6000]  }
0x16d: {  	v4 =	vld [tilespmem:s21+$0x8000]  }
0x16e: {  	v6 =	vld [tilespmem:s21+$0xA000]  }
0x16f: {  	v7 =	vld [tilespmem:s21+$0xC000]  }
0x170: {  	v8 =	vld [tilespmem:s21+$0x6010]  }
0x171: {  	v9 =	vld [tilespmem:s21+$0x8010]  }
0x172: {  	v0 =	vld [tilespmem:s21+$0x30];
	v3 =	vadd.f32 v3, v2  }
0x173: {  	v10 =	vld [tilespmem:s21+$0xA010];
	v4 =	vadd.f32 v4, v2  }
0x174: {  	v11 =	vld [tilespmem:s21+$0xC010];
	[tilespmem:s21+$0x6000] =	vst v3;
	v3 =	vadd.f32 v6, v2  }
0x175: {  	[tilespmem:s21+$0x8000] =	vst v4;
	v6 =	vld [tilespmem:s21+$0x6020];
	v2 =	vadd.f32 v7, v2  }
0x176: {  	v7 =	vadd.f32 v8, v5;
	v8 =	vadd.f32 v9, v5;
	[tilespmem:s21+$0xA000] =	vst v3;
	v3 =	vld [tilespmem:s21+$0x8020]  }
0x177: {  	v4 =	vld [tilespmem:s21+$0xA020];
	[tilespmem:s21+$0xC000] =	vst v2  }
0x178: {  	v2 =	vld [tilespmem:s21+$0xC020];
	[tilespmem:s21+$0x8010] =	vst v8;
	v8 =	vadd.f32 v10, v5  }
0x179: {  	s24 =	simm.s32 $0x8;
	s23 =	simm.s32 $0x200;
	s22 =	simm.s32 $0x40;
	[tilespmem:s21+$0x6010] =	vst v7;
	v7 =	vadd.f32 v11, v5;
	v5 =	vld [tilespmem:s21+$0x6030]  }
.LBB2_9:
0x17a: {  	s25 =	sand.u32 $0x40, s22;
	s26 =	sand.u32 $0x1C00, s23;
	p1 =	sne.s32 s24, $0x3F8;
	[tilespmem:s21+$0xA010] =	vst v8;
	v6 =	vadd.f32 v6, v1;
	v8 =	vld [tilespmem:s21+$0x8030]  }
0x17b: {  	s28 =	sand.u32 $0x380, s24;
	s25 =	sor.u32 s25, s26;
	[tilespmem:s21+$0xC010] =	vst v7;
	v3 =	vadd.f32 v3, v1;
	v7 =	vld [tilespmem:s21+$0xA030]  }
0x17c: {  	s25 =	sor.u32 s28, s25;
	[tilespmem:s21+$0x6020] =	vst v6;
	v4 =	vadd.f32 v4, v1;
	v6 =	vld [tilespmem:s21+$0xC030]  }
0x17d: {  	v9 =	vld [tilespmem:s25+$0x0];
	[tilespmem:s21+$0x8020] =	vst v3;
	v2 =	vadd.f32 v2, v1  }
0x17e: {  	v10 =	vld [tilespmem:s25+$0x10];
	[tilespmem:s21+$0xA020] =	vst v4;
	v3 =	vadd.f32 v5, v0  }
0x17f: {  	v1 =	vld [tilespmem:s25+$0x20];
	[tilespmem:s21+$0xC020] =	vst v2;
	v2 =	vadd.f32 v8, v0  }
0x180: {  	v4 =	vld [tilespmem:s25+$0x30];
	[tilespmem:s21+$0x6030] =	vst v3;
	v3 =	vadd.f32 v7, v0  }
0x181: {  	v5 =	vld [tilespmem:s25+$0x6000];
	[tilespmem:s21+$0x8030] =	vst v2;
	v0 =	vadd.f32 v6, v0  }
0x182: {  	v2 =	vld [tilespmem:s25+$0x8000];
	[tilespmem:s21+$0xA030] =	vst v3  }
0x183: {  	v3 =	vld [tilespmem:s25+$0xA000];
	[tilespmem:s21+$0xC030] =	vst v0;
	s21 =	smov.u32 s25  }
0x184: {  	v6 =	vld [tilespmem:s21+$0xC000]  }
0x185: {  	v7 =	vld [tilespmem:s21+$0x6010];
	v0 =	vmov v4  }
0x186: {  	v4 =	vadd.f32 v5, v9;
	v5 =	vld [tilespmem:s21+$0x8010]  }
0x187: {  	v2 =	vadd.f32 v2, v9;
	v8 =	vld [tilespmem:s21+$0xA010]  }
0x188: {  	[tilespmem:s21+$0x6000] =	vst v4;
	v3 =	vadd.f32 v3, v9;
	v11 =	vld [tilespmem:s21+$0xC010]  }
.Ltmp5:
0x189: {  	[tilespmem:s21+$0x8000] =	vst v2;
	v2 =	vadd.f32 v6, v9;
	v6 =	vld [tilespmem:s21+$0x6020];
	(pc) =	sbr.rel @p1 .LBB2_9-.Ltmp5, $4  }
0x18a: {  	[tilespmem:s21+$0xA000] =	vst v3;
	v7 =	vadd.f32 v7, v10;
	v3 =	vld [tilespmem:s21+$0x8020]  }
0x18b: {  	[tilespmem:s21+$0xC000] =	vst v2;
	v5 =	vadd.f32 v5, v10;
	v4 =	vld [tilespmem:s21+$0xA020]  }
0x18c: {  	[tilespmem:s21+$0x6010] =	vst v7;
	v8 =	vadd.f32 v8, v10;
	v2 =	vld [tilespmem:s21+$0xC020]  }
0x18d: {  	s22 =	sadd.s32 $0x40, s22;
	s23 =	sadd.s32 $0x200, s23;
	s24 =	sadd.s32 $0x8, s24;
	[tilespmem:s21+$0x8010] =	vst v5;
	v7 =	vadd.f32 v11, v10;
	v5 =	vld [tilespmem:s21+$0x6030]  }
0x18e: {  	[tilespmem:s21+$0xA010] =	vst v8;
	v8 =	vld [tilespmem:s21+$0x8030];
	v6 =	vadd.f32 v6, v1  }
0x18f: {  	[tilespmem:s21+$0xC010] =	vst v7;
	v7 =	vld [tilespmem:s21+$0xA030];
	v3 =	vadd.f32 v3, v1  }
0x190: {  	[tilespmem:s21+$0x6020] =	vst v6;
	v4 =	vadd.f32 v4, v1;
	v6 =	vld [tilespmem:s21+$0xC030]  }
0x191: {  	[tilespmem:s21+$0x8020] =	vst v3;
	v1 =	vadd.f32 v2, v1  }
0x192: {  	[tilespmem:s21+$0xA020] =	vst v4;
	v2 =	vadd.f32 v5, v0  }
0x193: {  	s22 =	rddreg [dreg:$0x1f];
	[tilespmem:s21+$0xC020] =	vst v1;
	v1 =	vadd.f32 v8, v0  }
0x194: {  	s22 =	sadd.s32 s8, s22;
	[tilespmem:s21+$0x6030] =	vst v2;
	v2 =	vadd.f32 v7, v0  }
0x195: {  	s22 =	sshll.u32 s22, $0x7;
	[tilespmem:s21+$0x8030] =	vst v1;
	v0 =	vadd.f32 v6, v0  }
0x196: {  	s25 =	sand.u32 $0x1FFFFF80, s22;
	[tilespmem:s21+$0xA030] =	vst v2  }
0x197: {  	s28 =	simm.s32 $0x6000;
	s24 =	sadd.s32 s4, s22;
	[tilespmem:s21+$0xC030] =	vst v0;
	s21 =	sadd.s32 s4, s25  }
0x198: {  	[hbm4b:s24+s5] =	stream.linear.scatter [tilespmem:s28], [sflag:$0x7], $0x2000, $0x38;
	[tilespmem:$0x1E000] =	vst v63  }
0x199: {  	s23 =	sadd.s32 $0x100000, s21;
	s24 =	simm.s32 $0x8000  }
0x19a: {  	[hbm4b:s23+s5] =	stream.linear.scatter [tilespmem:s24], [sflag:$0x7], $0x2000, $0x38;
	[tilespmem:$0x1E000] =	vst v63  }
0x19b: {  	s26 =	simm.s32 $0xA000;
	s22 =	sadd.s32 s22, s17  }
0x19c: {  	[hbm4b:s22+s5] =	stream.linear.scatter [tilespmem:s26], [sflag:$0x7], $0x2000, $0x38;
	[tilespmem:$0x1E000] =	vst v63  }
0x19d: {  	s21 =	sadd.s32 $0x300000, s21;
	s23 =	simm.s32 $0xC000  }
0x19e: {  	[hbm4b:s21+s5] =	stream.linear.scatter [tilespmem:s23], [sflag:$0x7], $0x2000, $0x38;
	[tilespmem:$0x1E000] =	vst v63  }
0x19f: {  	_ =	swait.ge [sflag:s11], $0x2000  }
0x1a0: {  	[sflag:s11] =	ssyncset.done $0x0  }
0x1a1: {  	[sflag:s11] =	ssyncadd.s32 $0xFFFFE000  }
0x1a2: {  	_ =	swait.ge [sflag:s11], $0x2000  }
0x1a3: {  	[sflag:s11] =	ssyncset.done $0x0  }
0x1a4: {  	[sflag:s11] =	ssyncadd.s32 $0xFFFFE000  }
0x1a5: {  	_ =	swait.ge [sflag:s11], $0x2000  }
0x1a6: {  	[sflag:s11] =	ssyncset.done $0x0  }
0x1a7: {  	[sflag:s11] =	ssyncadd.s32 $0xFFFFE000  }
0x1a8: {  	_ =	swait.ge [sflag:s11], $0x2000  }
0x1a9: {  	s22 =	simm.s32 @!p0 $0x0;
	[sflag:s11] =	ssyncset.done $0x0  }
0x1aa: {  	s21 =	sadd.s32 @!p0 s1, s20;
	s23 =	simm.s32 @!p0 $0x16000;
	[sflag:s11] =	ssyncadd.s32 $0xFFFFE000  }
0x1ab: {  	[tilespmem:s23], [sflag:$0x6] =	stream.linear.gather @!p0 [hbm4b:s21+s22], $0x2000, $0x38;
	[tilespmem:$0x1E000] =	vst v63  }
0x1ac: {  	s21 =	sand.u32 @!p0 $0x1FFFFF80, s20  }
0x1ad: {  	s21 =	sadd.s32 @!p0 s1, s21  }
0x1ae: {  	s24 =	simm.s32 @!p0 $0x18000;
	s23 =	sadd.s32 @!p0 $0x100000, s21  }
0x1af: {  	[tilespmem:s24], [sflag:$0x6] =	stream.linear.gather @!p0 [hbm4b:s23+s22], $0x2000, $0x38;
	[tilespmem:$0x1E000] =	vst v63  }
0x1b0: {  	s20 =	sadd.s32 @!p0 s20, s18;
	s23 =	simm.s32 @!p0 $0x1A000  }
0x1b1: {  	[tilespmem:s23], [sflag:$0x6] =	stream.linear.gather @!p0 [hbm4b:s20+s22], $0x2000, $0x38;
	[tilespmem:$0x1E000] =	vst v63  }
0x1b2: {  	s20 =	sadd.s32 @!p0 $0x300000, s21;
	s21 =	simm.s32 @!p0 $0x1C000  }
0x1b3: {  	[tilespmem:s21], [sflag:$0x6] =	stream.linear.gather @!p0 [hbm4b:s20+s22], $0x2000, $0x38;
	[tilespmem:$0x1E000] =	vst v63  }
0x1b4: {  	s20 =	sadd.s32 @!p0 s8, s10  }
0x1b5: {  	s20 =	sshll.u32 @!p0 s20, $0x7  }
0x1b6: {  	s20 =	sadd.s32 @!p0 s3, s20  }
0x1b7: {  	[tilespmem:s22], [sflag:$0x1] =	stream.linear.gather @!p0 [hbm4b:s20+s22], $0x2000, $0x38;
	[tilespmem:$0x1E000] =	vst v63  }
0x1b8: {  	_ =	swait.ge [sflag:s14], $0x2000  }
0x1b9: {  	[sflag:s14] =	ssyncset.done $0x0  }
0x1ba: {  	[sflag:s14] =	ssyncadd.s32 $0xFFFFE000  }
0x1bb: {  	_ =	swait.ge [sflag:s15], $0x2000  }
0x1bc: {  	[sflag:s15] =	ssyncset.done $0x0  }
0x1bd: {  	[sflag:s15] =	ssyncadd.s32 $0xFFFFE000  }
0x1be: {  	_ =	swait.ge [sflag:s15], $0x2000  }
0x1bf: {  	[sflag:s15] =	ssyncset.done $0x0  }
0x1c0: {  	[sflag:s15] =	ssyncadd.s32 $0xFFFFE000  }
0x1c1: {  	_ =	swait.ge [sflag:s15], $0x2000  }
0x1c2: {  	[sflag:s15] =	ssyncset.done $0x0  }
0x1c3: {  	s24 =	simm.s32 $0x0;
	[sflag:s15] =	ssyncadd.s32 $0xFFFFE000  }
0x1c4: {  	s25 =	sand.u32 $0x40, s24;
	s26 =	sand.u32 $0x1C00, s24;
	_ =	swait.ge [sflag:s15], $0x2000  }
0x1c5: {  	s21 =	sor.u32 s25, s26;
	s20 =	sand.u32 $0x380, s24;
	[sflag:s15] =	ssyncset.done $0x0  }
0x1c6: {  	s20 =	sor.u32 s20, s21;
	[sflag:s15] =	ssyncadd.s32 $0xFFFFE000  }
0x1c7: {  	v2 =	vld [tilespmem:s20+$0x2000]  }
0x1c8: {  	v5 =	vld [tilespmem:s20+$0x2010]  }
0x1c9: {  	v1 =	vld [tilespmem:s20+$0x2020]  }
0x1ca: {  	v3 =	vld [tilespmem:s20+$0xE000]  }
0x1cb: {  	v4 =	vld [tilespmem:s20+$0x10000]  }
0x1cc: {  	v6 =	vld [tilespmem:s20+$0x12000]  }
0x1cd: {  	v7 =	vld [tilespmem:s20+$0x14000]  }
0x1ce: {  	v8 =	vld [tilespmem:s20+$0xE010]  }
0x1cf: {  	v9 =	vld [tilespmem:s20+$0x10010]  }
0x1d0: {  	v0 =	vld [tilespmem:s20+$0x2030];
	v3 =	vadd.f32 v3, v2  }
0x1d1: {  	v10 =	vld [tilespmem:s20+$0x12010];
	v4 =	vadd.f32 v4, v2  }
0x1d2: {  	v11 =	vld [tilespmem:s20+$0x14010];
	[tilespmem:s20+$0xE000] =	vst v3;
	v3 =	vadd.f32 v6, v2  }
0x1d3: {  	[tilespmem:s20+$0x10000] =	vst v4;
	v6 =	vld [tilespmem:s20+$0xE020];
	v2 =	vadd.f32 v7, v2  }
0x1d4: {  	v7 =	vadd.f32 v8, v5;
	v8 =	vadd.f32 v9, v5;
	[tilespmem:s20+$0x12000] =	vst v3;
	v3 =	vld [tilespmem:s20+$0x10020]  }
0x1d5: {  	v4 =	vld [tilespmem:s20+$0x12020];
	[tilespmem:s20+$0x14000] =	vst v2  }
0x1d6: {  	v2 =	vld [tilespmem:s20+$0x14020];
	[tilespmem:s20+$0x10010] =	vst v8;
	v8 =	vadd.f32 v10, v5  }
0x1d7: {  	s23 =	simm.s32 $0x8;
	s22 =	simm.s32 $0x200;
	s21 =	simm.s32 $0x40;
	[tilespmem:s20+$0xE010] =	vst v7;
	v7 =	vadd.f32 v11, v5;
	v5 =	vld [tilespmem:s20+$0xE030]  }
.LBB2_11:
0x1d8: {  	s24 =	sand.u32 $0x40, s21;
	s25 =	sand.u32 $0x1C00, s22;
	p1 =	sne.s32 s23, $0x3F8;
	[tilespmem:s20+$0x12010] =	vst v8;
	v6 =	vadd.f32 v6, v1;
	v8 =	vld [tilespmem:s20+$0x10030]  }
0x1d9: {  	s26 =	sand.u32 $0x380, s23;
	s24 =	sor.u32 s24, s25;
	[tilespmem:s20+$0x14010] =	vst v7;
	v3 =	vadd.f32 v3, v1;
	v7 =	vld [tilespmem:s20+$0x12030]  }
0x1da: {  	s24 =	sor.u32 s26, s24;
	[tilespmem:s20+$0xE020] =	vst v6;
	v4 =	vadd.f32 v4, v1;
	v6 =	vld [tilespmem:s20+$0x14030]  }
0x1db: {  	v9 =	vld [tilespmem:s24+$0x2000];
	[tilespmem:s20+$0x10020] =	vst v3;
	v2 =	vadd.f32 v2, v1  }
0x1dc: {  	v10 =	vld [tilespmem:s24+$0x2010];
	[tilespmem:s20+$0x12020] =	vst v4;
	v3 =	vadd.f32 v5, v0  }
0x1dd: {  	v1 =	vld [tilespmem:s24+$0x2020];
	[tilespmem:s20+$0x14020] =	vst v2;
	v2 =	vadd.f32 v8, v0  }
0x1de: {  	v4 =	vld [tilespmem:s24+$0x2030];
	[tilespmem:s20+$0xE030] =	vst v3;
	v3 =	vadd.f32 v7, v0  }
0x1df: {  	v5 =	vld [tilespmem:s24+$0xE000];
	[tilespmem:s20+$0x10030] =	vst v2;
	v0 =	vadd.f32 v6, v0  }
0x1e0: {  	v2 =	vld [tilespmem:s24+$0x10000];
	[tilespmem:s20+$0x12030] =	vst v3  }
0x1e1: {  	v3 =	vld [tilespmem:s24+$0x12000];
	[tilespmem:s20+$0x14030] =	vst v0;
	s20 =	smov.u32 s24  }
0x1e2: {  	v6 =	vld [tilespmem:s20+$0x14000]  }
0x1e3: {  	v7 =	vld [tilespmem:s20+$0xE010];
	v0 =	vmov v4  }
0x1e4: {  	v4 =	vadd.f32 v5, v9;
	v5 =	vld [tilespmem:s20+$0x10010]  }
0x1e5: {  	v2 =	vadd.f32 v2, v9;
	v8 =	vld [tilespmem:s20+$0x12010]  }
0x1e6: {  	[tilespmem:s20+$0xE000] =	vst v4;
	v3 =	vadd.f32 v3, v9;
	v11 =	vld [tilespmem:s20+$0x14010]  }
.Ltmp6:
0x1e7: {  	[tilespmem:s20+$0x10000] =	vst v2;
	v2 =	vadd.f32 v6, v9;
	v6 =	vld [tilespmem:s20+$0xE020];
	(pc) =	sbr.rel @p1 .LBB2_11-.Ltmp6, $4  }
0x1e8: {  	[tilespmem:s20+$0x12000] =	vst v3;
	v7 =	vadd.f32 v7, v10;
	v3 =	vld [tilespmem:s20+$0x10020]  }
0x1e9: {  	[tilespmem:s20+$0x14000] =	vst v2;
	v5 =	vadd.f32 v5, v10;
	v4 =	vld [tilespmem:s20+$0x12020]  }
0x1ea: {  	[tilespmem:s20+$0xE010] =	vst v7;
	v8 =	vadd.f32 v8, v10;
	v2 =	vld [tilespmem:s20+$0x14020]  }
0x1eb: {  	s21 =	sadd.s32 $0x40, s21;
	s22 =	sadd.s32 $0x200, s22;
	s23 =	sadd.s32 $0x8, s23;
	[tilespmem:s20+$0x10010] =	vst v5;
	v7 =	vadd.f32 v11, v10;
	v5 =	vld [tilespmem:s20+$0xE030]  }
0x1ec: {  	[tilespmem:s20+$0x12010] =	vst v8;
	v56 =	vld [tilespmem:s20+$0x10030];
	v6 =	vadd.f32 v6, v1  }
0x1ed: {  	v57 =	vld [tilespmem:s20+$0x12030];
	[tilespmem:s20+$0x14010] =	vst v7;
	v3 =	vadd.f32 v3, v1  }
0x1ee: {  	v58 =	vld [tilespmem:s20+$0x14030];
	[tilespmem:s20+$0xE020] =	vst v6;
	v4 =	vadd.f32 v4, v1  }
0x1ef: {  	[tilespmem:s20+$0x10020] =	vst v3;
	v59 =	vadd.f32 v2, v1  }
0x1f0: {  	[tilespmem:s20+$0x12020] =	vst v4;
	v60 =	vadd.f32 v5, v0  }
0x1f1: {  	[tilespmem:s20+$0x14020] =	vst v59;
	v61 =	vadd.f32 v56, v0  }
0x1f2: {  	v62 =	vadd.f32 v57, v0;
	[tilespmem:s20+$0xE030] =	vst v60  }
0x1f3: {  	v63 =	vadd.f32 v58, v0;
	[tilespmem:s20+$0x10030] =	vst v61  }
0x1f4: {  	[tilespmem:s20+$0x12030] =	vst v62  }
0x1f5: {  	s25 =	sadd.s32 s4, s31;
	s23 =	simm.s32 $0xE000;
	[tilespmem:s20+$0x14030] =	vst v63  }
0x1f6: {  	[hbm4b:s25+s5] =	stream.linear.scatter [tilespmem:s23], [sflag:$0x8], $0x2000, $0x38;
	[tilespmem:$0x1E000] =	vst v63  }
0x1f7: {  	s0 =	sadd.s32 s4, s0;
	s24 =	simm.s32 $0x10000  }
0x1f8: {  	[hbm4b:s0+s5] =	stream.linear.scatter [tilespmem:s24], [sflag:$0x8], $0x2000, $0x38;
	[tilespmem:$0x1E000] =	vst v63  }
0x1f9: {  	s26 =	sadd.s32 s4, s2;
	s25 =	simm.s32 $0x12000  }
0x1fa: {  	[hbm4b:s26+s5] =	stream.linear.scatter [tilespmem:s25], [sflag:$0x8], $0x2000, $0x38;
	[tilespmem:$0x1E000] =	vst v63  }
0x1fb: {  	s31 =	sadd.s32 s4, s7;
	s26 =	simm.s32 $0x14000  }
0x1fc: {  	[hbm4b:s31+s5] =	stream.linear.scatter [tilespmem:s26], [sflag:$0x8], $0x2000, $0x38;
	[tilespmem:$0x1E000] =	vst v63  }
0x1fd: {  	_ =	swait.ge [sflag:s16], $0x2000  }
0x1fe: {  	[sflag:s16] =	ssyncset.done $0x0  }
0x1ff: {  	[sflag:s16] =	ssyncadd.s32 $0xFFFFE000  }
0x200: {  	_ =	swait.ge [sflag:s16], $0x2000  }
0x201: {  	[sflag:s16] =	ssyncset.done $0x0  }
0x202: {  	[sflag:s16] =	ssyncadd.s32 $0xFFFFE000  }
0x203: {  	_ =	swait.ge [sflag:s16], $0x2000  }
.Ltmp7:
0x204: {  	[sflag:s16] =	ssyncset.done $0x0;
	(pc) =	sbr.rel @p0 .LBB2_14-.Ltmp7, $4  }
0x205: {  	[sflag:s16] =	ssyncadd.s32 $0xFFFFE000  }
0x206: {  	_ =	swait.ge [sflag:s16], $0x2000  }
0x207: {  	[sflag:s16] =	ssyncset.done $0x0  }
0x208: {  	[sflag:s16] =	ssyncadd.s32 $0xFFFFE000  }
0x209: {  	s0 =	sadd.s32 s8, s10  }
0x20a: {  	s0 =	sshll.u32 s0, $0x7  }
0x20b: {  	s2 =	sadd.s32 s1, s0;
	s7 =	sand.u32 $0x1FFFFF80, s0  }
0x20c: {  	[tilespmem:s28], [sflag:$0x4] =	stream.linear.gather [hbm4b:s2+s5], $0x2000, $0x38;
	[tilespmem:$0x1E000] =	vst v63  }
0x20d: {  	s2 =	sadd.s32 s1, s7  }
0x20e: {  	s20 =	simm.s32 $0x8000;
	s28 =	sld [smem:$0x7F7];
	s7 =	sadd.s32 $0x100000, s2  }
0x20f: {  	[tilespmem:s20], [sflag:$0x4] =	stream.linear.gather [hbm4b:s7+s5], $0x2000, $0x38;
	[tilespmem:$0x1E000] =	vst v63  }
0x210: {  	s0 =	sadd.s32 s0, s18;
	s20 =	simm.s32 $0xA000  }
0x211: {  	[tilespmem:s20], [sflag:$0x4] =	stream.linear.gather [hbm4b:s0+s5], $0x2000, $0x38;
	[tilespmem:$0x1E000] =	vst v63  }
.Ltmp8:
0x212: {  	s0 =	sadd.s32 s8, s28;
	(pc) =	sbr.rel .LBB2_6-.Ltmp8, $4  }
0x213: {  	s22 =	simm.s32 $0xC000;
	s21 =	sadd.s32 $0x300000, s2;
	s0 =	sshll.u32 s0, $0x7  }
0x214: {  	[tilespmem:s22], [sflag:$0x4] =	stream.linear.gather [hbm4b:s21+s5], $0x2000, $0x38;
	[tilespmem:$0x1E000] =	vst v63  }
0x215: {  	s31 =	simm.s32 $0x2000;
	s13 =	sadd.s32 $0x1, s13;
	s0 =	sadd.s32 s3, s0  }
0x216: {  	[tilespmem:s31], [sflag:$0x2] =	stream.linear.gather [hbm4b:s0+s5], $0x2000, $0x38;
	[tilespmem:$0x1E000] =	vst v63  }
.LBB2_15:
0x217: {  	_ =	sfence.sel $0x180000  }
0x218: {  	[bflag:$0x0] =	sbarrier.arrive $0xFFFF  }
0x219: {  	_ =	strace $0x90000047  }
0x21a: {  	s0 =	stileid.u32;
	[bflag:$0x2] =	sbarrier.arrive $0xFFFF  }
0x21b: {  	p0 =	sne.s32 s0, $0x0;
	s0 =	rddreg [dreg:$0x3]  }
0x21c: {  	s0 =	sadd.s32 @!p0 $0x100000, s0  }
0x21d: {  	[sflag:s0] =	ssyncadd.tile.s32 @!p0 $0x1;
	_ =	shalt  }
.Lfunc_end2:
_tile_overlayer_lowered:
.L_overlay_start_2:
0x21e: {  	(tag) =	ssettag $0x2  }
0x21f: {  	s0 =	rddreg [dreg:$0x0];
	s2 =	stileid.u32  }
0x220: {  	s1 =	rddreg [dreg:$0x1];
	p0 =	sne.s32 s2, $0x0  }
0x221: {  	s3 =	rddreg [dreg:$0x2];
	[bflag:$0x3] =	sbarrier.arrive $0xFFFF;
	s2 =	simm.s32 @!p0 $0x1C0A  }
0x222: {  	[timem:s3], [sflag:s2] =	dma.local @!p0 [hbm:s0], s1  }
0x223: {  	s0 =	simm.s32 @!p0 $0xA  }
0x224: {  	_ =	swait.ge @!p0 [sflag:s0], s1  }
0x225: {  	s1 =	ssub.s32 @!p0 $0x0, s1;
	[sflag:s0] =	ssyncset.done @!p0 $0x0  }
0x226: {  	[sflag:s0] =	ssyncadd.s32 @!p0 s1  }
0x227: {  	[bflag:$0x3] =	sbarrier.arrive $0xFFFF  }
0x228: {  	_ =	shalt  }

</sc_bundles>
